<compile_context>
chip_gen: v7x
topology: tpu7x:2x2x1
jax: 0.10.2.dev20260603
libtpu: 0.0.44.dev20260713+nightly
codegen_flags: <defaults>
</compile_context>

<pallas_src>
import jax
import jax.numpy as jnp
from jax import lax
from jax.experimental import pallas as pl
from jax.experimental.pallas import tpu as pltpu
from jax.experimental.pallas import tpu_sc as plsc

N = 10000
NP = 10240
E = 320000
HID = 128
HEADS = 8
HD = 16
NUM_CLASSES = 16
MSGW = 144

NC = 2
NS = 16
NW = NC * NS
EPW = E // NW
CHUNK = 40
ROWS_PER_TILE = NP // NS
RCHUNK = 40
NRCHUNK = ROWS_PER_TILE // RCHUNK
CHUNK_R = 80

_vec_mesh = plsc.VectorSubcoreMesh(core_axis_name="c", subcore_axis_name="s")

_sc_params = pltpu.CompilerParams(needs_layout_passes=False,
                                  use_tc_tiling_on_sc=False)

_GATHER_DNUMS = lax.GatherDimensionNumbers(
    offset_dims=(), collapsed_slice_dims=(0,), start_index_map=(0,))


def _lane_gather(vec, idx):
    return lax.gather(vec, idx[:, None], _GATHER_DNUMS, slice_sizes=(1,),
                      mode=lax.GatherScatterMode.PROMISE_IN_BOUNDS)


def _node_body(x_ref, wn_ref, bn_ref, wq_ref, bq_ref, wk_ref, bk_ref,
               wv_ref, bv_ref, ws_ref, bs_ref, qd_ref, kv_ref, skip_ref):
    h = jnp.dot(x_ref[...], wn_ref[...], preferred_element_type=jnp.float32) + bn_ref[...]
    q = jnp.dot(h, wq_ref[...], preferred_element_type=jnp.float32) + bq_ref[...]
    qd_ref[...] = q * 0.25
    kv_ref[:, :HID] = jnp.dot(h, wk_ref[...], preferred_element_type=jnp.float32) + bk_ref[...]
    kv_ref[:, HID:] = jnp.dot(h, wv_ref[...], preferred_element_type=jnp.float32) + bv_ref[...]
    skip_ref[...] = jnp.dot(h, ws_ref[...], preferred_element_type=jnp.float32) + bs_ref[...]


def _edge_emb_body(ea_ref, we_ref, be_ref, e_ref):
    e_ref[...] = jnp.dot(ea_ref[...], we_ref[...], preferred_element_type=jnp.float32) + be_ref[...]


def _sc_edge_pass(qd_hbm, kv_hbm, e_hbm, ei_hbm, part_hbm,
                  srcA, srcB, dstA, dstB, qbuf, kvA, kvB, ebuf, msgbuf, acc,
                  semIA, semIB, semKA, semKB, semQ):
    cid = lax.axis_index("c")
    sid = lax.axis_index("s")
    wid = sid * NC + cid
    wbase = wid * EPW
    row0 = sid * ROWS_PER_TILE

    lane = lax.iota(jnp.int32, 16)
    idx15 = jnp.full((16,), 15, jnp.int32)

    @pl.loop(0, RCHUNK)
    def _zrow(i):
        for c in range(MSGW // 16):
            msgbuf[i, pl.ds(c * 16, 16)] = jnp.zeros((16,), jnp.float32)

    @pl.loop(0, NRCHUNK)
    def _zcopy(r):
        pltpu.sync_copy(msgbuf, acc.at[pl.ds(row0 + r * RCHUNK, RCHUNK)])

    plsc.subcore_barrier()

    NPAIR = EPW // (2 * CHUNK)

    def _idx_fire(base, sbuf, dbuf, semx):
        pltpu.async_copy(ei_hbm.at[0, pl.ds(base, CHUNK)], sbuf, semx)
        pltpu.async_copy(ei_hbm.at[1, pl.ds(base, CHUNK)], dbuf, semx)

    def _idx_drain(base, sbuf, dbuf, semx):
        pltpu.make_async_copy(ei_hbm.at[0, pl.ds(base, CHUNK)], sbuf, semx).wait()
        pltpu.make_async_copy(ei_hbm.at[1, pl.ds(base, CHUNK)], dbuf, semx).wait()

    def _compute(kvbuf, dbuf):
        @pl.loop(0, CHUNK, step=2)
        def _edge(i):
            for u in range(2):
                ii = i + u
                ke = []
                ve = []
                for h in range(HEADS):
                    sl = pl.ds(h * HD, HD)
                    kvv = kvbuf[ii, sl]
                    ev = ebuf[pl.ds(ii * HID + h * HD, HD)]
                    vv = kvbuf[ii, pl.ds(HID + h * HD, HD)]
                    ke.append(qbuf[ii, sl] * (kvv + ev))
                    ve.append(vv + ev)
                cs = [jnp.cumsum(t) for t in ke]
                sv = [_lane_gather(csx, idx15) for csx in cs]
                ex = [jnp.exp(s) for s in sv]
                w = [jnp.where(lane == h, ex[h], 0.0) for h in range(HEADS)]
                for h in range(HEADS):
                    msgbuf[ii, pl.ds(h * HD, HD)] = ex[h] * ve[h]
                w4 = [w[0] + w[1], w[2] + w[3], w[4] + w[5], w[6] + w[7]]
                msgbuf[ii, pl.ds(HID, 16)] = (w4[0] + w4[1]) + (w4[2] + w4[3])

        pltpu.sync_copy(msgbuf, acc.at[dbuf], add=True)

    _idx_fire(wbase, srcA, dstA, semIA)
    _idx_drain(wbase, srcA, dstA, semIA)
    pltpu.async_copy(kv_hbm.at[srcA], kvA, semKA)
    _idx_fire(wbase + CHUNK, srcB, dstB, semIB)

    @pl.loop(0, NPAIR)
    def _pair(p):
        baseA = pl.multiple_of(wbase + p * 2 * CHUNK, 8)
        baseB = pl.multiple_of(baseA + CHUNK, 8)
        pltpu.async_copy(qd_hbm.at[dstA], qbuf, semQ)
        pltpu.async_copy(e_hbm.at[pl.ds(baseA * HID, CHUNK * HID)], ebuf, semQ)
        _idx_drain(baseB, srcB, dstB, semIB)
        pltpu.async_copy(kv_hbm.at[srcB], kvB, semKB)
        pltpu.make_async_copy(kv_hbm.at[srcA], kvA, semKA).wait()
        pltpu.make_async_copy(qd_hbm.at[dstA], qbuf, semQ).wait()
        pltpu.make_async_copy(e_hbm.at[pl.ds(baseA * HID, CHUNK * HID)], ebuf, semQ).wait()
        _compute(kvA, dstA)

        @pl.when(p < NPAIR - 1)
        def _pfA():
            _idx_fire(baseA + 2 * CHUNK, srcA, dstA, semIA)

        pltpu.async_copy(qd_hbm.at[dstB], qbuf, semQ)
        pltpu.async_copy(e_hbm.at[pl.ds(baseB * HID, CHUNK * HID)], ebuf, semQ)
        pltpu.make_async_copy(kv_hbm.at[srcB], kvB, semKB).wait()
        pltpu.make_async_copy(qd_hbm.at[dstB], qbuf, semQ).wait()
        pltpu.make_async_copy(e_hbm.at[pl.ds(baseB * HID, CHUNK * HID)], ebuf, semQ).wait()
        _compute(kvB, dstB)

        @pl.when(p < NPAIR - 1)
        def _pfB():
            _idx_drain(baseA + 2 * CHUNK, srcA, dstA, semIA)
            pltpu.async_copy(kv_hbm.at[srcA], kvA, semKA)
            _idx_fire(baseB + 2 * CHUNK, srcB, dstB, semIB)

    plsc.subcore_barrier()

    @pl.loop(0, NRCHUNK)
    def _dump(r):
        rr = pl.multiple_of(row0 + r * RCHUNK, 8)
        pltpu.sync_copy(acc.at[pl.ds(rr, RCHUNK)], msgbuf)
        pltpu.sync_copy(msgbuf, part_hbm.at[cid, pl.ds(rr, RCHUNK)])


def _combine_body(p0_ref, p1_ref, skip_ref, wo_ref, bo_ref, p_ref):
    agg = p0_ref[0, :, :HID] + p1_ref[0, :, :HID]
    den = p0_ref[0, :, HID:HID + 16] + p1_ref[0, :, HID:HID + 16]
    j_iota = lax.broadcasted_iota(jnp.int32, (16, HID), 0)
    c_iota = lax.broadcasted_iota(jnp.int32, (16, HID), 1)
    expand = (c_iota // HD == j_iota).astype(jnp.float32)
    den_exp = jnp.dot(den, expand, preferred_element_type=jnp.float32)
    h2 = agg / (den_exp + 1e-16) + skip_ref[...]
    p_ref[...] = jnp.dot(h2, wo_ref[...], preferred_element_type=jnp.float32) + bo_ref[...]


def _sc_readout(p_hbm, ei_hbm, out_hbm, srcA, srcB, dstA, dstB,
                aA, bA, aB, bB, semIA, semIB, semA, semB):
    cid = lax.axis_index("c")
    sid = lax.axis_index("s")
    wid = sid * NC + cid
    wbase = wid * EPW
    NPAIR_R = EPW // (2 * CHUNK_R)

    def _ifire(base, sb, db, semx):
        pltpu.async_copy(ei_hbm.at[0, pl.ds(base, CHUNK_R)], sb, semx)
        pltpu.async_copy(ei_hbm.at[1, pl.ds(base, CHUNK_R)], db, semx)

    def _idrain(base, sb, db, semx):
        pltpu.make_async_copy(ei_hbm.at[0, pl.ds(base, CHUNK_R)], sb, semx).wait()
        pltpu.make_async_copy(ei_hbm.at[1, pl.ds(base, CHUNK_R)], db, semx).wait()

    def _gfire(sb, db, a, b, semx):
        pltpu.async_copy(p_hbm.at[sb], a, semx)
        pltpu.async_copy(p_hbm.at[db], b, semx)

    def _gdrain(sb, db, a, b, semx):
        pltpu.make_async_copy(p_hbm.at[sb], a, semx).wait()
        pltpu.make_async_copy(p_hbm.at[db], b, semx).wait()

    def _addout(a, b, base):
        @pl.loop(0, CHUNK_R, step=4)
        def _edge(i):
            for u in range(4):
                a[i + u, :] = a[i + u, :] + b[i + u, :]

        pltpu.sync_copy(a, out_hbm.at[pl.ds(base, CHUNK_R)])

    _ifire(wbase, srcA, dstA, semIA)
    _idrain(wbase, srcA, dstA, semIA)
    _gfire(srcA, dstA, aA, bA, semA)
    _ifire(wbase + CHUNK_R, srcB, dstB, semIB)

    @pl.loop(0, NPAIR_R)
    def _pair(p):
        baseA = pl.multiple_of(wbase + p * 2 * CHUNK_R, 8)
        baseB = pl.multiple_of(baseA + CHUNK_R, 8)
        _idrain(baseB, srcB, dstB, semIB)
        _gfire(srcB, dstB, aB, bB, semB)
        _gdrain(srcA, dstA, aA, bA, semA)
        _addout(aA, bA, baseA)
        _ifire(baseA + 2 * CHUNK_R, srcA, dstA, semIA)
        _gdrain(srcB, dstB, aB, bB, semB)
        _addout(aB, bB, baseB)
        _idrain(baseA + 2 * CHUNK_R, srcA, dstA, semIA)
        _gfire(srcA, dstA, aA, bA, semA)

        @pl.when(p < NPAIR_R - 1)
        def _pf():
            _ifire(baseB + 2 * CHUNK_R, srcB, dstB, semIB)

    _gdrain(srcA, dstA, aA, bA, semA)
    _addout(aA, bA, wbase + 2 * NPAIR_R * CHUNK_R)


def kernel(x, edge_index, edge_attr, W_node, b_node, W_edge, b_edge, W_q, b_q,
           W_k, b_k, W_v, b_v, W_skip, b_skip, W_out, b_out):
    B1 = 1000
    qd, kv, skip = pl.pallas_call(
        _node_body,
        grid=(N // B1,),
        in_specs=[pl.BlockSpec((B1, HID), lambda i: (i, 0))]
        + [pl.BlockSpec((HID, HID), lambda i: (0, 0)), pl.BlockSpec((1, HID), lambda i: (0, 0))] * 5,
        out_specs=[
            pl.BlockSpec((B1, HID), lambda i: (i, 0)),
            pl.BlockSpec((B1, 2 * HID), lambda i: (i, 0)),
            pl.BlockSpec((B1, HID), lambda i: (i, 0)),
        ],
        out_shape=[
            jax.ShapeDtypeStruct((N, HID), jnp.float32),
            jax.ShapeDtypeStruct((N, 2 * HID), jnp.float32),
            jax.ShapeDtypeStruct((N, HID), jnp.float32),
        ],
    )(x, W_node.T, b_node[None, :], W_q.T, b_q[None, :], W_k.T, b_k[None, :],
      W_v.T, b_v[None, :], W_skip.T, b_skip[None, :])

    BE = 8000
    e = pl.pallas_call(
        _edge_emb_body,
        grid=(E // BE,),
        in_specs=[
            pl.BlockSpec((BE, 16), lambda i: (i, 0)),
            pl.BlockSpec((16, HID), lambda i: (0, 0)),
            pl.BlockSpec((1, HID), lambda i: (0, 0)),
        ],
        out_specs=pl.BlockSpec((BE, HID), lambda i: (i, 0)),
        out_shape=jax.ShapeDtypeStruct((E, HID), jnp.float32),
    )(edge_attr, W_edge.T, b_edge[None, :])

    part = pl.kernel(
        _sc_edge_pass,
        out_type=jax.ShapeDtypeStruct((NC, NP, MSGW), jnp.float32),
        mesh=_vec_mesh,
        scratch_types=[
            pltpu.VMEM((CHUNK,), jnp.int32),
            pltpu.VMEM((CHUNK,), jnp.int32),
            pltpu.VMEM((CHUNK,), jnp.int32),
            pltpu.VMEM((CHUNK,), jnp.int32),
            pltpu.VMEM((CHUNK, HID), jnp.float32),
            pltpu.VMEM((CHUNK, 2 * HID), jnp.float32),
            pltpu.VMEM((CHUNK, 2 * HID), jnp.float32),
            pltpu.VMEM((CHUNK * HID,), jnp.float32),
            pltpu.VMEM((CHUNK, MSGW), jnp.float32),
            pltpu.VMEM_SHARED((NP, MSGW), jnp.float32),
            pltpu.SemaphoreType.DMA,
            pltpu.SemaphoreType.DMA,
            pltpu.SemaphoreType.DMA,
            pltpu.SemaphoreType.DMA,
            pltpu.SemaphoreType.DMA,
        ],
        compiler_params=_sc_params,
    )(qd, kv, e.reshape(-1), edge_index)

    B3 = 1000
    P = pl.pallas_call(
        _combine_body,
        grid=(N // B3,),
        in_specs=[
            pl.BlockSpec((1, B3, MSGW), lambda i: (0, i, 0)),
            pl.BlockSpec((1, B3, MSGW), lambda i: (1, i, 0)),
            pl.BlockSpec((B3, HID), lambda i: (i, 0)),
            pl.BlockSpec((HID, NUM_CLASSES), lambda i: (0, 0)),
            pl.BlockSpec((1, NUM_CLASSES), lambda i: (0, 0)),
        ],
        out_specs=pl.BlockSpec((B3, NUM_CLASSES), lambda i: (i, 0)),
        out_shape=jax.ShapeDtypeStruct((N, NUM_CLASSES), jnp.float32),
    )(part, part, skip, W_out.T, 0.5 * b_out[None, :])

    edge_preds = pl.kernel(
        _sc_readout,
        out_type=jax.ShapeDtypeStruct((E, NUM_CLASSES), jnp.float32),
        mesh=_vec_mesh,
        scratch_types=[
            pltpu.VMEM((CHUNK_R,), jnp.int32),
            pltpu.VMEM((CHUNK_R,), jnp.int32),
            pltpu.VMEM((CHUNK_R,), jnp.int32),
            pltpu.VMEM((CHUNK_R,), jnp.int32),
            pltpu.VMEM((CHUNK_R, NUM_CLASSES), jnp.float32),
            pltpu.VMEM((CHUNK_R, NUM_CLASSES), jnp.float32),
            pltpu.VMEM((CHUNK_R, NUM_CLASSES), jnp.float32),
            pltpu.VMEM((CHUNK_R, NUM_CLASSES), jnp.float32),
            pltpu.SemaphoreType.DMA,
            pltpu.SemaphoreType.DMA,
            pltpu.SemaphoreType.DMA,
            pltpu.SemaphoreType.DMA,
        ],
        compiler_params=_sc_params,
    )(P, edge_index)

    return edge_preds

# --- scband reference (transcript-rebuilt; emitter-appended) ---
"""Pipeline reference for scband-graphormer-85358180041573 (READ-ONLY COPY).

The authoritative reference and input builder live on the scoring server;
editing this copy changes nothing except your own understanding.
"""

import jax, jax.numpy as jnp
import numpy as np
import math

N = 10000
E = 320000
IN_FEATS = 128
HID = 128
HEADS = 8
HD = HID // HEADS  # 16
EDGE_FEAT = 16
NUM_CLASSES = 16


def _lin_init(key, out_dim, in_dim):
    kw, kb = jax.random.split(key)
    bound = 1.0 / math.sqrt(in_dim)
    W = jax.random.uniform(kw, (out_dim, in_dim), jnp.float32, -bound, bound)
    b = jax.random.uniform(kb, (out_dim,), jnp.float32, -bound, bound)
    return W, b


def setup_inputs(seed: int = 0) -> dict:
    key = jax.random.key(seed)
    ks = jax.random.split(key, 10)
    x = jax.random.normal(ks[0], (N, IN_FEATS), jnp.float32)
    edge_index = jax.random.randint(ks[1], (2, E), 0, N, dtype=jnp.int32)
    edge_attr = jax.random.normal(ks[2], (E, EDGE_FEAT), jnp.float32)
    W_node, b_node = _lin_init(ks[3], HID, IN_FEATS)
    W_edge, b_edge = _lin_init(ks[4], HID, EDGE_FEAT)
    W_q, b_q = _lin_init(ks[5], HID, HID)
    W_k, b_k = _lin_init(ks[6], HID, HID)
    W_v, b_v = _lin_init(ks[7], HID, HID)
    W_skip, b_skip = _lin_init(ks[8], HID, HID)
    W_out, b_out = _lin_init(ks[9], NUM_CLASSES, HID)
    return {"x": x, "edge_index": edge_index, "edge_attr": edge_attr,
            "W_node": W_node, "b_node": b_node, "W_edge": W_edge, "b_edge": b_edge,
            "W_q": W_q, "b_q": b_q, "W_k": W_k, "b_k": b_k, "W_v": W_v, "b_v": b_v,
            "W_skip": W_skip, "b_skip": b_skip, "W_out": W_out, "b_out": b_out}


def reference(x, edge_index, edge_attr, W_node, b_node, W_edge, b_edge,
              W_q, b_q, W_k, b_k, W_v, b_v, W_skip, b_skip, W_out, b_out):
    src = edge_index[0]
    dst = edge_index[1]
    # node_emb / edge_emb
    h = x @ W_node.T + b_node  # [N, HID]
    e = (edge_attr @ W_edge.T + b_edge).reshape(E, HEADS, HD)  # [E, H, C]
    # TransformerConv (concat=True, root_weight=True, beta=False)
    q = (h @ W_q.T + b_q).reshape(N, HEADS, HD)
    k = (h @ W_k.T + b_k).reshape(N, HEADS, HD)
    v = (h @ W_v.T + b_v).reshape(N, HEADS, HD)
    k_j = k[src] + e                      # [E, H, C]
    q_i = q[dst]                          # [E, H, C]
    alpha = (q_i * k_j).sum(-1) / math.sqrt(HD)  # [E, H]
    # softmax over incoming edges per destination node
    amax = jax.ops.segment_max(alpha, dst, num_segments=N)  # [N, H]
    amax = jnp.where(jnp.isfinite(amax), amax, 0.0)
    ex = jnp.exp(alpha - amax[dst])
    denom = jax.ops.segment_sum(ex, dst, num_segments=N)    # [N, H]
    alpha = ex / (denom[dst] + 1e-16)
    # NOTE: dropout is identity in eval mode
    msg = (v[src] + e) * alpha[..., None]  # [E, H, C]
    agg = jax.ops.segment_sum(msg, dst, num_segments=N).reshape(N, HID)
    h2 = agg + (h @ W_skip.T + b_skip)
    # edge readout
    edge_out = h2[src] + h2[dst]          # [E, HID]
    edge_preds = edge_out @ W_out.T + b_out  # [E, NUM_CLASSES]
    return edge_preds

if __name__ == "__main__":
    import jax
    _d = setup_inputs()
    print(jax.jit(kernel)(*tuple(_d.values())))

</pallas_src>

<mosaic_0001>
#map = affine_map<(d0, d1) -> (0, 0)>
module attributes {stable_mosaic.version = 14 : i64} {
  func.func @_sc_readout(%arg0: i32, %arg1: i32, %arg2: memref<10000x16xf32, #tpu.memory_space<hbm>>, %arg3: memref<2x320000xi32, #tpu.memory_space<hbm>>, %arg4: memref<320000x16xf32, #tpu.memory_space<hbm>>, %arg5: memref<80xi32, #tpu.memory_space<vmem>>, %arg6: memref<80xi32, #tpu.memory_space<vmem>>, %arg7: memref<80xi32, #tpu.memory_space<vmem>>, %arg8: memref<80xi32, #tpu.memory_space<vmem>>, %arg9: memref<80x16xf32, #tpu.memory_space<vmem>>, %arg10: memref<80x16xf32, #tpu.memory_space<vmem>>, %arg11: memref<80x16xf32, #tpu.memory_space<vmem>>, %arg12: memref<80x16xf32, #tpu.memory_space<vmem>>, %arg13: memref<!tpu.dma_semaphore, #tpu.memory_space<semaphore_mem>>, %arg14: memref<!tpu.dma_semaphore, #tpu.memory_space<semaphore_mem>>, %arg15: memref<!tpu.dma_semaphore, #tpu.memory_space<semaphore_mem>>, %arg16: memref<!tpu.dma_semaphore, #tpu.memory_space<semaphore_mem>>) attributes {dimension_semantics = [#tpu.dimension_semantics<core_parallel>, #tpu.dimension_semantics<subcore_parallel>], iteration_bounds = array<i64: 2, 16>, scalar_prefetch = 0 : i64, scratch_operands = 12 : i64, tpu.core_type = #tpu.core_type<sc_vector_subcore>, window_params = [{transform_indices = #map}, {transform_indices = #map}, {transform_indices = #map}]} {
    %mul3A = arith.constant 2 : i32
    %mul3A_0 = arith.muli %arg1, %mul3A : i32
    %add3A = arith.addi %mul3A_0, %arg0 : i32
    %mul3A_1 = arith.constant 10000 : i32
    %mul3A_2 = arith.muli %add3A, %mul3A_1 : i32
    %dma_start3A = arith.constant 0 : i32
    %dma_start3A_3 = tpu.memref_slice %arg3[%dma_start3A, %mul3A_2] : memref<2x320000xi32, #tpu.memory_space<hbm>> -> memref<1x80xi32, #tpu.memory_space<hbm>>
    %dma_start3A_4 = tpu.memref_squeeze %dma_start3A_3 : memref<1x80xi32, #tpu.memory_space<hbm>> -> memref<80xi32, #tpu.memory_space<hbm>>
    %dma_start3A_5 = tpu.memref_slice %arg3[%dma_start3A, %mul3A_2] : memref<2x320000xi32, #tpu.memory_space<hbm>> -> memref<1x80xi32, #tpu.memory_space<hbm>>
    %dma_start3A_6 = tpu.memref_squeeze %dma_start3A_5 : memref<1x80xi32, #tpu.memory_space<hbm>> -> memref<80xi32, #tpu.memory_space<hbm>>
    tpu.enqueue_dma source(%dma_start3A_6 : memref<80xi32, #tpu.memory_space<hbm>>) target(%arg5 : memref<80xi32, #tpu.memory_space<vmem>>) target_semaphore(%arg13 : memref<!tpu.dma_semaphore, #tpu.memory_space<semaphore_mem>>)
    %dma_start3A_7 = arith.constant 1 : i32
    %dma_start3A_8 = tpu.memref_slice %arg3[%dma_start3A_7, %mul3A_2] : memref<2x320000xi32, #tpu.memory_space<hbm>> -> memref<1x80xi32, #tpu.memory_space<hbm>>
    %dma_start3A_9 = tpu.memref_squeeze %dma_start3A_8 : memref<1x80xi32, #tpu.memory_space<hbm>> -> memref<80xi32, #tpu.memory_space<hbm>>
    %dma_start3A_10 = tpu.memref_slice %arg3[%dma_start3A_7, %mul3A_2] : memref<2x320000xi32, #tpu.memory_space<hbm>> -> memref<1x80xi32, #tpu.memory_space<hbm>>
    %dma_start3A_11 = tpu.memref_squeeze %dma_start3A_10 : memref<1x80xi32, #tpu.memory_space<hbm>> -> memref<80xi32, #tpu.memory_space<hbm>>
    tpu.enqueue_dma source(%dma_start3A_11 : memref<80xi32, #tpu.memory_space<hbm>>) target(%arg7 : memref<80xi32, #tpu.memory_space<vmem>>) target_semaphore(%arg13 : memref<!tpu.dma_semaphore, #tpu.memory_space<semaphore_mem>>)
    %dma_wait3A = arith.constant 0 : i32
    %dma_wait3A_12 = tpu.memref_slice %arg3[%dma_wait3A, %mul3A_2] : memref<2x320000xi32, #tpu.memory_space<hbm>> -> memref<1x80xi32, #tpu.memory_space<hbm>>
    %dma_wait3A_13 = tpu.memref_squeeze %dma_wait3A_12 : memref<1x80xi32, #tpu.memory_space<hbm>> -> memref<80xi32, #tpu.memory_space<hbm>>
    %dma_wait3A_14 = tpu.memref_slice %arg3[%dma_wait3A, %mul3A_2] : memref<2x320000xi32, #tpu.memory_space<hbm>> -> memref<1x80xi32, #tpu.memory_space<hbm>>
    %dma_wait3A_15 = tpu.memref_squeeze %dma_wait3A_14 : memref<1x80xi32, #tpu.memory_space<hbm>> -> memref<80xi32, #tpu.memory_space<hbm>>
    tpu.wait_dma2 semaphore(%arg13 : memref<!tpu.dma_semaphore, #tpu.memory_space<semaphore_mem>>) src(%dma_wait3A_15 : memref<80xi32, #tpu.memory_space<hbm>>) dst(%arg5 : memref<80xi32, #tpu.memory_space<vmem>>)
    %dma_wait3A_16 = arith.constant 1 : i32
    %dma_wait3A_17 = tpu.memref_slice %arg3[%dma_wait3A_16, %mul3A_2] : memref<2x320000xi32, #tpu.memory_space<hbm>> -> memref<1x80xi32, #tpu.memory_space<hbm>>
    %dma_wait3A_18 = tpu.memref_squeeze %dma_wait3A_17 : memref<1x80xi32, #tpu.memory_space<hbm>> -> memref<80xi32, #tpu.memory_space<hbm>>
    %dma_wait3A_19 = tpu.memref_slice %arg3[%dma_wait3A_16, %mul3A_2] : memref<2x320000xi32, #tpu.memory_space<hbm>> -> memref<1x80xi32, #tpu.memory_space<hbm>>
    %dma_wait3A_20 = tpu.memref_squeeze %dma_wait3A_19 : memref<1x80xi32, #tpu.memory_space<hbm>> -> memref<80xi32, #tpu.memory_space<hbm>>
    tpu.wait_dma2 semaphore(%arg13 : memref<!tpu.dma_semaphore, #tpu.memory_space<semaphore_mem>>) src(%dma_wait3A_20 : memref<80xi32, #tpu.memory_space<hbm>>) dst(%arg7 : memref<80xi32, #tpu.memory_space<vmem>>)
    %dma_start3A_21 = arith.constant 0 : i32
    %dma_start3A_22 = arith.constant 0 : i32
    %dma_start3A_23 = tpu.memref_slice %arg2[%dma_start3A_21, %dma_start3A_22] : memref<10000x16xf32, #tpu.memory_space<hbm>> -> memref<10000x16xf32, #tpu.memory_space<hbm>>
    tpu.enqueue_indirect_dma source(%dma_start3A_23 : memref<10000x16xf32, #tpu.memory_space<hbm>>) target(%arg9 : memref<80x16xf32, #tpu.memory_space<vmem>>) offsets(%arg5 : memref<80xi32, #tpu.memory_space<vmem>>) semaphore(%arg15 : memref<!tpu.dma_semaphore, #tpu.memory_space<semaphore_mem>>)
    %dma_start3A_24 = arith.constant 0 : i32
    %dma_start3A_25 = arith.constant 0 : i32
    %dma_start3A_26 = tpu.memref_slice %arg2[%dma_start3A_24, %dma_start3A_25] : memref<10000x16xf32, #tpu.memory_space<hbm>> -> memref<10000x16xf32, #tpu.memory_space<hbm>>
    tpu.enqueue_indirect_dma source(%dma_start3A_26 : memref<10000x16xf32, #tpu.memory_space<hbm>>) target(%arg10 : memref<80x16xf32, #tpu.memory_space<vmem>>) offsets(%arg7 : memref<80xi32, #tpu.memory_space<vmem>>) semaphore(%arg15 : memref<!tpu.dma_semaphore, #tpu.memory_space<semaphore_mem>>)
    %add3A_27 = arith.constant 80 : i32
    %add3A_28 = arith.addi %mul3A_2, %add3A_27 : i32
    %dma_start3A_29 = arith.constant 0 : i32
    %dma_start3A_30 = tpu.memref_slice %arg3[%dma_start3A_29, %add3A_28] : memref<2x320000xi32, #tpu.memory_space<hbm>> -> memref<1x80xi32, #tpu.memory_space<hbm>>
    %dma_start3A_31 = tpu.memref_squeeze %dma_start3A_30 : memref<1x80xi32, #tpu.memory_space<hbm>> -> memref<80xi32, #tpu.memory_space<hbm>>
    %dma_start3A_32 = tpu.memref_slice %arg3[%dma_start3A_29, %add3A_28] : memref<2x320000xi32, #tpu.memory_space<hbm>> -> memref<1x80xi32, #tpu.memory_space<hbm>>
    %dma_start3A_33 = tpu.memref_squeeze %dma_start3A_32 : memref<1x80xi32, #tpu.memory_space<hbm>> -> memref<80xi32, #tpu.memory_space<hbm>>
    tpu.enqueue_dma source(%dma_start3A_33 : memref<80xi32, #tpu.memory_space<hbm>>) target(%arg6 : memref<80xi32, #tpu.memory_space<vmem>>) target_semaphore(%arg14 : memref<!tpu.dma_semaphore, #tpu.memory_space<semaphore_mem>>)
    %dma_start3A_34 = arith.constant 1 : i32
    %dma_start3A_35 = tpu.memref_slice %arg3[%dma_start3A_34, %add3A_28] : memref<2x320000xi32, #tpu.memory_space<hbm>> -> memref<1x80xi32, #tpu.memory_space<hbm>>
    %dma_start3A_36 = tpu.memref_squeeze %dma_start3A_35 : memref<1x80xi32, #tpu.memory_space<hbm>> -> memref<80xi32, #tpu.memory_space<hbm>>
    %dma_start3A_37 = tpu.memref_slice %arg3[%dma_start3A_34, %add3A_28] : memref<2x320000xi32, #tpu.memory_space<hbm>> -> memref<1x80xi32, #tpu.memory_space<hbm>>
    %dma_start3A_38 = tpu.memref_squeeze %dma_start3A_37 : memref<1x80xi32, #tpu.memory_space<hbm>> -> memref<80xi32, #tpu.memory_space<hbm>>
    tpu.enqueue_dma source(%dma_start3A_38 : memref<80xi32, #tpu.memory_space<hbm>>) target(%arg8 : memref<80xi32, #tpu.memory_space<vmem>>) target_semaphore(%arg14 : memref<!tpu.dma_semaphore, #tpu.memory_space<semaphore_mem>>)
    %scan3A = arith.constant 0 : i32
    %scan3A_39 = arith.constant 62 : i32
    %scan3A_40 = arith.addi %scan3A, %scan3A_39 : i32
    %scan3A_41 = arith.constant 1 : i32
    scf.for %scan3A_56 = %scan3A to %scan3A_40 step %scan3A_41  : i32 {
      %mul3A_57 = arith.constant 1 : i32
      %mul3A_58 = arith.muli %scan3A_56, %mul3A_57 : i32
      %add3A_59 = arith.constant 0 : i32
      %add3A_60 = arith.addi %add3A_59, %mul3A_58 : i32
      %mul3A_61 = arith.constant 2 : i32
      %mul3A_62 = arith.muli %add3A_60, %mul3A_61 : i32
      %mul3A_63 = arith.constant 80 : i32
      %mul3A_64 = arith.muli %mul3A_62, %mul3A_63 : i32
      %add3A_65 = arith.addi %mul3A_2, %mul3A_64 : i32
      %multiple_of3A = tpu.assume_multiple %add3A_65, 8 : i32
      %add3A_66 = arith.constant 80 : i32
      %add3A_67 = arith.addi %multiple_of3A, %add3A_66 : i32
      %multiple_of3A_68 = tpu.assume_multiple %add3A_67, 8 : i32
      %dma_wait3A_69 = arith.constant 0 : i32
      %dma_wait3A_70 = tpu.memref_slice %arg3[%dma_wait3A_69, %multiple_of3A_68] : memref<2x320000xi32, #tpu.memory_space<hbm>> -> memref<1x80xi32, #tpu.memory_space<hbm>>
      %dma_wait3A_71 = tpu.memref_squeeze %dma_wait3A_70 : memref<1x80xi32, #tpu.memory_space<hbm>> -> memref<80xi32, #tpu.memory_space<hbm>>
      %dma_wait3A_72 = tpu.memref_slice %arg3[%dma_wait3A_69, %multiple_of3A_68] : memref<2x320000xi32, #tpu.memory_space<hbm>> -> memref<1x80xi32, #tpu.memory_space<hbm>>
      %dma_wait3A_73 = tpu.memref_squeeze %dma_wait3A_72 : memref<1x80xi32, #tpu.memory_space<hbm>> -> memref<80xi32, #tpu.memory_space<hbm>>
      tpu.wait_dma2 semaphore(%arg14 : memref<!tpu.dma_semaphore, #tpu.memory_space<semaphore_mem>>) src(%dma_wait3A_73 : memref<80xi32, #tpu.memory_space<hbm>>) dst(%arg6 : memref<80xi32, #tpu.memory_space<vmem>>)
      %dma_wait3A_74 = arith.constant 1 : i32
      %dma_wait3A_75 = tpu.memref_slice %arg3[%dma_wait3A_74, %multiple_of3A_68] : memref<2x320000xi32, #tpu.memory_space<hbm>> -> memref<1x80xi32, #tpu.memory_space<hbm>>
      %dma_wait3A_76 = tpu.memref_squeeze %dma_wait3A_75 : memref<1x80xi32, #tpu.memory_space<hbm>> -> memref<80xi32, #tpu.memory_space<hbm>>
      %dma_wait3A_77 = tpu.memref_slice %arg3[%dma_wait3A_74, %multiple_of3A_68] : memref<2x320000xi32, #tpu.memory_space<hbm>> -> memref<1x80xi32, #tpu.memory_space<hbm>>
      %dma_wait3A_78 = tpu.memref_squeeze %dma_wait3A_77 : memref<1x80xi32, #tpu.memory_space<hbm>> -> memref<80xi32, #tpu.memory_space<hbm>>
      tpu.wait_dma2 semaphore(%arg14 : memref<!tpu.dma_semaphore, #tpu.memory_space<semaphore_mem>>) src(%dma_wait3A_78 : memref<80xi32, #tpu.memory_space<hbm>>) dst(%arg8 : memref<80xi32, #tpu.memory_space<vmem>>)
      %dma_start3A_79 = arith.constant 0 : i32
      %dma_start3A_80 = arith.constant 0 : i32
      %dma_start3A_81 = tpu.memref_slice %arg2[%dma_start3A_79, %dma_start3A_80] : memref<10000x16xf32, #tpu.memory_space<hbm>> -> memref<10000x16xf32, #tpu.memory_space<hbm>>
      tpu.enqueue_indirect_dma source(%dma_start3A_81 : memref<10000x16xf32, #tpu.memory_space<hbm>>) target(%arg11 : memref<80x16xf32, #tpu.memory_space<vmem>>) offsets(%arg6 : memref<80xi32, #tpu.memory_space<vmem>>) semaphore(%arg16 : memref<!tpu.dma_semaphore, #tpu.memory_space<semaphore_mem>>)
      %dma_start3A_82 = arith.constant 0 : i32
      %dma_start3A_83 = arith.constant 0 : i32
      %dma_start3A_84 = tpu.memref_slice %arg2[%dma_start3A_82, %dma_start3A_83] : memref<10000x16xf32, #tpu.memory_space<hbm>> -> memref<10000x16xf32, #tpu.memory_space<hbm>>
      tpu.enqueue_indirect_dma source(%dma_start3A_84 : memref<10000x16xf32, #tpu.memory_space<hbm>>) target(%arg12 : memref<80x16xf32, #tpu.memory_space<vmem>>) offsets(%arg8 : memref<80xi32, #tpu.memory_space<vmem>>) semaphore(%arg16 : memref<!tpu.dma_semaphore, #tpu.memory_space<semaphore_mem>>)
      %dma_wait3A_85 = arith.constant 0 : i32
      %dma_wait3A_86 = arith.constant 0 : i32
      %dma_wait3A_87 = tpu.memref_slice %arg2[%dma_wait3A_85, %dma_wait3A_86] : memref<10000x16xf32, #tpu.memory_space<hbm>> -> memref<10000x16xf32, #tpu.memory_space<hbm>>
      tpu.wait_indirect_dma semaphore(%arg15 : memref<!tpu.dma_semaphore, #tpu.memory_space<semaphore_mem>>) src(%dma_wait3A_87 : memref<10000x16xf32, #tpu.memory_space<hbm>>) dst(%arg9 : memref<80x16xf32, #tpu.memory_space<vmem>>)
      %dma_wait3A_88 = arith.constant 0 : i32
      %dma_wait3A_89 = arith.constant 0 : i32
      %dma_wait3A_90 = tpu.memref_slice %arg2[%dma_wait3A_88, %dma_wait3A_89] : memref<10000x16xf32, #tpu.memory_space<hbm>> -> memref<10000x16xf32, #tpu.memory_space<hbm>>
      tpu.wait_indirect_dma semaphore(%arg15 : memref<!tpu.dma_semaphore, #tpu.memory_space<semaphore_mem>>) src(%dma_wait3A_90 : memref<10000x16xf32, #tpu.memory_space<hbm>>) dst(%arg10 : memref<80x16xf32, #tpu.memory_space<vmem>>)
      %scan3A_91 = arith.constant 0 : i32
      %scan3A_92 = arith.constant 20 : i32
      %scan3A_93 = arith.addi %scan3A_91, %scan3A_92 : i32
      %scan3A_94 = arith.constant 1 : i32
      scf.for %scan3A_139 = %scan3A_91 to %scan3A_93 step %scan3A_94  : i32 {
        %mul3A_140 = arith.constant 4 : i32
        %mul3A_141 = arith.muli %scan3A_139, %mul3A_140 : i32
        %add3A_142 = arith.constant 0 : i32
        %add3A_143 = arith.addi %add3A_142, %mul3A_141 : i32
        %add3A_144 = arith.constant 0 : i32
        %add3A_145 = arith.addi %add3A_143, %add3A_144 : i32
        %get3A = arith.index_cast %add3A_145 : i32 to index
        %get3A_146 = arith.constant 0 : index
        %get3A_147 = tpu.vector_load %arg9[%get3A, %get3A_146] {strides = array<i32>} : memref<80x16xf32, #tpu.memory_space<vmem>>, vector<16xf32>,
        %add3A_148 = arith.constant 0 : i32
        %add3A_149 = arith.addi %add3A_143, %add3A_148 : i32
        %get3A_150 = arith.index_cast %add3A_149 : i32 to index
        %get3A_151 = arith.constant 0 : index
        %get3A_152 = tpu.vector_load %arg10[%get3A_150, %get3A_151] {strides = array<i32>} : memref<80x16xf32, #tpu.memory_space<vmem>>, vector<16xf32>,
        %add3A_153 = arith.addf %get3A_147, %get3A_152 : vector<16xf32>
        %add3A_154 = arith.constant 0 : i32
        %add3A_155 = arith.addi %add3A_143, %add3A_154 : i32
        %swap3A = arith.index_cast %add3A_155 : i32 to index
        %swap3A_156 = arith.constant 0 : index
        %swap3A_157 = tpu.vector_load %arg9[%swap3A, %swap3A_156] {strides = array<i32>} : memref<80x16xf32, #tpu.memory_space<vmem>>, vector<16xf32>,
        tpu.vector_store %arg9[%swap3A, %swap3A_156], %add3A_153 {strides = array<i32>} : memref<80x16xf32, #tpu.memory_space<vmem>>, vector<16xf32>,
        %add3A_158 = arith.constant 1 : i32
        %add3A_159 = arith.addi %add3A_143, %add3A_158 : i32
        %get3A_160 = arith.index_cast %add3A_159 : i32 to index
        %get3A_161 = arith.constant 0 : index
        %get3A_162 = tpu.vector_load %arg9[%get3A_160, %get3A_161] {strides = array<i32>} : memref<80x16xf32, #tpu.memory_space<vmem>>, vector<16xf32>,
        %add3A_163 = arith.constant 1 : i32
        %add3A_164 = arith.addi %add3A_143, %add3A_163 : i32
        %get3A_165 = arith.index_cast %add3A_164 : i32 to index
        %get3A_166 = arith.constant 0 : index
        %get3A_167 = tpu.vector_load %arg10[%get3A_165, %get3A_166] {strides = array<i32>} : memref<80x16xf32, #tpu.memory_space<vmem>>, vector<16xf32>,
        %add3A_168 = arith.addf %get3A_162, %get3A_167 : vector<16xf32>
        %add3A_169 = arith.constant 1 : i32
        %add3A_170 = arith.addi %add3A_143, %add3A_169 : i32
        %swap3A_171 = arith.index_cast %add3A_170 : i32 to index
        %swap3A_172 = arith.constant 0 : index
        %swap3A_173 = tpu.vector_load %arg9[%swap3A_171, %swap3A_172] {strides = array<i32>} : memref<80x16xf32, #tpu.memory_space<vmem>>, vector<16xf32>,
        tpu.vector_store %arg9[%swap3A_171, %swap3A_172], %add3A_168 {strides = array<i32>} : memref<80x16xf32, #tpu.memory_space<vmem>>, vector<16xf32>,
        %add3A_174 = arith.constant 2 : i32
        %add3A_175 = arith.addi %add3A_143, %add3A_174 : i32
        %get3A_176 = arith.index_cast %add3A_175 : i32 to index
        %get3A_177 = arith.constant 0 : index
        %get3A_178 = tpu.vector_load %arg9[%get3A_176, %get3A_177] {strides = array<i32>} : memref<80x16xf32, #tpu.memory_space<vmem>>, vector<16xf32>,
        %add3A_179 = arith.constant 2 : i32
        %add3A_180 = arith.addi %add3A_143, %add3A_179 : i32
        %get3A_181 = arith.index_cast %add3A_180 : i32 to index
        %get3A_182 = arith.constant 0 : index
        %get3A_183 = tpu.vector_load %arg10[%get3A_181, %get3A_182] {strides = array<i32>} : memref<80x16xf32, #tpu.memory_space<vmem>>, vector<16xf32>,
        %add3A_184 = arith.addf %get3A_178, %get3A_183 : vector<16xf32>
        %add3A_185 = arith.constant 2 : i32
        %add3A_186 = arith.addi %add3A_143, %add3A_185 : i32
        %swap3A_187 = arith.index_cast %add3A_186 : i32 to index
        %swap3A_188 = arith.constant 0 : index
        %swap3A_189 = tpu.vector_load %arg9[%swap3A_187, %swap3A_188] {strides = array<i32>} : memref<80x16xf32, #tpu.memory_space<vmem>>, vector<16xf32>,
        tpu.vector_store %arg9[%swap3A_187, %swap3A_188], %add3A_184 {strides = array<i32>} : memref<80x16xf32, #tpu.memory_space<vmem>>, vector<16xf32>,
        %add3A_190 = arith.constant 3 : i32
        %add3A_191 = arith.addi %add3A_143, %add3A_190 : i32
        %get3A_192 = arith.index_cast %add3A_191 : i32 to index
        %get3A_193 = arith.constant 0 : index
        %get3A_194 = tpu.vector_load %arg9[%get3A_192, %get3A_193] {strides = array<i32>} : memref<80x16xf32, #tpu.memory_space<vmem>>, vector<16xf32>,
        %add3A_195 = arith.constant 3 : i32
        %add3A_196 = arith.addi %add3A_143, %add3A_195 : i32
        %get3A_197 = arith.index_cast %add3A_196 : i32 to index
        %get3A_198 = arith.constant 0 : index
        %get3A_199 = tpu.vector_load %arg10[%get3A_197, %get3A_198] {strides = array<i32>} : memref<80x16xf32, #tpu.memory_space<vmem>>, vector<16xf32>,
        %add3A_200 = arith.addf %get3A_194, %get3A_199 : vector<16xf32>
        %add3A_201 = arith.constant 3 : i32
        %add3A_202 = arith.addi %add3A_143, %add3A_201 : i32
        %swap3A_203 = arith.index_cast %add3A_202 : i32 to index
        %swap3A_204 = arith.constant 0 : index
        %swap3A_205 = tpu.vector_load %arg9[%swap3A_203, %swap3A_204] {strides = array<i32>} : memref<80x16xf32, #tpu.memory_space<vmem>>, vector<16xf32>,
        tpu.vector_store %arg9[%swap3A_203, %swap3A_204], %add3A_200 {strides = array<i32>} : memref<80x16xf32, #tpu.memory_space<vmem>>, vector<16xf32>,
      }
      %scan3A_95 = arith.constant 20 : i32
      "tpu.region"() ({
        %run_scoped3A = tpu.sem_alloc : memref<!tpu.dma_semaphore, #tpu.memory_space<semaphore_mem>>
        %dma_start3A_139 = arith.constant 0 : i32
        %dma_start3A_140 = tpu.memref_slice %arg4[%multiple_of3A, %dma_start3A_139] : memref<320000x16xf32, #tpu.memory_space<hbm>> -> memref<80x16xf32, #tpu.memory_space<hbm>>
        %dma_start3A_141 = arith.constant 0 : i32
        %dma_start3A_142 = tpu.memref_slice %arg4[%multiple_of3A, %dma_start3A_141] : memref<320000x16xf32, #tpu.memory_space<hbm>> -> memref<80x16xf32, #tpu.memory_space<hbm>>
        tpu.enqueue_dma source(%arg9 : memref<80x16xf32, #tpu.memory_space<vmem>>) target(%dma_start3A_142 : memref<80x16xf32, #tpu.memory_space<hbm>>) target_semaphore(%run_scoped3A : memref<!tpu.dma_semaphore, #tpu.memory_space<semaphore_mem>>)
        %dma_wait3A_143 = arith.constant 0 : i32
        %dma_wait3A_144 = tpu.memref_slice %arg4[%multiple_of3A, %dma_wait3A_143] : memref<320000x16xf32, #tpu.memory_space<hbm>> -> memref<80x16xf32, #tpu.memory_space<hbm>>
        %dma_wait3A_145 = arith.constant 0 : i32
        %dma_wait3A_146 = tpu.memref_slice %arg4[%multiple_of3A, %dma_wait3A_145] : memref<320000x16xf32, #tpu.memory_space<hbm>> -> memref<80x16xf32, #tpu.memory_space<hbm>>
        tpu.wait_dma2 semaphore(%run_scoped3A : memref<!tpu.dma_semaphore, #tpu.memory_space<semaphore_mem>>) src(%arg9 : memref<80x16xf32, #tpu.memory_space<vmem>>) dst(%dma_wait3A_146 : memref<80x16xf32, #tpu.memory_space<hbm>>)
        tpu.yield
      }) : () -> ()
      %add3A_96 = arith.constant 160 : i32
      %add3A_97 = arith.addi %multiple_of3A, %add3A_96 : i32
      %dma_start3A_98 = arith.constant 0 : i32
      %dma_start3A_99 = tpu.memref_slice %arg3[%dma_start3A_98, %add3A_97] : memref<2x320000xi32, #tpu.memory_space<hbm>> -> memref<1x80xi32, #tpu.memory_space<hbm>>
      %dma_start3A_100 = tpu.memref_squeeze %dma_start3A_99 : memref<1x80xi32, #tpu.memory_space<hbm>> -> memref<80xi32, #tpu.memory_space<hbm>>
      %dma_start3A_101 = tpu.memref_slice %arg3[%dma_start3A_98, %add3A_97] : memref<2x320000xi32, #tpu.memory_space<hbm>> -> memref<1x80xi32, #tpu.memory_space<hbm>>
      %dma_start3A_102 = tpu.memref_squeeze %dma_start3A_101 : memref<1x80xi32, #tpu.memory_space<hbm>> -> memref<80xi32, #tpu.memory_space<hbm>>
      tpu.enqueue_dma source(%dma_start3A_102 : memref<80xi32, #tpu.memory_space<hbm>>) target(%arg5 : memref<80xi32, #tpu.memory_space<vmem>>) target_semaphore(%arg13 : memref<!tpu.dma_semaphore, #tpu.memory_space<semaphore_mem>>)
      %dma_start3A_103 = arith.constant 1 : i32
      %dma_start3A_104 = tpu.memref_slice %arg3[%dma_start3A_103, %add3A_97] : memref<2x320000xi32, #tpu.memory_space<hbm>> -> memref<1x80xi32, #tpu.memory_space<hbm>>
      %dma_start3A_105 = tpu.memref_squeeze %dma_start3A_104 : memref<1x80xi32, #tpu.memory_space<hbm>> -> memref<80xi32, #tpu.memory_space<hbm>>
      %dma_start3A_106 = tpu.memref_slice %arg3[%dma_start3A_103, %add3A_97] : memref<2x320000xi32, #tpu.memory_space<hbm>> -> memref<1x80xi32, #tpu.memory_space<hbm>>
      %dma_start3A_107 = tpu.memref_squeeze %dma_start3A_106 : memref<1x80xi32, #tpu.memory_space<hbm>> -> memref<80xi32, #tpu.memory_space<hbm>>
      tpu.enqueue_dma source(%dma_start3A_107 : memref<80xi32, #tpu.memory_space<hbm>>) target(%arg7 : memref<80xi32, #tpu.memory_space<vmem>>) target_semaphore(%arg13 : memref<!tpu.dma_semaphore, #tpu.memory_space<semaphore_mem>>)
      %dma_wait3A_108 = arith.constant 0 : i32
      %dma_wait3A_109 = arith.constant 0 : i32
      %dma_wait3A_110 = tpu.memref_slice %arg2[%dma_wait3A_108, %dma_wait3A_109] : memref<10000x16xf32, #tpu.memory_space<hbm>> -> memref<10000x16xf32, #tpu.memory_space<hbm>>
      tpu.wait_indirect_dma semaphore(%arg16 : memref<!tpu.dma_semaphore, #tpu.memory_space<semaphore_mem>>) src(%dma_wait3A_110 : memref<10000x16xf32, #tpu.memory_space<hbm>>) dst(%arg11 : memref<80x16xf32, #tpu.memory_space<vmem>>)
      %dma_wait3A_111 = arith.constant 0 : i32
      %dma_wait3A_112 = arith.constant 0 : i32
      %dma_wait3A_113 = tpu.memref_slice %arg2[%dma_wait3A_111, %dma_wait3A_112] : memref<10000x16xf32, #tpu.memory_space<hbm>> -> memref<10000x16xf32, #tpu.memory_space<hbm>>
      tpu.wait_indirect_dma semaphore(%arg16 : memref<!tpu.dma_semaphore, #tpu.memory_space<semaphore_mem>>) src(%dma_wait3A_113 : memref<10000x16xf32, #tpu.memory_space<hbm>>) dst(%arg12 : memref<80x16xf32, #tpu.memory_space<vmem>>)
      %scan3A_114 = arith.constant 0 : i32
      %scan3A_115 = arith.constant 20 : i32
      %scan3A_116 = arith.addi %scan3A_114, %scan3A_115 : i32
      %scan3A_117 = arith.constant 1 : i32
      scf.for %scan3A_139 = %scan3A_114 to %scan3A_116 step %scan3A_117  : i32 {
        %mul3A_140 = arith.constant 4 : i32
        %mul3A_141 = arith.muli %scan3A_139, %mul3A_140 : i32
        %add3A_142 = arith.constant 0 : i32
        %add3A_143 = arith.addi %add3A_142, %mul3A_141 : i32
        %add3A_144 = arith.constant 0 : i32
        %add3A_145 = arith.addi %add3A_143, %add3A_144 : i32
        %get3A = arith.index_cast %add3A_145 : i32 to index
        %get3A_146 = arith.constant 0 : index
        %get3A_147 = tpu.vector_load %arg11[%get3A, %get3A_146] {strides = array<i32>} : memref<80x16xf32, #tpu.memory_space<vmem>>, vector<16xf32>,
        %add3A_148 = arith.constant 0 : i32
        %add3A_149 = arith.addi %add3A_143, %add3A_148 : i32
        %get3A_150 = arith.index_cast %add3A_149 : i32 to index
        %get3A_151 = arith.constant 0 : index
        %get3A_152 = tpu.vector_load %arg12[%get3A_150, %get3A_151] {strides = array<i32>} : memref<80x16xf32, #tpu.memory_space<vmem>>, vector<16xf32>,
        %add3A_153 = arith.addf %get3A_147, %get3A_152 : vector<16xf32>
        %add3A_154 = arith.constant 0 : i32
        %add3A_155 = arith.addi %add3A_143, %add3A_154 : i32
        %swap3A = arith.index_cast %add3A_155 : i32 to index
        %swap3A_156 = arith.constant 0 : index
        %swap3A_157 = tpu.vector_load %arg11[%swap3A, %swap3A_156] {strides = array<i32>} : memref<80x16xf32, #tpu.memory_space<vmem>>, vector<16xf32>,
        tpu.vector_store %arg11[%swap3A, %swap3A_156], %add3A_153 {strides = array<i32>} : memref<80x16xf32, #tpu.memory_space<vmem>>, vector<16xf32>,
        %add3A_158 = arith.constant 1 : i32
        %add3A_159 = arith.addi %add3A_143, %add3A_158 : i32
        %get3A_160 = arith.index_cast %add3A_159 : i32 to index
        %get3A_161 = arith.constant 0 : index
        %get3A_162 = tpu.vector_load %arg11[%get3A_160, %get3A_161] {strides = array<i32>} : memref<80x16xf32, #tpu.memory_space<vmem>>, vector<16xf32>,
        %add3A_163 = arith.constant 1 : i32
        %add3A_164 = arith.addi %add3A_143, %add3A_163 : i32
        %get3A_165 = arith.index_cast %add3A_164 : i32 to index
        %get3A_166 = arith.constant 0 : index
        %get3A_167 = tpu.vector_load %arg12[%get3A_165, %get3A_166] {strides = array<i32>} : memref<80x16xf32, #tpu.memory_space<vmem>>, vector<16xf32>,
        %add3A_168 = arith.addf %get3A_162, %get3A_167 : vector<16xf32>
        %add3A_169 = arith.constant 1 : i32
        %add3A_170 = arith.addi %add3A_143, %add3A_169 : i32
        %swap3A_171 = arith.index_cast %add3A_170 : i32 to index
        %swap3A_172 = arith.constant 0 : index
        %swap3A_173 = tpu.vector_load %arg11[%swap3A_171, %swap3A_172] {strides = array<i32>} : memref<80x16xf32, #tpu.memory_space<vmem>>, vector<16xf32>,
        tpu.vector_store %arg11[%swap3A_171, %swap3A_172], %add3A_168 {strides = array<i32>} : memref<80x16xf32, #tpu.memory_space<vmem>>, vector<16xf32>,
        %add3A_174 = arith.constant 2 : i32
        %add3A_175 = arith.addi %add3A_143, %add3A_174 : i32
        %get3A_176 = arith.index_cast %add3A_175 : i32 to index
        %get3A_177 = arith.constant 0 : index
        %get3A_178 = tpu.vector_load %arg11[%get3A_176, %get3A_177] {strides = array<i32>} : memref<80x16xf32, #tpu.memory_space<vmem>>, vector<16xf32>,
        %add3A_179 = arith.constant 2 : i32
        %add3A_180 = arith.addi %add3A_143, %add3A_179 : i32
        %get3A_181 = arith.index_cast %add3A_180 : i32 to index
        %get3A_182 = arith.constant 0 : index
        %get3A_183 = tpu.vector_load %arg12[%get3A_181, %get3A_182] {strides = array<i32>} : memref<80x16xf32, #tpu.memory_space<vmem>>, vector<16xf32>,
        %add3A_184 = arith.addf %get3A_178, %get3A_183 : vector<16xf32>
        %add3A_185 = arith.constant 2 : i32
        %add3A_186 = arith.addi %add3A_143, %add3A_185 : i32
        %swap3A_187 = arith.index_cast %add3A_186 : i32 to index
        %swap3A_188 = arith.constant 0 : index
        %swap3A_189 = tpu.vector_load %arg11[%swap3A_187, %swap3A_188] {strides = array<i32>} : memref<80x16xf32, #tpu.memory_space<vmem>>, vector<16xf32>,
        tpu.vector_store %arg11[%swap3A_187, %swap3A_188], %add3A_184 {strides = array<i32>} : memref<80x16xf32, #tpu.memory_space<vmem>>, vector<16xf32>,
        %add3A_190 = arith.constant 3 : i32
        %add3A_191 = arith.addi %add3A_143, %add3A_190 : i32
        %get3A_192 = arith.index_cast %add3A_191 : i32 to index
        %get3A_193 = arith.constant 0 : index
        %get3A_194 = tpu.vector_load %arg11[%get3A_192, %get3A_193] {strides = array<i32>} : memref<80x16xf32, #tpu.memory_space<vmem>>, vector<16xf32>,
        %add3A_195 = arith.constant 3 : i32
        %add3A_196 = arith.addi %add3A_143, %add3A_195 : i32
        %get3A_197 = arith.index_cast %add3A_196 : i32 to index
        %get3A_198 = arith.constant 0 : index
        %get3A_199 = tpu.vector_load %arg12[%get3A_197, %get3A_198] {strides = array<i32>} : memref<80x16xf32, #tpu.memory_space<vmem>>, vector<16xf32>,
        %add3A_200 = arith.addf %get3A_194, %get3A_199 : vector<16xf32>
        %add3A_201 = arith.constant 3 : i32
        %add3A_202 = arith.addi %add3A_143, %add3A_201 : i32
        %swap3A_203 = arith.index_cast %add3A_202 : i32 to index
        %swap3A_204 = arith.constant 0 : index
        %swap3A_205 = tpu.vector_load %arg11[%swap3A_203, %swap3A_204] {strides = array<i32>} : memref<80x16xf32, #tpu.memory_space<vmem>>, vector<16xf32>,
        tpu.vector_store %arg11[%swap3A_203, %swap3A_204], %add3A_200 {strides = array<i32>} : memref<80x16xf32, #tpu.memory_space<vmem>>, vector<16xf32>,
      }
      %scan3A_118 = arith.constant 20 : i32
      "tpu.region"() ({
        %run_scoped3A = tpu.sem_alloc : memref<!tpu.dma_semaphore, #tpu.memory_space<semaphore_mem>>
        %dma_start3A_139 = arith.constant 0 : i32
        %dma_start3A_140 = tpu.memref_slice %arg4[%multiple_of3A_68, %dma_start3A_139] : memref<320000x16xf32, #tpu.memory_space<hbm>> -> memref<80x16xf32, #tpu.memory_space<hbm>>
        %dma_start3A_141 = arith.constant 0 : i32
        %dma_start3A_142 = tpu.memref_slice %arg4[%multiple_of3A_68, %dma_start3A_141] : memref<320000x16xf32, #tpu.memory_space<hbm>> -> memref<80x16xf32, #tpu.memory_space<hbm>>
        tpu.enqueue_dma source(%arg11 : memref<80x16xf32, #tpu.memory_space<vmem>>) target(%dma_start3A_142 : memref<80x16xf32, #tpu.memory_space<hbm>>) target_semaphore(%run_scoped3A : memref<!tpu.dma_semaphore, #tpu.memory_space<semaphore_mem>>)
        %dma_wait3A_143 = arith.constant 0 : i32
        %dma_wait3A_144 = tpu.memref_slice %arg4[%multiple_of3A_68, %dma_wait3A_143] : memref<320000x16xf32, #tpu.memory_space<hbm>> -> memref<80x16xf32, #tpu.memory_space<hbm>>
        %dma_wait3A_145 = arith.constant 0 : i32
        %dma_wait3A_146 = tpu.memref_slice %arg4[%multiple_of3A_68, %dma_wait3A_145] : memref<320000x16xf32, #tpu.memory_space<hbm>> -> memref<80x16xf32, #tpu.memory_space<hbm>>
        tpu.wait_dma2 semaphore(%run_scoped3A : memref<!tpu.dma_semaphore, #tpu.memory_space<semaphore_mem>>) src(%arg11 : memref<80x16xf32, #tpu.memory_space<vmem>>) dst(%dma_wait3A_146 : memref<80x16xf32, #tpu.memory_space<hbm>>)
        tpu.yield
      }) : () -> ()
      %add3A_119 = arith.constant 160 : i32
      %add3A_120 = arith.addi %multiple_of3A, %add3A_119 : i32
      %dma_wait3A_121 = arith.constant 0 : i32
      %dma_wait3A_122 = tpu.memref_slice %arg3[%dma_wait3A_121, %add3A_120] : memref<2x320000xi32, #tpu.memory_space<hbm>> -> memref<1x80xi32, #tpu.memory_space<hbm>>
      %dma_wait3A_123 = tpu.memref_squeeze %dma_wait3A_122 : memref<1x80xi32, #tpu.memory_space<hbm>> -> memref<80xi32, #tpu.memory_space<hbm>>
      %dma_wait3A_124 = tpu.memref_slice %arg3[%dma_wait3A_121, %add3A_120] : memref<2x320000xi32, #tpu.memory_space<hbm>> -> memref<1x80xi32, #tpu.memory_space<hbm>>
      %dma_wait3A_125 = tpu.memref_squeeze %dma_wait3A_124 : memref<1x80xi32, #tpu.memory_space<hbm>> -> memref<80xi32, #tpu.memory_space<hbm>>
      tpu.wait_dma2 semaphore(%arg13 : memref<!tpu.dma_semaphore, #tpu.memory_space<semaphore_mem>>) src(%dma_wait3A_125 : memref<80xi32, #tpu.memory_space<hbm>>) dst(%arg5 : memref<80xi32, #tpu.memory_space<vmem>>)
      %dma_wait3A_126 = arith.constant 1 : i32
      %dma_wait3A_127 = tpu.memref_slice %arg3[%dma_wait3A_126, %add3A_120] : memref<2x320000xi32, #tpu.memory_space<hbm>> -> memref<1x80xi32, #tpu.memory_space<hbm>>
      %dma_wait3A_128 = tpu.memref_squeeze %dma_wait3A_127 : memref<1x80xi32, #tpu.memory_space<hbm>> -> memref<80xi32, #tpu.memory_space<hbm>>
      %dma_wait3A_129 = tpu.memref_slice %arg3[%dma_wait3A_126, %add3A_120] : memref<2x320000xi32, #tpu.memory_space<hbm>> -> memref<1x80xi32, #tpu.memory_space<hbm>>
      %dma_wait3A_130 = tpu.memref_squeeze %dma_wait3A_129 : memref<1x80xi32, #tpu.memory_space<hbm>> -> memref<80xi32, #tpu.memory_space<hbm>>
      tpu.wait_dma2 semaphore(%arg13 : memref<!tpu.dma_semaphore, #tpu.memory_space<semaphore_mem>>) src(%dma_wait3A_130 : memref<80xi32, #tpu.memory_space<hbm>>) dst(%arg7 : memref<80xi32, #tpu.memory_space<vmem>>)
      %dma_start3A_131 = arith.constant 0 : i32
      %dma_start3A_132 = arith.constant 0 : i32
      %dma_start3A_133 = tpu.memref_slice %arg2[%dma_start3A_131, %dma_start3A_132] : memref<10000x16xf32, #tpu.memory_space<hbm>> -> memref<10000x16xf32, #tpu.memory_space<hbm>>
      tpu.enqueue_indirect_dma source(%dma_start3A_133 : memref<10000x16xf32, #tpu.memory_space<hbm>>) target(%arg9 : memref<80x16xf32, #tpu.memory_space<vmem>>) offsets(%arg5 : memref<80xi32, #tpu.memory_space<vmem>>) semaphore(%arg15 : memref<!tpu.dma_semaphore, #tpu.memory_space<semaphore_mem>>)
      %dma_start3A_134 = arith.constant 0 : i32
      %dma_start3A_135 = arith.constant 0 : i32
      %dma_start3A_136 = tpu.memref_slice %arg2[%dma_start3A_134, %dma_start3A_135] : memref<10000x16xf32, #tpu.memory_space<hbm>> -> memref<10000x16xf32, #tpu.memory_space<hbm>>
      tpu.enqueue_indirect_dma source(%dma_start3A_136 : memref<10000x16xf32, #tpu.memory_space<hbm>>) target(%arg10 : memref<80x16xf32, #tpu.memory_space<vmem>>) offsets(%arg7 : memref<80xi32, #tpu.memory_space<vmem>>) semaphore(%arg15 : memref<!tpu.dma_semaphore, #tpu.memory_space<semaphore_mem>>)
      %lt3A = arith.constant 61 : i32
      %lt3A_137 = arith.cmpi slt, %add3A_60, %lt3A : i32
      %convert_element_type3A = arith.extui %lt3A_137 : i1 to i32
      %cond3A = arith.constant 0 : i32
      %cond3A_138 = arith.cmpi ne, %convert_element_type3A, %cond3A : i32
      scf.if %cond3A_138 {
        %add3A_139 = arith.constant 160 : i32
        %add3A_140 = arith.addi %multiple_of3A_68, %add3A_139 : i32
        %dma_start3A_141 = arith.constant 0 : i32
        %dma_start3A_142 = tpu.memref_slice %arg3[%dma_start3A_141, %add3A_140] : memref<2x320000xi32, #tpu.memory_space<hbm>> -> memref<1x80xi32, #tpu.memory_space<hbm>>
        %dma_start3A_143 = tpu.memref_squeeze %dma_start3A_142 : memref<1x80xi32, #tpu.memory_space<hbm>> -> memref<80xi32, #tpu.memory_space<hbm>>
        %dma_start3A_144 = tpu.memref_slice %arg3[%dma_start3A_141, %add3A_140] : memref<2x320000xi32, #tpu.memory_space<hbm>> -> memref<1x80xi32, #tpu.memory_space<hbm>>
        %dma_start3A_145 = tpu.memref_squeeze %dma_start3A_144 : memref<1x80xi32, #tpu.memory_space<hbm>> -> memref<80xi32, #tpu.memory_space<hbm>>
        tpu.enqueue_dma source(%dma_start3A_145 : memref<80xi32, #tpu.memory_space<hbm>>) target(%arg6 : memref<80xi32, #tpu.memory_space<vmem>>) target_semaphore(%arg14 : memref<!tpu.dma_semaphore, #tpu.memory_space<semaphore_mem>>)
        %dma_start3A_146 = arith.constant 1 : i32
        %dma_start3A_147 = tpu.memref_slice %arg3[%dma_start3A_146, %add3A_140] : memref<2x320000xi32, #tpu.memory_space<hbm>> -> memref<1x80xi32, #tpu.memory_space<hbm>>
        %dma_start3A_148 = tpu.memref_squeeze %dma_start3A_147 : memref<1x80xi32, #tpu.memory_space<hbm>> -> memref<80xi32, #tpu.memory_space<hbm>>
        %dma_start3A_149 = tpu.memref_slice %arg3[%dma_start3A_146, %add3A_140] : memref<2x320000xi32, #tpu.memory_space<hbm>> -> memref<1x80xi32, #tpu.memory_space<hbm>>
        %dma_start3A_150 = tpu.memref_squeeze %dma_start3A_149 : memref<1x80xi32, #tpu.memory_space<hbm>> -> memref<80xi32, #tpu.memory_space<hbm>>
        tpu.enqueue_dma source(%dma_start3A_150 : memref<80xi32, #tpu.memory_space<hbm>>) target(%arg8 : memref<80xi32, #tpu.memory_space<vmem>>) target_semaphore(%arg14 : memref<!tpu.dma_semaphore, #tpu.memory_space<semaphore_mem>>)
      } else {
      }
    }
    %scan3A_42 = arith.constant 62 : i32
    %dma_wait3A_43 = arith.constant 0 : i32
    %dma_wait3A_44 = arith.constant 0 : i32
    %dma_wait3A_45 = tpu.memref_slice %arg2[%dma_wait3A_43, %dma_wait3A_44] : memref<10000x16xf32, #tpu.memory_space<hbm>> -> memref<10000x16xf32, #tpu.memory_space<hbm>>
    tpu.wait_indirect_dma semaphore(%arg15 : memref<!tpu.dma_semaphore, #tpu.memory_space<semaphore_mem>>) src(%dma_wait3A_45 : memref<10000x16xf32, #tpu.memory_space<hbm>>) dst(%arg9 : memref<80x16xf32, #tpu.memory_space<vmem>>)
    %dma_wait3A_46 = arith.constant 0 : i32
    %dma_wait3A_47 = arith.constant 0 : i32
    %dma_wait3A_48 = tpu.memref_slice %arg2[%dma_wait3A_46, %dma_wait3A_47] : memref<10000x16xf32, #tpu.memory_space<hbm>> -> memref<10000x16xf32, #tpu.memory_space<hbm>>
    tpu.wait_indirect_dma semaphore(%arg15 : memref<!tpu.dma_semaphore, #tpu.memory_space<semaphore_mem>>) src(%dma_wait3A_48 : memref<10000x16xf32, #tpu.memory_space<hbm>>) dst(%arg10 : memref<80x16xf32, #tpu.memory_space<vmem>>)
    %add3A_49 = arith.constant 9920 : i32
    %add3A_50 = arith.addi %mul3A_2, %add3A_49 : i32
    %scan3A_51 = arith.constant 0 : i32
    %scan3A_52 = arith.constant 20 : i32
    %scan3A_53 = arith.addi %scan3A_51, %scan3A_52 : i32
    %scan3A_54 = arith.constant 1 : i32
    scf.for %scan3A_56 = %scan3A_51 to %scan3A_53 step %scan3A_54  : i32 {
      %mul3A_57 = arith.constant 4 : i32
      %mul3A_58 = arith.muli %scan3A_56, %mul3A_57 : i32
      %add3A_59 = arith.constant 0 : i32
      %add3A_60 = arith.addi %add3A_59, %mul3A_58 : i32
      %add3A_61 = arith.constant 0 : i32
      %add3A_62 = arith.addi %add3A_60, %add3A_61 : i32
      %get3A = arith.index_cast %add3A_62 : i32 to index
      %get3A_63 = arith.constant 0 : index
      %get3A_64 = tpu.vector_load %arg9[%get3A, %get3A_63] {strides = array<i32>} : memref<80x16xf32, #tpu.memory_space<vmem>>, vector<16xf32>,
      %add3A_65 = arith.constant 0 : i32
      %add3A_66 = arith.addi %add3A_60, %add3A_65 : i32
      %get3A_67 = arith.index_cast %add3A_66 : i32 to index
      %get3A_68 = arith.constant 0 : index
      %get3A_69 = tpu.vector_load %arg10[%get3A_67, %get3A_68] {strides = array<i32>} : memref<80x16xf32, #tpu.memory_space<vmem>>, vector<16xf32>,
      %add3A_70 = arith.addf %get3A_64, %get3A_69 : vector<16xf32>
      %add3A_71 = arith.constant 0 : i32
      %add3A_72 = arith.addi %add3A_60, %add3A_71 : i32
      %swap3A = arith.index_cast %add3A_72 : i32 to index
      %swap3A_73 = arith.constant 0 : index
      %swap3A_74 = tpu.vector_load %arg9[%swap3A, %swap3A_73] {strides = array<i32>} : memref<80x16xf32, #tpu.memory_space<vmem>>, vector<16xf32>,
      tpu.vector_store %arg9[%swap3A, %swap3A_73], %add3A_70 {strides = array<i32>} : memref<80x16xf32, #tpu.memory_space<vmem>>, vector<16xf32>,
      %add3A_75 = arith.constant 1 : i32
      %add3A_76 = arith.addi %add3A_60, %add3A_75 : i32
      %get3A_77 = arith.index_cast %add3A_76 : i32 to index
      %get3A_78 = arith.constant 0 : index
      %get3A_79 = tpu.vector_load %arg9[%get3A_77, %get3A_78] {strides = array<i32>} : memref<80x16xf32, #tpu.memory_space<vmem>>, vector<16xf32>,
      %add3A_80 = arith.constant 1 : i32
      %add3A_81 = arith.addi %add3A_60, %add3A_80 : i32
      %get3A_82 = arith.index_cast %add3A_81 : i32 to index
      %get3A_83 = arith.constant 0 : index
      %get3A_84 = tpu.vector_load %arg10[%get3A_82, %get3A_83] {strides = array<i32>} : memref<80x16xf32, #tpu.memory_space<vmem>>, vector<16xf32>,
      %add3A_85 = arith.addf %get3A_79, %get3A_84 : vector<16xf32>
      %add3A_86 = arith.constant 1 : i32
      %add3A_87 = arith.addi %add3A_60, %add3A_86 : i32
      %swap3A_88 = arith.index_cast %add3A_87 : i32 to index
      %swap3A_89 = arith.constant 0 : index
      %swap3A_90 = tpu.vector_load %arg9[%swap3A_88, %swap3A_89] {strides = array<i32>} : memref<80x16xf32, #tpu.memory_space<vmem>>, vector<16xf32>,
      tpu.vector_store %arg9[%swap3A_88, %swap3A_89], %add3A_85 {strides = array<i32>} : memref<80x16xf32, #tpu.memory_space<vmem>>, vector<16xf32>,
      %add3A_91 = arith.constant 2 : i32
      %add3A_92 = arith.addi %add3A_60, %add3A_91 : i32
      %get3A_93 = arith.index_cast %add3A_92 : i32 to index
      %get3A_94 = arith.constant 0 : index
      %get3A_95 = tpu.vector_load %arg9[%get3A_93, %get3A_94] {strides = array<i32>} : memref<80x16xf32, #tpu.memory_space<vmem>>, vector<16xf32>,
      %add3A_96 = arith.constant 2 : i32
      %add3A_97 = arith.addi %add3A_60, %add3A_96 : i32
      %get3A_98 = arith.index_cast %add3A_97 : i32 to index
      %get3A_99 = arith.constant 0 : index
      %get3A_100 = tpu.vector_load %arg10[%get3A_98, %get3A_99] {strides = array<i32>} : memref<80x16xf32, #tpu.memory_space<vmem>>, vector<16xf32>,
      %add3A_101 = arith.addf %get3A_95, %get3A_100 : vector<16xf32>
      %add3A_102 = arith.constant 2 : i32
      %add3A_103 = arith.addi %add3A_60, %add3A_102 : i32
      %swap3A_104 = arith.index_cast %add3A_103 : i32 to index
      %swap3A_105 = arith.constant 0 : index
      %swap3A_106 = tpu.vector_load %arg9[%swap3A_104, %swap3A_105] {strides = array<i32>} : memref<80x16xf32, #tpu.memory_space<vmem>>, vector<16xf32>,
      tpu.vector_store %arg9[%swap3A_104, %swap3A_105], %add3A_101 {strides = array<i32>} : memref<80x16xf32, #tpu.memory_space<vmem>>, vector<16xf32>,
      %add3A_107 = arith.constant 3 : i32
      %add3A_108 = arith.addi %add3A_60, %add3A_107 : i32
      %get3A_109 = arith.index_cast %add3A_108 : i32 to index
      %get3A_110 = arith.constant 0 : index
      %get3A_111 = tpu.vector_load %arg9[%get3A_109, %get3A_110] {strides = array<i32>} : memref<80x16xf32, #tpu.memory_space<vmem>>, vector<16xf32>,
      %add3A_112 = arith.constant 3 : i32
      %add3A_113 = arith.addi %add3A_60, %add3A_112 : i32
      %get3A_114 = arith.index_cast %add3A_113 : i32 to index
      %get3A_115 = arith.constant 0 : index
      %get3A_116 = tpu.vector_load %arg10[%get3A_114, %get3A_115] {strides = array<i32>} : memref<80x16xf32, #tpu.memory_space<vmem>>, vector<16xf32>,
      %add3A_117 = arith.addf %get3A_111, %get3A_116 : vector<16xf32>
      %add3A_118 = arith.constant 3 : i32
      %add3A_119 = arith.addi %add3A_60, %add3A_118 : i32
      %swap3A_120 = arith.index_cast %add3A_119 : i32 to index
      %swap3A_121 = arith.constant 0 : index
      %swap3A_122 = tpu.vector_load %arg9[%swap3A_120, %swap3A_121] {strides = array<i32>} : memref<80x16xf32, #tpu.memory_space<vmem>>, vector<16xf32>,
      tpu.vector_store %arg9[%swap3A_120, %swap3A_121], %add3A_117 {strides = array<i32>} : memref<80x16xf32, #tpu.memory_space<vmem>>, vector<16xf32>,
    }
    %scan3A_55 = arith.constant 20 : i32
    "tpu.region"() ({
      %run_scoped3A = tpu.sem_alloc : memref<!tpu.dma_semaphore, #tpu.memory_space<semaphore_mem>>
      %dma_start3A_56 = arith.constant 0 : i32
      %dma_start3A_57 = tpu.memref_slice %arg4[%add3A_50, %dma_start3A_56] : memref<320000x16xf32, #tpu.memory_space<hbm>> -> memref<80x16xf32, #tpu.memory_space<hbm>>
      %dma_start3A_58 = arith.constant 0 : i32
      %dma_start3A_59 = tpu.memref_slice %arg4[%add3A_50, %dma_start3A_58] : memref<320000x16xf32, #tpu.memory_space<hbm>> -> memref<80x16xf32, #tpu.memory_space<hbm>>
      tpu.enqueue_dma source(%arg9 : memref<80x16xf32, #tpu.memory_space<vmem>>) target(%dma_start3A_59 : memref<80x16xf32, #tpu.memory_space<hbm>>) target_semaphore(%run_scoped3A : memref<!tpu.dma_semaphore, #tpu.memory_space<semaphore_mem>>)
      %dma_wait3A_60 = arith.constant 0 : i32
      %dma_wait3A_61 = tpu.memref_slice %arg4[%add3A_50, %dma_wait3A_60] : memref<320000x16xf32, #tpu.memory_space<hbm>> -> memref<80x16xf32, #tpu.memory_space<hbm>>
      %dma_wait3A_62 = arith.constant 0 : i32
      %dma_wait3A_63 = tpu.memref_slice %arg4[%add3A_50, %dma_wait3A_62] : memref<320000x16xf32, #tpu.memory_space<hbm>> -> memref<80x16xf32, #tpu.memory_space<hbm>>
      tpu.wait_dma2 semaphore(%run_scoped3A : memref<!tpu.dma_semaphore, #tpu.memory_space<semaphore_mem>>) src(%arg9 : memref<80x16xf32, #tpu.memory_space<vmem>>) dst(%dma_wait3A_63 : memref<80x16xf32, #tpu.memory_space<hbm>>)
      tpu.yield
    }) : () -> ()
    return
  }
}

#map = affine_map<(d0, d1) -> (0, 0)>
#map1 = affine_map<(d0, d1) -> (0)>
#map2 = affine_map<(d0, d1) -> (0, 0, 0)>
module attributes {stable_mosaic.version = 14 : i64} {
  func.func @_sc_edge_pass(%arg0: i32, %arg1: i32, %arg2: memref<10000x128xf32, #tpu.memory_space<hbm>>, %arg3: memref<10000x256xf32, #tpu.memory_space<hbm>>, %arg4: memref<40960000xf32, #tpu.memory_space<hbm>>, %arg5: memref<2x320000xi32, #tpu.memory_space<hbm>>, %arg6: memref<2x10240x144xf32, #tpu.memory_space<hbm>>, %arg7: memref<40xi32, #tpu.memory_space<vmem>>, %arg8: memref<40xi32, #tpu.memory_space<vmem>>, %arg9: memref<40xi32, #tpu.memory_space<vmem>>, %arg10: memref<40xi32, #tpu.memory_space<vmem>>, %arg11: memref<40x128xf32, #tpu.memory_space<vmem>>, %arg12: memref<40x256xf32, #tpu.memory_space<vmem>>, %arg13: memref<40x256xf32, #tpu.memory_space<vmem>>, %arg14: memref<5120xf32, #tpu.memory_space<vmem>>, %arg15: memref<40x144xf32, #tpu.memory_space<vmem>>, %arg16: memref<10240x144xf32, #tpu.memory_space<vmem_shared>>, %arg17: memref<!tpu.dma_semaphore, #tpu.memory_space<semaphore_mem>>, %arg18: memref<!tpu.dma_semaphore, #tpu.memory_space<semaphore_mem>>, %arg19: memref<!tpu.dma_semaphore, #tpu.memory_space<semaphore_mem>>, %arg20: memref<!tpu.dma_semaphore, #tpu.memory_space<semaphore_mem>>, %arg21: memref<!tpu.dma_semaphore, #tpu.memory_space<semaphore_mem>>) attributes {dimension_semantics = [#tpu.dimension_semantics<core_parallel>, #tpu.dimension_semantics<subcore_parallel>], iteration_bounds = array<i64: 2, 16>, scalar_prefetch = 0 : i64, scratch_operands = 15 : i64, tpu.core_type = #tpu.core_type<sc_vector_subcore>, window_params = [{transform_indices = #map}, {transform_indices = #map}, {transform_indices = #map1}, {transform_indices = #map}, {transform_indices = #map2}]} {
    %mul3A = arith.constant 2 : i32
    %mul3A_0 = arith.muli %arg1, %mul3A : i32
    %add3A = arith.addi %mul3A_0, %arg0 : i32
    %mul3A_1 = arith.constant 10000 : i32
    %mul3A_2 = arith.muli %add3A, %mul3A_1 : i32
    %mul3A_3 = arith.constant 640 : i32
    %mul3A_4 = arith.muli %arg1, %mul3A_3 : i32
    %iota3A = tpu.iota {dimensions = array<i32: 0>} : vector<16xi32>
    %broadcast_in_dim3A = arith.constant 15 : i32
    %broadcast_in_dim3A_5 = vector.broadcast %broadcast_in_dim3A : i32 to vector<16xi32>
    %scan3A = arith.constant 0 : i32
    %scan3A_6 = arith.constant 40 : i32
    %scan3A_7 = arith.addi %scan3A, %scan3A_6 : i32
    %scan3A_8 = arith.constant 1 : i32
    scf.for %scan3A_59 = %scan3A to %scan3A_7 step %scan3A_8  : i32 {
      %mul3A_60 = arith.constant 1 : i32
      %mul3A_61 = arith.muli %scan3A_59, %mul3A_60 : i32
      %add3A_62 = arith.constant 0 : i32
      %add3A_63 = arith.addi %add3A_62, %mul3A_61 : i32
      %broadcast_in_dim3A_64 = arith.constant 0.000000e+00 : f32
      %broadcast_in_dim3A_65 = vector.broadcast %broadcast_in_dim3A_64 : f32 to vector<16xf32>
      %swap3A = arith.index_cast %add3A_63 : i32 to index
      %swap3A_66 = arith.constant 0 : index
      %swap3A_67 = tpu.vector_load %arg15[%swap3A, %swap3A_66] {strides = array<i32>} : memref<40x144xf32, #tpu.memory_space<vmem>>, vector<16xf32>,
      tpu.vector_store %arg15[%swap3A, %swap3A_66], %broadcast_in_dim3A_65 {strides = array<i32>} : memref<40x144xf32, #tpu.memory_space<vmem>>, vector<16xf32>,
      %broadcast_in_dim3A_68 = arith.constant 0.000000e+00 : f32
      %broadcast_in_dim3A_69 = vector.broadcast %broadcast_in_dim3A_68 : f32 to vector<16xf32>
      %swap3A_70 = arith.index_cast %add3A_63 : i32 to index
      %swap3A_71 = arith.constant 16 : index
      %swap3A_72 = tpu.vector_load %arg15[%swap3A_70, %swap3A_71] {strides = array<i32>} : memref<40x144xf32, #tpu.memory_space<vmem>>, vector<16xf32>,
      tpu.vector_store %arg15[%swap3A_70, %swap3A_71], %broadcast_in_dim3A_69 {strides = array<i32>} : memref<40x144xf32, #tpu.memory_space<vmem>>, vector<16xf32>,
      %broadcast_in_dim3A_73 = arith.constant 0.000000e+00 : f32
      %broadcast_in_dim3A_74 = vector.broadcast %broadcast_in_dim3A_73 : f32 to vector<16xf32>
      %swap3A_75 = arith.index_cast %add3A_63 : i32 to index
      %swap3A_76 = arith.constant 32 : index
      %swap3A_77 = tpu.vector_load %arg15[%swap3A_75, %swap3A_76] {strides = array<i32>} : memref<40x144xf32, #tpu.memory_space<vmem>>, vector<16xf32>,
      tpu.vector_store %arg15[%swap3A_75, %swap3A_76], %broadcast_in_dim3A_74 {strides = array<i32>} : memref<40x144xf32, #tpu.memory_space<vmem>>, vector<16xf32>,
      %broadcast_in_dim3A_78 = arith.constant 0.000000e+00 : f32
      %broadcast_in_dim3A_79 = vector.broadcast %broadcast_in_dim3A_78 : f32 to vector<16xf32>
      %swap3A_80 = arith.index_cast %add3A_63 : i32 to index
      %swap3A_81 = arith.constant 48 : index
      %swap3A_82 = tpu.vector_load %arg15[%swap3A_80, %swap3A_81] {strides = array<i32>} : memref<40x144xf32, #tpu.memory_space<vmem>>, vector<16xf32>,
      tpu.vector_store %arg15[%swap3A_80, %swap3A_81], %broadcast_in_dim3A_79 {strides = array<i32>} : memref<40x144xf32, #tpu.memory_space<vmem>>, vector<16xf32>,
      %broadcast_in_dim3A_83 = arith.constant 0.000000e+00 : f32
      %broadcast_in_dim3A_84 = vector.broadcast %broadcast_in_dim3A_83 : f32 to vector<16xf32>
      %swap3A_85 = arith.index_cast %add3A_63 : i32 to index
      %swap3A_86 = arith.constant 64 : index
      %swap3A_87 = tpu.vector_load %arg15[%swap3A_85, %swap3A_86] {strides = array<i32>} : memref<40x144xf32, #tpu.memory_space<vmem>>, vector<16xf32>,
      tpu.vector_store %arg15[%swap3A_85, %swap3A_86], %broadcast_in_dim3A_84 {strides = array<i32>} : memref<40x144xf32, #tpu.memory_space<vmem>>, vector<16xf32>,
      %broadcast_in_dim3A_88 = arith.constant 0.000000e+00 : f32
      %broadcast_in_dim3A_89 = vector.broadcast %broadcast_in_dim3A_88 : f32 to vector<16xf32>
      %swap3A_90 = arith.index_cast %add3A_63 : i32 to index
      %swap3A_91 = arith.constant 80 : index
      %swap3A_92 = tpu.vector_load %arg15[%swap3A_90, %swap3A_91] {strides = array<i32>} : memref<40x144xf32, #tpu.memory_space<vmem>>, vector<16xf32>,
      tpu.vector_store %arg15[%swap3A_90, %swap3A_91], %broadcast_in_dim3A_89 {strides = array<i32>} : memref<40x144xf32, #tpu.memory_space<vmem>>, vector<16xf32>,
      %broadcast_in_dim3A_93 = arith.constant 0.000000e+00 : f32
      %broadcast_in_dim3A_94 = vector.broadcast %broadcast_in_dim3A_93 : f32 to vector<16xf32>
      %swap3A_95 = arith.index_cast %add3A_63 : i32 to index
      %swap3A_96 = arith.constant 96 : index
      %swap3A_97 = tpu.vector_load %arg15[%swap3A_95, %swap3A_96] {strides = array<i32>} : memref<40x144xf32, #tpu.memory_space<vmem>>, vector<16xf32>,
      tpu.vector_store %arg15[%swap3A_95, %swap3A_96], %broadcast_in_dim3A_94 {strides = array<i32>} : memref<40x144xf32, #tpu.memory_space<vmem>>, vector<16xf32>,
      %broadcast_in_dim3A_98 = arith.constant 0.000000e+00 : f32
      %broadcast_in_dim3A_99 = vector.broadcast %broadcast_in_dim3A_98 : f32 to vector<16xf32>
      %swap3A_100 = arith.index_cast %add3A_63 : i32 to index
      %swap3A_101 = arith.constant 112 : index
      %swap3A_102 = tpu.vector_load %arg15[%swap3A_100, %swap3A_101] {strides = array<i32>} : memref<40x144xf32, #tpu.memory_space<vmem>>, vector<16xf32>,
      tpu.vector_store %arg15[%swap3A_100, %swap3A_101], %broadcast_in_dim3A_99 {strides = array<i32>} : memref<40x144xf32, #tpu.memory_space<vmem>>, vector<16xf32>,
      %broadcast_in_dim3A_103 = arith.constant 0.000000e+00 : f32
      %broadcast_in_dim3A_104 = vector.broadcast %broadcast_in_dim3A_103 : f32 to vector<16xf32>
      %swap3A_105 = arith.index_cast %add3A_63 : i32 to index
      %swap3A_106 = arith.constant 128 : index
      %swap3A_107 = tpu.vector_load %arg15[%swap3A_105, %swap3A_106] {strides = array<i32>} : memref<40x144xf32, #tpu.memory_space<vmem>>, vector<16xf32>,
      tpu.vector_store %arg15[%swap3A_105, %swap3A_106], %broadcast_in_dim3A_104 {strides = array<i32>} : memref<40x144xf32, #tpu.memory_space<vmem>>, vector<16xf32>,
    }
    %scan3A_9 = arith.constant 40 : i32
    %scan3A_10 = arith.constant 0 : i32
    %scan3A_11 = arith.constant 16 : i32
    %scan3A_12 = arith.addi %scan3A_10, %scan3A_11 : i32
    %scan3A_13 = arith.constant 1 : i32
    scf.for %scan3A_59 = %scan3A_10 to %scan3A_12 step %scan3A_13  : i32 {
      %mul3A_60 = arith.constant 1 : i32
      %mul3A_61 = arith.muli %scan3A_59, %mul3A_60 : i32
      %add3A_62 = arith.constant 0 : i32
      %add3A_63 = arith.addi %add3A_62, %mul3A_61 : i32
      %mul3A_64 = arith.constant 40 : i32
      %mul3A_65 = arith.muli %add3A_63, %mul3A_64 : i32
      %add3A_66 = arith.addi %mul3A_4, %mul3A_65 : i32
      "tpu.region"() ({
        %run_scoped3A = tpu.sem_alloc : memref<!tpu.dma_semaphore, #tpu.memory_space<semaphore_mem>>
        %dma_start3A_67 = arith.constant 0 : i32
        %dma_start3A_68 = tpu.memref_slice %arg16[%add3A_66, %dma_start3A_67] : memref<10240x144xf32, #tpu.memory_space<vmem_shared>> -> memref<40x144xf32, #tpu.memory_space<vmem_shared>>
        %dma_start3A_69 = arith.constant 0 : i32
        %dma_start3A_70 = tpu.memref_slice %arg16[%add3A_66, %dma_start3A_69] : memref<10240x144xf32, #tpu.memory_space<vmem_shared>> -> memref<40x144xf32, #tpu.memory_space<vmem_shared>>
        tpu.enqueue_dma source(%arg15 : memref<40x144xf32, #tpu.memory_space<vmem>>) target(%dma_start3A_70 : memref<40x144xf32, #tpu.memory_space<vmem_shared>>) target_semaphore(%run_scoped3A : memref<!tpu.dma_semaphore, #tpu.memory_space<semaphore_mem>>)
        %dma_wait3A_71 = arith.constant 0 : i32
        %dma_wait3A_72 = tpu.memref_slice %arg16[%add3A_66, %dma_wait3A_71] : memref<10240x144xf32, #tpu.memory_space<vmem_shared>> -> memref<40x144xf32, #tpu.memory_space<vmem_shared>>
        %dma_wait3A_73 = arith.constant 0 : i32
        %dma_wait3A_74 = tpu.memref_slice %arg16[%add3A_66, %dma_wait3A_73] : memref<10240x144xf32, #tpu.memory_space<vmem_shared>> -> memref<40x144xf32, #tpu.memory_space<vmem_shared>>
        tpu.wait_dma2 semaphore(%run_scoped3A : memref<!tpu.dma_semaphore, #tpu.memory_space<semaphore_mem>>) src(%arg15 : memref<40x144xf32, #tpu.memory_space<vmem>>) dst(%dma_wait3A_74 : memref<40x144xf32, #tpu.memory_space<vmem_shared>>)
        tpu.yield
      }) : () -> ()
    }
    %scan3A_14 = arith.constant 16 : i32
    %barrier3A = arith.constant 0 : index
    tpu.barrier barrier_id(%barrier3A)
    %dma_start3A = arith.constant 0 : i32
    %dma_start3A_15 = tpu.memref_slice %arg5[%dma_start3A, %mul3A_2] : memref<2x320000xi32, #tpu.memory_space<hbm>> -> memref<1x40xi32, #tpu.memory_space<hbm>>
    %dma_start3A_16 = tpu.memref_squeeze %dma_start3A_15 : memref<1x40xi32, #tpu.memory_space<hbm>> -> memref<40xi32, #tpu.memory_space<hbm>>
    %dma_start3A_17 = tpu.memref_slice %arg5[%dma_start3A, %mul3A_2] : memref<2x320000xi32, #tpu.memory_space<hbm>> -> memref<1x40xi32, #tpu.memory_space<hbm>>
    %dma_start3A_18 = tpu.memref_squeeze %dma_start3A_17 : memref<1x40xi32, #tpu.memory_space<hbm>> -> memref<40xi32, #tpu.memory_space<hbm>>
    tpu.enqueue_dma source(%dma_start3A_18 : memref<40xi32, #tpu.memory_space<hbm>>) target(%arg7 : memref<40xi32, #tpu.memory_space<vmem>>) target_semaphore(%arg17 : memref<!tpu.dma_semaphore, #tpu.memory_space<semaphore_mem>>)
    %dma_start3A_19 = arith.constant 1 : i32
    %dma_start3A_20 = tpu.memref_slice %arg5[%dma_start3A_19, %mul3A_2] : memref<2x320000xi32, #tpu.memory_space<hbm>> -> memref<1x40xi32, #tpu.memory_space<hbm>>
    %dma_start3A_21 = tpu.memref_squeeze %dma_start3A_20 : memref<1x40xi32, #tpu.memory_space<hbm>> -> memref<40xi32, #tpu.memory_space<hbm>>
    %dma_start3A_22 = tpu.memref_slice %arg5[%dma_start3A_19, %mul3A_2] : memref<2x320000xi32, #tpu.memory_space<hbm>> -> memref<1x40xi32, #tpu.memory_space<hbm>>
    %dma_start3A_23 = tpu.memref_squeeze %dma_start3A_22 : memref<1x40xi32, #tpu.memory_space<hbm>> -> memref<40xi32, #tpu.memory_space<hbm>>
    tpu.enqueue_dma source(%dma_start3A_23 : memref<40xi32, #tpu.memory_space<hbm>>) target(%arg9 : memref<40xi32, #tpu.memory_space<vmem>>) target_semaphore(%arg17 : memref<!tpu.dma_semaphore, #tpu.memory_space<semaphore_mem>>)
    %dma_wait3A = arith.constant 0 : i32
    %dma_wait3A_24 = tpu.memref_slice %arg5[%dma_wait3A, %mul3A_2] : memref<2x320000xi32, #tpu.memory_space<hbm>> -> memref<1x40xi32, #tpu.memory_space<hbm>>
    %dma_wait3A_25 = tpu.memref_squeeze %dma_wait3A_24 : memref<1x40xi32, #tpu.memory_space<hbm>> -> memref<40xi32, #tpu.memory_space<hbm>>
    %dma_wait3A_26 = tpu.memref_slice %arg5[%dma_wait3A, %mul3A_2] : memref<2x320000xi32, #tpu.memory_space<hbm>> -> memref<1x40xi32, #tpu.memory_space<hbm>>
    %dma_wait3A_27 = tpu.memref_squeeze %dma_wait3A_26 : memref<1x40xi32, #tpu.memory_space<hbm>> -> memref<40xi32, #tpu.memory_space<hbm>>
    tpu.wait_dma2 semaphore(%arg17 : memref<!tpu.dma_semaphore, #tpu.memory_space<semaphore_mem>>) src(%dma_wait3A_27 : memref<40xi32, #tpu.memory_space<hbm>>) dst(%arg7 : memref<40xi32, #tpu.memory_space<vmem>>)
    %dma_wait3A_28 = arith.constant 1 : i32
    %dma_wait3A_29 = tpu.memref_slice %arg5[%dma_wait3A_28, %mul3A_2] : memref<2x320000xi32, #tpu.memory_space<hbm>> -> memref<1x40xi32, #tpu.memory_space<hbm>>
    %dma_wait3A_30 = tpu.memref_squeeze %dma_wait3A_29 : memref<1x40xi32, #tpu.memory_space<hbm>> -> memref<40xi32, #tpu.memory_space<hbm>>
    %dma_wait3A_31 = tpu.memref_slice %arg5[%dma_wait3A_28, %mul3A_2] : memref<2x320000xi32, #tpu.memory_space<hbm>> -> memref<1x40xi32, #tpu.memory_space<hbm>>
    %dma_wait3A_32 = tpu.memref_squeeze %dma_wait3A_31 : memref<1x40xi32, #tpu.memory_space<hbm>> -> memref<40xi32, #tpu.memory_space<hbm>>
    tpu.wait_dma2 semaphore(%arg17 : memref<!tpu.dma_semaphore, #tpu.memory_space<semaphore_mem>>) src(%dma_wait3A_32 : memref<40xi32, #tpu.memory_space<hbm>>) dst(%arg9 : memref<40xi32, #tpu.memory_space<vmem>>)
    %dma_start3A_33 = arith.constant 0 : i32
    %dma_start3A_34 = arith.constant 0 : i32
    %dma_start3A_35 = tpu.memref_slice %arg3[%dma_start3A_33, %dma_start3A_34] : memref<10000x256xf32, #tpu.memory_space<hbm>> -> memref<10000x256xf32, #tpu.memory_space<hbm>>
    tpu.enqueue_indirect_dma source(%dma_start3A_35 : memref<10000x256xf32, #tpu.memory_space<hbm>>) target(%arg12 : memref<40x256xf32, #tpu.memory_space<vmem>>) offsets(%arg7 : memref<40xi32, #tpu.memory_space<vmem>>) semaphore(%arg19 : memref<!tpu.dma_semaphore, #tpu.memory_space<semaphore_mem>>)
    %add3A_36 = arith.constant 40 : i32
    %add3A_37 = arith.addi %mul3A_2, %add3A_36 : i32
    %dma_start3A_38 = arith.constant 0 : i32
    %dma_start3A_39 = tpu.memref_slice %arg5[%dma_start3A_38, %add3A_37] : memref<2x320000xi32, #tpu.memory_space<hbm>> -> memref<1x40xi32, #tpu.memory_space<hbm>>
    %dma_start3A_40 = tpu.memref_squeeze %dma_start3A_39 : memref<1x40xi32, #tpu.memory_space<hbm>> -> memref<40xi32, #tpu.memory_space<hbm>>
    %dma_start3A_41 = tpu.memref_slice %arg5[%dma_start3A_38, %add3A_37] : memref<2x320000xi32, #tpu.memory_space<hbm>> -> memref<1x40xi32, #tpu.memory_space<hbm>>
    %dma_start3A_42 = tpu.memref_squeeze %dma_start3A_41 : memref<1x40xi32, #tpu.memory_space<hbm>> -> memref<40xi32, #tpu.memory_space<hbm>>
    tpu.enqueue_dma source(%dma_start3A_42 : memref<40xi32, #tpu.memory_space<hbm>>) target(%arg8 : memref<40xi32, #tpu.memory_space<vmem>>) target_semaphore(%arg18 : memref<!tpu.dma_semaphore, #tpu.memory_space<semaphore_mem>>)
    %dma_start3A_43 = arith.constant 1 : i32
    %dma_start3A_44 = tpu.memref_slice %arg5[%dma_start3A_43, %add3A_37] : memref<2x320000xi32, #tpu.memory_space<hbm>> -> memref<1x40xi32, #tpu.memory_space<hbm>>
    %dma_start3A_45 = tpu.memref_squeeze %dma_start3A_44 : memref<1x40xi32, #tpu.memory_space<hbm>> -> memref<40xi32, #tpu.memory_space<hbm>>
    %dma_start3A_46 = tpu.memref_slice %arg5[%dma_start3A_43, %add3A_37] : memref<2x320000xi32, #tpu.memory_space<hbm>> -> memref<1x40xi32, #tpu.memory_space<hbm>>
    %dma_start3A_47 = tpu.memref_squeeze %dma_start3A_46 : memref<1x40xi32, #tpu.memory_space<hbm>> -> memref<40xi32, #tpu.memory_space<hbm>>
    tpu.enqueue_dma source(%dma_start3A_47 : memref<40xi32, #tpu.memory_space<hbm>>) target(%arg10 : memref<40xi32, #tpu.memory_space<vmem>>) target_semaphore(%arg18 : memref<!tpu.dma_semaphore, #tpu.memory_space<semaphore_mem>>)
    %scan3A_48 = arith.constant 0 : i32
    %scan3A_49 = arith.constant 125 : i32
    %scan3A_50 = arith.addi %scan3A_48, %scan3A_49 : i32
    %scan3A_51 = arith.constant 1 : i32
    scf.for %scan3A_59 = %scan3A_48 to %scan3A_50 step %scan3A_51  : i32 {
      %mul3A_60 = arith.constant 1 : i32
      %mul3A_61 = arith.muli %scan3A_59, %mul3A_60 : i32
      %add3A_62 = arith.constant 0 : i32
      %add3A_63 = arith.addi %add3A_62, %mul3A_61 : i32
      %mul3A_64 = arith.constant 2 : i32
      %mul3A_65 = arith.muli %add3A_63, %mul3A_64 : i32
      %mul3A_66 = arith.constant 40 : i32
      %mul3A_67 = arith.muli %mul3A_65, %mul3A_66 : i32
      %add3A_68 = arith.addi %mul3A_2, %mul3A_67 : i32
      %multiple_of3A = tpu.assume_multiple %add3A_68, 8 : i32
      %add3A_69 = arith.constant 40 : i32
      %add3A_70 = arith.addi %multiple_of3A, %add3A_69 : i32
      %multiple_of3A_71 = tpu.assume_multiple %add3A_70, 8 : i32
      %dma_start3A_72 = arith.constant 0 : i32
      %dma_start3A_73 = arith.constant 0 : i32
      %dma_start3A_74 = tpu.memref_slice %arg2[%dma_start3A_72, %dma_start3A_73] : memref<10000x128xf32, #tpu.memory_space<hbm>> -> memref<10000x128xf32, #tpu.memory_space<hbm>>
      tpu.enqueue_indirect_dma source(%dma_start3A_74 : memref<10000x128xf32, #tpu.memory_space<hbm>>) target(%arg11 : memref<40x128xf32, #tpu.memory_space<vmem>>) offsets(%arg9 : memref<40xi32, #tpu.memory_space<vmem>>) semaphore(%arg21 : memref<!tpu.dma_semaphore, #tpu.memory_space<semaphore_mem>>)
      %mul3A_75 = arith.constant 128 : i32
      %mul3A_76 = arith.muli %multiple_of3A, %mul3A_75 : i32
      %dma_start3A_77 = tpu.memref_slice %arg4[%mul3A_76] : memref<40960000xf32, #tpu.memory_space<hbm>> -> memref<5120xf32, #tpu.memory_space<hbm>>
      %dma_start3A_78 = tpu.memref_slice %arg4[%mul3A_76] : memref<40960000xf32, #tpu.memory_space<hbm>> -> memref<5120xf32, #tpu.memory_space<hbm>>
      tpu.enqueue_dma source(%dma_start3A_78 : memref<5120xf32, #tpu.memory_space<hbm>>) target(%arg14 : memref<5120xf32, #tpu.memory_space<vmem>>) target_semaphore(%arg21 : memref<!tpu.dma_semaphore, #tpu.memory_space<semaphore_mem>>)
      %dma_wait3A_79 = arith.constant 0 : i32
      %dma_wait3A_80 = tpu.memref_slice %arg5[%dma_wait3A_79, %multiple_of3A_71] : memref<2x320000xi32, #tpu.memory_space<hbm>> -> memref<1x40xi32, #tpu.memory_space<hbm>>
      %dma_wait3A_81 = tpu.memref_squeeze %dma_wait3A_80 : memref<1x40xi32, #tpu.memory_space<hbm>> -> memref<40xi32, #tpu.memory_space<hbm>>
      %dma_wait3A_82 = tpu.memref_slice %arg5[%dma_wait3A_79, %multiple_of3A_71] : memref<2x320000xi32, #tpu.memory_space<hbm>> -> memref<1x40xi32, #tpu.memory_space<hbm>>
      %dma_wait3A_83 = tpu.memref_squeeze %dma_wait3A_82 : memref<1x40xi32, #tpu.memory_space<hbm>> -> memref<40xi32, #tpu.memory_space<hbm>>
      tpu.wait_dma2 semaphore(%arg18 : memref<!tpu.dma_semaphore, #tpu.memory_space<semaphore_mem>>) src(%dma_wait3A_83 : memref<40xi32, #tpu.memory_space<hbm>>) dst(%arg8 : memref<40xi32, #tpu.memory_space<vmem>>)
      %dma_wait3A_84 = arith.constant 1 : i32
      %dma_wait3A_85 = tpu.memref_slice %arg5[%dma_wait3A_84, %multiple_of3A_71] : memref<2x320000xi32, #tpu.memory_space<hbm>> -> memref<1x40xi32, #tpu.memory_space<hbm>>
      %dma_wait3A_86 = tpu.memref_squeeze %dma_wait3A_85 : memref<1x40xi32, #tpu.memory_space<hbm>> -> memref<40xi32, #tpu.memory_space<hbm>>
      %dma_wait3A_87 = tpu.memref_slice %arg5[%dma_wait3A_84, %multiple_of3A_71] : memref<2x320000xi32, #tpu.memory_space<hbm>> -> memref<1x40xi32, #tpu.memory_space<hbm>>
      %dma_wait3A_88 = tpu.memref_squeeze %dma_wait3A_87 : memref<1x40xi32, #tpu.memory_space<hbm>> -> memref<40xi32, #tpu.memory_space<hbm>>
      tpu.wait_dma2 semaphore(%arg18 : memref<!tpu.dma_semaphore, #tpu.memory_space<semaphore_mem>>) src(%dma_wait3A_88 : memref<40xi32, #tpu.memory_space<hbm>>) dst(%arg10 : memref<40xi32, #tpu.memory_space<vmem>>)
      %dma_start3A_89 = arith.constant 0 : i32
      %dma_start3A_90 = arith.constant 0 : i32
      %dma_start3A_91 = tpu.memref_slice %arg3[%dma_start3A_89, %dma_start3A_90] : memref<10000x256xf32, #tpu.memory_space<hbm>> -> memref<10000x256xf32, #tpu.memory_space<hbm>>
      tpu.enqueue_indirect_dma source(%dma_start3A_91 : memref<10000x256xf32, #tpu.memory_space<hbm>>) target(%arg13 : memref<40x256xf32, #tpu.memory_space<vmem>>) offsets(%arg8 : memref<40xi32, #tpu.memory_space<vmem>>) semaphore(%arg20 : memref<!tpu.dma_semaphore, #tpu.memory_space<semaphore_mem>>)
      %dma_wait3A_92 = arith.constant 0 : i32
      %dma_wait3A_93 = arith.constant 0 : i32
      %dma_wait3A_94 = tpu.memref_slice %arg3[%dma_wait3A_92, %dma_wait3A_93] : memref<10000x256xf32, #tpu.memory_space<hbm>> -> memref<10000x256xf32, #tpu.memory_space<hbm>>
      tpu.wait_indirect_dma semaphore(%arg19 : memref<!tpu.dma_semaphore, #tpu.memory_space<semaphore_mem>>) src(%dma_wait3A_94 : memref<10000x256xf32, #tpu.memory_space<hbm>>) dst(%arg12 : memref<40x256xf32, #tpu.memory_space<vmem>>)
      %dma_wait3A_95 = arith.constant 0 : i32
      %dma_wait3A_96 = arith.constant 0 : i32
      %dma_wait3A_97 = tpu.memref_slice %arg2[%dma_wait3A_95, %dma_wait3A_96] : memref<10000x128xf32, #tpu.memory_space<hbm>> -> memref<10000x128xf32, #tpu.memory_space<hbm>>
      tpu.wait_indirect_dma semaphore(%arg21 : memref<!tpu.dma_semaphore, #tpu.memory_space<semaphore_mem>>) src(%dma_wait3A_97 : memref<10000x128xf32, #tpu.memory_space<hbm>>) dst(%arg11 : memref<40x128xf32, #tpu.memory_space<vmem>>)
      %mul3A_98 = arith.constant 128 : i32
      %mul3A_99 = arith.muli %multiple_of3A, %mul3A_98 : i32
      %dma_wait3A_100 = tpu.memref_slice %arg4[%mul3A_99] : memref<40960000xf32, #tpu.memory_space<hbm>> -> memref<5120xf32, #tpu.memory_space<hbm>>
      %dma_wait3A_101 = tpu.memref_slice %arg4[%mul3A_99] : memref<40960000xf32, #tpu.memory_space<hbm>> -> memref<5120xf32, #tpu.memory_space<hbm>>
      tpu.wait_dma2 semaphore(%arg21 : memref<!tpu.dma_semaphore, #tpu.memory_space<semaphore_mem>>) src(%dma_wait3A_101 : memref<5120xf32, #tpu.memory_space<hbm>>) dst(%arg14 : memref<5120xf32, #tpu.memory_space<vmem>>)
      %scan3A_102 = arith.constant 0 : i32
      %scan3A_103 = arith.constant 20 : i32
      %scan3A_104 = arith.addi %scan3A_102, %scan3A_103 : i32
      %scan3A_105 = arith.constant 1 : i32
      scf.for %scan3A_136 = %scan3A_102 to %scan3A_104 step %scan3A_105  : i32 {
        %mul3A_137 = arith.constant 2 : i32
        %mul3A_138 = arith.muli %scan3A_136, %mul3A_137 : i32
        %add3A_139 = arith.constant 0 : i32
        %add3A_140 = arith.addi %add3A_139, %mul3A_138 : i32
        %add3A_141 = arith.constant 0 : i32
        %add3A_142 = arith.addi %add3A_140, %add3A_141 : i32
        %get3A = arith.index_cast %add3A_142 : i32 to index
        %get3A_143 = arith.constant 0 : index
        %get3A_144 = tpu.vector_load %arg12[%get3A, %get3A_143] {strides = array<i32>} : memref<40x256xf32, #tpu.memory_space<vmem>>, vector<16xf32>,
        %mul3A_145 = arith.constant 128 : i32
        %mul3A_146 = arith.muli %add3A_142, %mul3A_145 : i32
        %add3A_147 = arith.constant 0 : i32
        %add3A_148 = arith.addi %mul3A_146, %add3A_147 : i32
        %get3A_149 = arith.index_cast %add3A_148 : i32 to index
        %get3A_150 = tpu.vector_load %arg14[%get3A_149] {strides = array<i32>} : memref<5120xf32, #tpu.memory_space<vmem>>, vector<16xf32>,
        %get3A_151 = arith.index_cast %add3A_142 : i32 to index
        %get3A_152 = arith.constant 128 : index
        %get3A_153 = tpu.vector_load %arg12[%get3A_151, %get3A_152] {strides = array<i32>} : memref<40x256xf32, #tpu.memory_space<vmem>>, vector<16xf32>,
        %get3A_154 = arith.index_cast %add3A_142 : i32 to index
        %get3A_155 = arith.constant 0 : index
        %get3A_156 = tpu.vector_load %arg11[%get3A_154, %get3A_155] {strides = array<i32>} : memref<40x128xf32, #tpu.memory_space<vmem>>, vector<16xf32>,
        %add3A_157 = arith.addf %get3A_144, %get3A_150 : vector<16xf32>
        %mul3A_158 = arith.mulf %get3A_156, %add3A_157 : vector<16xf32>
        %add3A_159 = arith.addf %get3A_153, %get3A_150 : vector<16xf32>
        %get3A_160 = arith.index_cast %add3A_142 : i32 to index
        %get3A_161 = arith.constant 16 : index
        %get3A_162 = tpu.vector_load %arg12[%get3A_160, %get3A_161] {strides = array<i32>} : memref<40x256xf32, #tpu.memory_space<vmem>>, vector<16xf32>,
        %mul3A_163 = arith.constant 128 : i32
        %mul3A_164 = arith.muli %add3A_142, %mul3A_163 : i32
        %add3A_165 = arith.constant 16 : i32
        %add3A_166 = arith.addi %mul3A_164, %add3A_165 : i32
        %get3A_167 = arith.index_cast %add3A_166 : i32 to index
        %get3A_168 = tpu.vector_load %arg14[%get3A_167] {strides = array<i32>} : memref<5120xf32, #tpu.memory_space<vmem>>, vector<16xf32>,
        %get3A_169 = arith.index_cast %add3A_142 : i32 to index
        %get3A_170 = arith.constant 144 : index
        %get3A_171 = tpu.vector_load %arg12[%get3A_169, %get3A_170] {strides = array<i32>} : memref<40x256xf32, #tpu.memory_space<vmem>>, vector<16xf32>,
        %get3A_172 = arith.index_cast %add3A_142 : i32 to index
        %get3A_173 = arith.constant 16 : index
        %get3A_174 = tpu.vector_load %arg11[%get3A_172, %get3A_173] {strides = array<i32>} : memref<40x128xf32, #tpu.memory_space<vmem>>, vector<16xf32>,
        %add3A_175 = arith.addf %get3A_162, %get3A_168 : vector<16xf32>
        %mul3A_176 = arith.mulf %get3A_174, %add3A_175 : vector<16xf32>
        %add3A_177 = arith.addf %get3A_171, %get3A_168 : vector<16xf32>
        %get3A_178 = arith.index_cast %add3A_142 : i32 to index
        %get3A_179 = arith.constant 32 : index
        %get3A_180 = tpu.vector_load %arg12[%get3A_178, %get3A_179] {strides = array<i32>} : memref<40x256xf32, #tpu.memory_space<vmem>>, vector<16xf32>,
        %mul3A_181 = arith.constant 128 : i32
        %mul3A_182 = arith.muli %add3A_142, %mul3A_181 : i32
        %add3A_183 = arith.constant 32 : i32
        %add3A_184 = arith.addi %mul3A_182, %add3A_183 : i32
        %get3A_185 = arith.index_cast %add3A_184 : i32 to index
        %get3A_186 = tpu.vector_load %arg14[%get3A_185] {strides = array<i32>} : memref<5120xf32, #tpu.memory_space<vmem>>, vector<16xf32>,
        %get3A_187 = arith.index_cast %add3A_142 : i32 to index
        %get3A_188 = arith.constant 160 : index
        %get3A_189 = tpu.vector_load %arg12[%get3A_187, %get3A_188] {strides = array<i32>} : memref<40x256xf32, #tpu.memory_space<vmem>>, vector<16xf32>,
        %get3A_190 = arith.index_cast %add3A_142 : i32 to index
        %get3A_191 = arith.constant 32 : index
        %get3A_192 = tpu.vector_load %arg11[%get3A_190, %get3A_191] {strides = array<i32>} : memref<40x128xf32, #tpu.memory_space<vmem>>, vector<16xf32>,
        %add3A_193 = arith.addf %get3A_180, %get3A_186 : vector<16xf32>
        %mul3A_194 = arith.mulf %get3A_192, %add3A_193 : vector<16xf32>
        %add3A_195 = arith.addf %get3A_189, %get3A_186 : vector<16xf32>
        %get3A_196 = arith.index_cast %add3A_142 : i32 to index
        %get3A_197 = arith.constant 48 : index
        %get3A_198 = tpu.vector_load %arg12[%get3A_196, %get3A_197] {strides = array<i32>} : memref<40x256xf32, #tpu.memory_space<vmem>>, vector<16xf32>,
        %mul3A_199 = arith.constant 128 : i32
        %mul3A_200 = arith.muli %add3A_142, %mul3A_199 : i32
        %add3A_201 = arith.constant 48 : i32
        %add3A_202 = arith.addi %mul3A_200, %add3A_201 : i32
        %get3A_203 = arith.index_cast %add3A_202 : i32 to index
        %get3A_204 = tpu.vector_load %arg14[%get3A_203] {strides = array<i32>} : memref<5120xf32, #tpu.memory_space<vmem>>, vector<16xf32>,
        %get3A_205 = arith.index_cast %add3A_142 : i32 to index
        %get3A_206 = arith.constant 176 : index
        %get3A_207 = tpu.vector_load %arg12[%get3A_205, %get3A_206] {strides = array<i32>} : memref<40x256xf32, #tpu.memory_space<vmem>>, vector<16xf32>,
        %get3A_208 = arith.index_cast %add3A_142 : i32 to index
        %get3A_209 = arith.constant 48 : index
        %get3A_210 = tpu.vector_load %arg11[%get3A_208, %get3A_209] {strides = array<i32>} : memref<40x128xf32, #tpu.memory_space<vmem>>, vector<16xf32>,
        %add3A_211 = arith.addf %get3A_198, %get3A_204 : vector<16xf32>
        %mul3A_212 = arith.mulf %get3A_210, %add3A_211 : vector<16xf32>
        %add3A_213 = arith.addf %get3A_207, %get3A_204 : vector<16xf32>
        %get3A_214 = arith.index_cast %add3A_142 : i32 to index
        %get3A_215 = arith.constant 64 : index
        %get3A_216 = tpu.vector_load %arg12[%get3A_214, %get3A_215] {strides = array<i32>} : memref<40x256xf32, #tpu.memory_space<vmem>>, vector<16xf32>,
        %mul3A_217 = arith.constant 128 : i32
        %mul3A_218 = arith.muli %add3A_142, %mul3A_217 : i32
        %add3A_219 = arith.constant 64 : i32
        %add3A_220 = arith.addi %mul3A_218, %add3A_219 : i32
        %get3A_221 = arith.index_cast %add3A_220 : i32 to index
        %get3A_222 = tpu.vector_load %arg14[%get3A_221] {strides = array<i32>} : memref<5120xf32, #tpu.memory_space<vmem>>, vector<16xf32>,
        %get3A_223 = arith.index_cast %add3A_142 : i32 to index
        %get3A_224 = arith.constant 192 : index
        %get3A_225 = tpu.vector_load %arg12[%get3A_223, %get3A_224] {strides = array<i32>} : memref<40x256xf32, #tpu.memory_space<vmem>>, vector<16xf32>,
        %get3A_226 = arith.index_cast %add3A_142 : i32 to index
        %get3A_227 = arith.constant 64 : index
        %get3A_228 = tpu.vector_load %arg11[%get3A_226, %get3A_227] {strides = array<i32>} : memref<40x128xf32, #tpu.memory_space<vmem>>, vector<16xf32>,
        %add3A_229 = arith.addf %get3A_216, %get3A_222 : vector<16xf32>
        %mul3A_230 = arith.mulf %get3A_228, %add3A_229 : vector<16xf32>
        %add3A_231 = arith.addf %get3A_225, %get3A_222 : vector<16xf32>
        %get3A_232 = arith.index_cast %add3A_142 : i32 to index
        %get3A_233 = arith.constant 80 : index
        %get3A_234 = tpu.vector_load %arg12[%get3A_232, %get3A_233] {strides = array<i32>} : memref<40x256xf32, #tpu.memory_space<vmem>>, vector<16xf32>,
        %mul3A_235 = arith.constant 128 : i32
        %mul3A_236 = arith.muli %add3A_142, %mul3A_235 : i32
        %add3A_237 = arith.constant 80 : i32
        %add3A_238 = arith.addi %mul3A_236, %add3A_237 : i32
        %get3A_239 = arith.index_cast %add3A_238 : i32 to index
        %get3A_240 = tpu.vector_load %arg14[%get3A_239] {strides = array<i32>} : memref<5120xf32, #tpu.memory_space<vmem>>, vector<16xf32>,
        %get3A_241 = arith.index_cast %add3A_142 : i32 to index
        %get3A_242 = arith.constant 208 : index
        %get3A_243 = tpu.vector_load %arg12[%get3A_241, %get3A_242] {strides = array<i32>} : memref<40x256xf32, #tpu.memory_space<vmem>>, vector<16xf32>,
        %get3A_244 = arith.index_cast %add3A_142 : i32 to index
        %get3A_245 = arith.constant 80 : index
        %get3A_246 = tpu.vector_load %arg11[%get3A_244, %get3A_245] {strides = array<i32>} : memref<40x128xf32, #tpu.memory_space<vmem>>, vector<16xf32>,
        %add3A_247 = arith.addf %get3A_234, %get3A_240 : vector<16xf32>
        %mul3A_248 = arith.mulf %get3A_246, %add3A_247 : vector<16xf32>
        %add3A_249 = arith.addf %get3A_243, %get3A_240 : vector<16xf32>
        %get3A_250 = arith.index_cast %add3A_142 : i32 to index
        %get3A_251 = arith.constant 96 : index
        %get3A_252 = tpu.vector_load %arg12[%get3A_250, %get3A_251] {strides = array<i32>} : memref<40x256xf32, #tpu.memory_space<vmem>>, vector<16xf32>,
        %mul3A_253 = arith.constant 128 : i32
        %mul3A_254 = arith.muli %add3A_142, %mul3A_253 : i32
        %add3A_255 = arith.constant 96 : i32
        %add3A_256 = arith.addi %mul3A_254, %add3A_255 : i32
        %get3A_257 = arith.index_cast %add3A_256 : i32 to index
        %get3A_258 = tpu.vector_load %arg14[%get3A_257] {strides = array<i32>} : memref<5120xf32, #tpu.memory_space<vmem>>, vector<16xf32>,
        %get3A_259 = arith.index_cast %add3A_142 : i32 to index
        %get3A_260 = arith.constant 224 : index
        %get3A_261 = tpu.vector_load %arg12[%get3A_259, %get3A_260] {strides = array<i32>} : memref<40x256xf32, #tpu.memory_space<vmem>>, vector<16xf32>,
        %get3A_262 = arith.index_cast %add3A_142 : i32 to index
        %get3A_263 = arith.constant 96 : index
        %get3A_264 = tpu.vector_load %arg11[%get3A_262, %get3A_263] {strides = array<i32>} : memref<40x128xf32, #tpu.memory_space<vmem>>, vector<16xf32>,
        %add3A_265 = arith.addf %get3A_252, %get3A_258 : vector<16xf32>
        %mul3A_266 = arith.mulf %get3A_264, %add3A_265 : vector<16xf32>
        %add3A_267 = arith.addf %get3A_261, %get3A_258 : vector<16xf32>
        %get3A_268 = arith.index_cast %add3A_142 : i32 to index
        %get3A_269 = arith.constant 112 : index
        %get3A_270 = tpu.vector_load %arg12[%get3A_268, %get3A_269] {strides = array<i32>} : memref<40x256xf32, #tpu.memory_space<vmem>>, vector<16xf32>,
        %mul3A_271 = arith.constant 128 : i32
        %mul3A_272 = arith.muli %add3A_142, %mul3A_271 : i32
        %add3A_273 = arith.constant 112 : i32
        %add3A_274 = arith.addi %mul3A_272, %add3A_273 : i32
        %get3A_275 = arith.index_cast %add3A_274 : i32 to index
        %get3A_276 = tpu.vector_load %arg14[%get3A_275] {strides = array<i32>} : memref<5120xf32, #tpu.memory_space<vmem>>, vector<16xf32>,
        %get3A_277 = arith.index_cast %add3A_142 : i32 to index
        %get3A_278 = arith.constant 240 : index
        %get3A_279 = tpu.vector_load %arg12[%get3A_277, %get3A_278] {strides = array<i32>} : memref<40x256xf32, #tpu.memory_space<vmem>>, vector<16xf32>,
        %get3A_280 = arith.index_cast %add3A_142 : i32 to index
        %get3A_281 = arith.constant 112 : index
        %get3A_282 = tpu.vector_load %arg11[%get3A_280, %get3A_281] {strides = array<i32>} : memref<40x128xf32, #tpu.memory_space<vmem>>, vector<16xf32>,
        %add3A_283 = arith.addf %get3A_270, %get3A_276 : vector<16xf32>
        %mul3A_284 = arith.mulf %get3A_282, %add3A_283 : vector<16xf32>
        %add3A_285 = arith.addf %get3A_279, %get3A_276 : vector<16xf32>
        %cumsum3A = arith.constant true
        %cumsum3A_286 = vector.broadcast %cumsum3A : i1 to vector<16xi1>
        %cumsum3A_287 = tpu.scan <sum>, %mul3A_158 masked %cumsum3A_286 : vector<16xf32>, vector<16xi1> -> vector<16xf32>
        %cumsum3A_288 = arith.constant true
        %cumsum3A_289 = vector.broadcast %cumsum3A_288 : i1 to vector<16xi1>
        %cumsum3A_290 = tpu.scan <sum>, %mul3A_176 masked %cumsum3A_289 : vector<16xf32>, vector<16xi1> -> vector<16xf32>
        %cumsum3A_291 = arith.constant true
        %cumsum3A_292 = vector.broadcast %cumsum3A_291 : i1 to vector<16xi1>
        %cumsum3A_293 = tpu.scan <sum>, %mul3A_194 masked %cumsum3A_292 : vector<16xf32>, vector<16xi1> -> vector<16xf32>
        %cumsum3A_294 = arith.constant true
        %cumsum3A_295 = vector.broadcast %cumsum3A_294 : i1 to vector<16xi1>
        %cumsum3A_296 = tpu.scan <sum>, %mul3A_212 masked %cumsum3A_295 : vector<16xf32>, vector<16xi1> -> vector<16xf32>
        %cumsum3A_297 = arith.constant true
        %cumsum3A_298 = vector.broadcast %cumsum3A_297 : i1 to vector<16xi1>
        %cumsum3A_299 = tpu.scan <sum>, %mul3A_230 masked %cumsum3A_298 : vector<16xf32>, vector<16xi1> -> vector<16xf32>
        %cumsum3A_300 = arith.constant true
        %cumsum3A_301 = vector.broadcast %cumsum3A_300 : i1 to vector<16xi1>
        %cumsum3A_302 = tpu.scan <sum>, %mul3A_248 masked %cumsum3A_301 : vector<16xf32>, vector<16xi1> -> vector<16xf32>
        %cumsum3A_303 = arith.constant true
        %cumsum3A_304 = vector.broadcast %cumsum3A_303 : i1 to vector<16xi1>
        %cumsum3A_305 = tpu.scan <sum>, %mul3A_266 masked %cumsum3A_304 : vector<16xf32>, vector<16xi1> -> vector<16xf32>
        %cumsum3A_306 = arith.constant true
        %cumsum3A_307 = vector.broadcast %cumsum3A_306 : i1 to vector<16xi1>
        %cumsum3A_308 = tpu.scan <sum>, %mul3A_284 masked %cumsum3A_307 : vector<16xf32>, vector<16xi1> -> vector<16xf32>
        %broadcast_in_dim3A_309 = vector.shape_cast %broadcast_in_dim3A_5 : vector<16xi32> to vector<16x1xi32>
        %gather3A = vector.shape_cast %broadcast_in_dim3A_309 : vector<16x1xi32> to vector<16xi32>
        %gather3A_310 = tpu.dynamic_gather %cumsum3A_287[%gather3A] in [0] : vector<16xf32>, vector<16xi32> -> vector<16xf32>
        %broadcast_in_dim3A_311 = vector.shape_cast %broadcast_in_dim3A_5 : vector<16xi32> to vector<16x1xi32>
        %gather3A_312 = vector.shape_cast %broadcast_in_dim3A_311 : vector<16x1xi32> to vector<16xi32>
        %gather3A_313 = tpu.dynamic_gather %cumsum3A_290[%gather3A_312] in [0] : vector<16xf32>, vector<16xi32> -> vector<16xf32>
        %broadcast_in_dim3A_314 = vector.shape_cast %broadcast_in_dim3A_5 : vector<16xi32> to vector<16x1xi32>
        %gather3A_315 = vector.shape_cast %broadcast_in_dim3A_314 : vector<16x1xi32> to vector<16xi32>
        %gather3A_316 = tpu.dynamic_gather %cumsum3A_293[%gather3A_315] in [0] : vector<16xf32>, vector<16xi32> -> vector<16xf32>
        %broadcast_in_dim3A_317 = vector.shape_cast %broadcast_in_dim3A_5 : vector<16xi32> to vector<16x1xi32>
        %gather3A_318 = vector.shape_cast %broadcast_in_dim3A_317 : vector<16x1xi32> to vector<16xi32>
        %gather3A_319 = tpu.dynamic_gather %cumsum3A_296[%gather3A_318] in [0] : vector<16xf32>, vector<16xi32> -> vector<16xf32>
        %broadcast_in_dim3A_320 = vector.shape_cast %broadcast_in_dim3A_5 : vector<16xi32> to vector<16x1xi32>
        %gather3A_321 = vector.shape_cast %broadcast_in_dim3A_320 : vector<16x1xi32> to vector<16xi32>
        %gather3A_322 = tpu.dynamic_gather %cumsum3A_299[%gather3A_321] in [0] : vector<16xf32>, vector<16xi32> -> vector<16xf32>
        %broadcast_in_dim3A_323 = vector.shape_cast %broadcast_in_dim3A_5 : vector<16xi32> to vector<16x1xi32>
        %gather3A_324 = vector.shape_cast %broadcast_in_dim3A_323 : vector<16x1xi32> to vector<16xi32>
        %gather3A_325 = tpu.dynamic_gather %cumsum3A_302[%gather3A_324] in [0] : vector<16xf32>, vector<16xi32> -> vector<16xf32>
        %broadcast_in_dim3A_326 = vector.shape_cast %broadcast_in_dim3A_5 : vector<16xi32> to vector<16x1xi32>
        %gather3A_327 = vector.shape_cast %broadcast_in_dim3A_326 : vector<16x1xi32> to vector<16xi32>
        %gather3A_328 = tpu.dynamic_gather %cumsum3A_305[%gather3A_327] in [0] : vector<16xf32>, vector<16xi32> -> vector<16xf32>
        %broadcast_in_dim3A_329 = vector.shape_cast %broadcast_in_dim3A_5 : vector<16xi32> to vector<16x1xi32>
        %gather3A_330 = vector.shape_cast %broadcast_in_dim3A_329 : vector<16x1xi32> to vector<16xi32>
        %gather3A_331 = tpu.dynamic_gather %cumsum3A_308[%gather3A_330] in [0] : vector<16xf32>, vector<16xi32> -> vector<16xf32>
        %exp3A = math.exp %gather3A_310 : vector<16xf32>
        %exp3A_332 = math.exp %gather3A_313 : vector<16xf32>
        %exp3A_333 = math.exp %gather3A_316 : vector<16xf32>
        %exp3A_334 = math.exp %gather3A_319 : vector<16xf32>
        %exp3A_335 = math.exp %gather3A_322 : vector<16xf32>
        %exp3A_336 = math.exp %gather3A_325 : vector<16xf32>
        %exp3A_337 = math.exp %gather3A_328 : vector<16xf32>
        %exp3A_338 = math.exp %gather3A_331 : vector<16xf32>
        %eq3A = arith.constant 0 : i32
        %eq3A_339 = vector.broadcast %eq3A : i32 to vector<16xi32>
        %eq3A_340 = arith.cmpi eq, %iota3A, %eq3A_339 : vector<16xi32>
        %jit3A = arith.constant 0.000000e+00 : f32
        %broadcast_in_dim3A_341 = vector.broadcast %jit3A : f32 to vector<16xf32>
        %select_n3A = arith.select %eq3A_340, %exp3A, %broadcast_in_dim3A_341 : vector<16xi1>, vector<16xf32>
        %eq3A_342 = arith.constant 1 : i32
        %eq3A_343 = vector.broadcast %eq3A_342 : i32 to vector<16xi32>
        %eq3A_344 = arith.cmpi eq, %iota3A, %eq3A_343 : vector<16xi32>
        %jit3A_345 = arith.constant 0.000000e+00 : f32
        %broadcast_in_dim3A_346 = vector.broadcast %jit3A_345 : f32 to vector<16xf32>
        %select_n3A_347 = arith.select %eq3A_344, %exp3A_332, %broadcast_in_dim3A_346 : vector<16xi1>, vector<16xf32>
        %eq3A_348 = arith.constant 2 : i32
        %eq3A_349 = vector.broadcast %eq3A_348 : i32 to vector<16xi32>
        %eq3A_350 = arith.cmpi eq, %iota3A, %eq3A_349 : vector<16xi32>
        %jit3A_351 = arith.constant 0.000000e+00 : f32
        %broadcast_in_dim3A_352 = vector.broadcast %jit3A_351 : f32 to vector<16xf32>
        %select_n3A_353 = arith.select %eq3A_350, %exp3A_333, %broadcast_in_dim3A_352 : vector<16xi1>, vector<16xf32>
        %eq3A_354 = arith.constant 3 : i32
        %eq3A_355 = vector.broadcast %eq3A_354 : i32 to vector<16xi32>
        %eq3A_356 = arith.cmpi eq, %iota3A, %eq3A_355 : vector<16xi32>
        %jit3A_357 = arith.constant 0.000000e+00 : f32
        %broadcast_in_dim3A_358 = vector.broadcast %jit3A_357 : f32 to vector<16xf32>
        %select_n3A_359 = arith.select %eq3A_356, %exp3A_334, %broadcast_in_dim3A_358 : vector<16xi1>, vector<16xf32>
        %eq3A_360 = arith.constant 4 : i32
        %eq3A_361 = vector.broadcast %eq3A_360 : i32 to vector<16xi32>
        %eq3A_362 = arith.cmpi eq, %iota3A, %eq3A_361 : vector<16xi32>
        %jit3A_363 = arith.constant 0.000000e+00 : f32
        %broadcast_in_dim3A_364 = vector.broadcast %jit3A_363 : f32 to vector<16xf32>
        %select_n3A_365 = arith.select %eq3A_362, %exp3A_335, %broadcast_in_dim3A_364 : vector<16xi1>, vector<16xf32>
        %eq3A_366 = arith.constant 5 : i32
        %eq3A_367 = vector.broadcast %eq3A_366 : i32 to vector<16xi32>
        %eq3A_368 = arith.cmpi eq, %iota3A, %eq3A_367 : vector<16xi32>
        %jit3A_369 = arith.constant 0.000000e+00 : f32
        %broadcast_in_dim3A_370 = vector.broadcast %jit3A_369 : f32 to vector<16xf32>
        %select_n3A_371 = arith.select %eq3A_368, %exp3A_336, %broadcast_in_dim3A_370 : vector<16xi1>, vector<16xf32>
        %eq3A_372 = arith.constant 6 : i32
        %eq3A_373 = vector.broadcast %eq3A_372 : i32 to vector<16xi32>
        %eq3A_374 = arith.cmpi eq, %iota3A, %eq3A_373 : vector<16xi32>
        %jit3A_375 = arith.constant 0.000000e+00 : f32
        %broadcast_in_dim3A_376 = vector.broadcast %jit3A_375 : f32 to vector<16xf32>
        %select_n3A_377 = arith.select %eq3A_374, %exp3A_337, %broadcast_in_dim3A_376 : vector<16xi1>, vector<16xf32>
        %eq3A_378 = arith.constant 7 : i32
        %eq3A_379 = vector.broadcast %eq3A_378 : i32 to vector<16xi32>
        %eq3A_380 = arith.cmpi eq, %iota3A, %eq3A_379 : vector<16xi32>
        %jit3A_381 = arith.constant 0.000000e+00 : f32
        %broadcast_in_dim3A_382 = vector.broadcast %jit3A_381 : f32 to vector<16xf32>
        %select_n3A_383 = arith.select %eq3A_380, %exp3A_338, %broadcast_in_dim3A_382 : vector<16xi1>, vector<16xf32>
        %mul3A_384 = arith.mulf %exp3A, %add3A_159 : vector<16xf32>
        %swap3A = arith.index_cast %add3A_142 : i32 to index
        %swap3A_385 = arith.constant 0 : index
        %swap3A_386 = tpu.vector_load %arg15[%swap3A, %swap3A_385] {strides = array<i32>} : memref<40x144xf32, #tpu.memory_space<vmem>>, vector<16xf32>,
        tpu.vector_store %arg15[%swap3A, %swap3A_385], %mul3A_384 {strides = array<i32>} : memref<40x144xf32, #tpu.memory_space<vmem>>, vector<16xf32>,
        %mul3A_387 = arith.mulf %exp3A_332, %add3A_177 : vector<16xf32>
        %swap3A_388 = arith.index_cast %add3A_142 : i32 to index
        %swap3A_389 = arith.constant 16 : index
        %swap3A_390 = tpu.vector_load %arg15[%swap3A_388, %swap3A_389] {strides = array<i32>} : memref<40x144xf32, #tpu.memory_space<vmem>>, vector<16xf32>,
        tpu.vector_store %arg15[%swap3A_388, %swap3A_389], %mul3A_387 {strides = array<i32>} : memref<40x144xf32, #tpu.memory_space<vmem>>, vector<16xf32>,
        %mul3A_391 = arith.mulf %exp3A_333, %add3A_195 : vector<16xf32>
        %swap3A_392 = arith.index_cast %add3A_142 : i32 to index
        %swap3A_393 = arith.constant 32 : index
        %swap3A_394 = tpu.vector_load %arg15[%swap3A_392, %swap3A_393] {strides = array<i32>} : memref<40x144xf32, #tpu.memory_space<vmem>>, vector<16xf32>,
        tpu.vector_store %arg15[%swap3A_392, %swap3A_393], %mul3A_391 {strides = array<i32>} : memref<40x144xf32, #tpu.memory_space<vmem>>, vector<16xf32>,
        %mul3A_395 = arith.mulf %exp3A_334, %add3A_213 : vector<16xf32>
        %swap3A_396 = arith.index_cast %add3A_142 : i32 to index
        %swap3A_397 = arith.constant 48 : index
        %swap3A_398 = tpu.vector_load %arg15[%swap3A_396, %swap3A_397] {strides = array<i32>} : memref<40x144xf32, #tpu.memory_space<vmem>>, vector<16xf32>,
        tpu.vector_store %arg15[%swap3A_396, %swap3A_397], %mul3A_395 {strides = array<i32>} : memref<40x144xf32, #tpu.memory_space<vmem>>, vector<16xf32>,
        %mul3A_399 = arith.mulf %exp3A_335, %add3A_231 : vector<16xf32>
        %swap3A_400 = arith.index_cast %add3A_142 : i32 to index
        %swap3A_401 = arith.constant 64 : index
        %swap3A_402 = tpu.vector_load %arg15[%swap3A_400, %swap3A_401] {strides = array<i32>} : memref<40x144xf32, #tpu.memory_space<vmem>>, vector<16xf32>,
        tpu.vector_store %arg15[%swap3A_400, %swap3A_401], %mul3A_399 {strides = array<i32>} : memref<40x144xf32, #tpu.memory_space<vmem>>, vector<16xf32>,
        %mul3A_403 = arith.mulf %exp3A_336, %add3A_249 : vector<16xf32>
        %swap3A_404 = arith.index_cast %add3A_142 : i32 to index
        %swap3A_405 = arith.constant 80 : index
        %swap3A_406 = tpu.vector_load %arg15[%swap3A_404, %swap3A_405] {strides = array<i32>} : memref<40x144xf32, #tpu.memory_space<vmem>>, vector<16xf32>,
        tpu.vector_store %arg15[%swap3A_404, %swap3A_405], %mul3A_403 {strides = array<i32>} : memref<40x144xf32, #tpu.memory_space<vmem>>, vector<16xf32>,
        %mul3A_407 = arith.mulf %exp3A_337, %add3A_267 : vector<16xf32>
        %swap3A_408 = arith.index_cast %add3A_142 : i32 to index
        %swap3A_409 = arith.constant 96 : index
        %swap3A_410 = tpu.vector_load %arg15[%swap3A_408, %swap3A_409] {strides = array<i32>} : memref<40x144xf32, #tpu.memory_space<vmem>>, vector<16xf32>,
        tpu.vector_store %arg15[%swap3A_408, %swap3A_409], %mul3A_407 {strides = array<i32>} : memref<40x144xf32, #tpu.memory_space<vmem>>, vector<16xf32>,
        %mul3A_411 = arith.mulf %exp3A_338, %add3A_285 : vector<16xf32>
        %swap3A_412 = arith.index_cast %add3A_142 : i32 to index
        %swap3A_413 = arith.constant 112 : index
        %swap3A_414 = tpu.vector_load %arg15[%swap3A_412, %swap3A_413] {strides = array<i32>} : memref<40x144xf32, #tpu.memory_space<vmem>>, vector<16xf32>,
        tpu.vector_store %arg15[%swap3A_412, %swap3A_413], %mul3A_411 {strides = array<i32>} : memref<40x144xf32, #tpu.memory_space<vmem>>, vector<16xf32>,
        %add3A_415 = arith.addf %select_n3A, %select_n3A_347 : vector<16xf32>
        %add3A_416 = arith.addf %select_n3A_353, %select_n3A_359 : vector<16xf32>
        %add3A_417 = arith.addf %select_n3A_365, %select_n3A_371 : vector<16xf32>
        %add3A_418 = arith.addf %select_n3A_377, %select_n3A_383 : vector<16xf32>
        %add3A_419 = arith.addf %add3A_415, %add3A_416 : vector<16xf32>
        %add3A_420 = arith.addf %add3A_417, %add3A_418 : vector<16xf32>
        %add3A_421 = arith.addf %add3A_419, %add3A_420 : vector<16xf32>
        %swap3A_422 = arith.index_cast %add3A_142 : i32 to index
        %swap3A_423 = arith.constant 128 : index
        %swap3A_424 = tpu.vector_load %arg15[%swap3A_422, %swap3A_423] {strides = array<i32>} : memref<40x144xf32, #tpu.memory_space<vmem>>, vector<16xf32>,
        tpu.vector_store %arg15[%swap3A_422, %swap3A_423], %add3A_421 {strides = array<i32>} : memref<40x144xf32, #tpu.memory_space<vmem>>, vector<16xf32>,
        %add3A_425 = arith.constant 1 : i32
        %add3A_426 = arith.addi %add3A_140, %add3A_425 : i32
        %get3A_427 = arith.index_cast %add3A_426 : i32 to index
        %get3A_428 = arith.constant 0 : index
        %get3A_429 = tpu.vector_load %arg12[%get3A_427, %get3A_428] {strides = array<i32>} : memref<40x256xf32, #tpu.memory_space<vmem>>, vector<16xf32>,
        %mul3A_430 = arith.constant 128 : i32
        %mul3A_431 = arith.muli %add3A_426, %mul3A_430 : i32
        %add3A_432 = arith.constant 0 : i32
        %add3A_433 = arith.addi %mul3A_431, %add3A_432 : i32
        %get3A_434 = arith.index_cast %add3A_433 : i32 to index
        %get3A_435 = tpu.vector_load %arg14[%get3A_434] {strides = array<i32>} : memref<5120xf32, #tpu.memory_space<vmem>>, vector<16xf32>,
        %get3A_436 = arith.index_cast %add3A_426 : i32 to index
        %get3A_437 = arith.constant 128 : index
        %get3A_438 = tpu.vector_load %arg12[%get3A_436, %get3A_437] {strides = array<i32>} : memref<40x256xf32, #tpu.memory_space<vmem>>, vector<16xf32>,
        %get3A_439 = arith.index_cast %add3A_426 : i32 to index
        %get3A_440 = arith.constant 0 : index
        %get3A_441 = tpu.vector_load %arg11[%get3A_439, %get3A_440] {strides = array<i32>} : memref<40x128xf32, #tpu.memory_space<vmem>>, vector<16xf32>,
        %add3A_442 = arith.addf %get3A_429, %get3A_435 : vector<16xf32>
        %mul3A_443 = arith.mulf %get3A_441, %add3A_442 : vector<16xf32>
        %add3A_444 = arith.addf %get3A_438, %get3A_435 : vector<16xf32>
        %get3A_445 = arith.index_cast %add3A_426 : i32 to index
        %get3A_446 = arith.constant 16 : index
        %get3A_447 = tpu.vector_load %arg12[%get3A_445, %get3A_446] {strides = array<i32>} : memref<40x256xf32, #tpu.memory_space<vmem>>, vector<16xf32>,
        %mul3A_448 = arith.constant 128 : i32
        %mul3A_449 = arith.muli %add3A_426, %mul3A_448 : i32
        %add3A_450 = arith.constant 16 : i32
        %add3A_451 = arith.addi %mul3A_449, %add3A_450 : i32
        %get3A_452 = arith.index_cast %add3A_451 : i32 to index
        %get3A_453 = tpu.vector_load %arg14[%get3A_452] {strides = array<i32>} : memref<5120xf32, #tpu.memory_space<vmem>>, vector<16xf32>,
        %get3A_454 = arith.index_cast %add3A_426 : i32 to index
        %get3A_455 = arith.constant 144 : index
        %get3A_456 = tpu.vector_load %arg12[%get3A_454, %get3A_455] {strides = array<i32>} : memref<40x256xf32, #tpu.memory_space<vmem>>, vector<16xf32>,
        %get3A_457 = arith.index_cast %add3A_426 : i32 to index
        %get3A_458 = arith.constant 16 : index
        %get3A_459 = tpu.vector_load %arg11[%get3A_457, %get3A_458] {strides = array<i32>} : memref<40x128xf32, #tpu.memory_space<vmem>>, vector<16xf32>,
        %add3A_460 = arith.addf %get3A_447, %get3A_453 : vector<16xf32>
        %mul3A_461 = arith.mulf %get3A_459, %add3A_460 : vector<16xf32>
        %add3A_462 = arith.addf %get3A_456, %get3A_453 : vector<16xf32>
        %get3A_463 = arith.index_cast %add3A_426 : i32 to index
        %get3A_464 = arith.constant 32 : index
        %get3A_465 = tpu.vector_load %arg12[%get3A_463, %get3A_464] {strides = array<i32>} : memref<40x256xf32, #tpu.memory_space<vmem>>, vector<16xf32>,
        %mul3A_466 = arith.constant 128 : i32
        %mul3A_467 = arith.muli %add3A_426, %mul3A_466 : i32
        %add3A_468 = arith.constant 32 : i32
        %add3A_469 = arith.addi %mul3A_467, %add3A_468 : i32
        %get3A_470 = arith.index_cast %add3A_469 : i32 to index
        %get3A_471 = tpu.vector_load %arg14[%get3A_470] {strides = array<i32>} : memref<5120xf32, #tpu.memory_space<vmem>>, vector<16xf32>,
        %get3A_472 = arith.index_cast %add3A_426 : i32 to index
        %get3A_473 = arith.constant 160 : index
        %get3A_474 = tpu.vector_load %arg12[%get3A_472, %get3A_473] {strides = array<i32>} : memref<40x256xf32, #tpu.memory_space<vmem>>, vector<16xf32>,
        %get3A_475 = arith.index_cast %add3A_426 : i32 to index
        %get3A_476 = arith.constant 32 : index
        %get3A_477 = tpu.vector_load %arg11[%get3A_475, %get3A_476] {strides = array<i32>} : memref<40x128xf32, #tpu.memory_space<vmem>>, vector<16xf32>,
        %add3A_478 = arith.addf %get3A_465, %get3A_471 : vector<16xf32>
        %mul3A_479 = arith.mulf %get3A_477, %add3A_478 : vector<16xf32>
        %add3A_480 = arith.addf %get3A_474, %get3A_471 : vector<16xf32>
        %get3A_481 = arith.index_cast %add3A_426 : i32 to index
        %get3A_482 = arith.constant 48 : index
        %get3A_483 = tpu.vector_load %arg12[%get3A_481, %get3A_482] {strides = array<i32>} : memref<40x256xf32, #tpu.memory_space<vmem>>, vector<16xf32>,
        %mul3A_484 = arith.constant 128 : i32
        %mul3A_485 = arith.muli %add3A_426, %mul3A_484 : i32
        %add3A_486 = arith.constant 48 : i32
        %add3A_487 = arith.addi %mul3A_485, %add3A_486 : i32
        %get3A_488 = arith.index_cast %add3A_487 : i32 to index
        %get3A_489 = tpu.vector_load %arg14[%get3A_488] {strides = array<i32>} : memref<5120xf32, #tpu.memory_space<vmem>>, vector<16xf32>,
        %get3A_490 = arith.index_cast %add3A_426 : i32 to index
        %get3A_491 = arith.constant 176 : index
        %get3A_492 = tpu.vector_load %arg12[%get3A_490, %get3A_491] {strides = array<i32>} : memref<40x256xf32, #tpu.memory_space<vmem>>, vector<16xf32>,
        %get3A_493 = arith.index_cast %add3A_426 : i32 to index
        %get3A_494 = arith.constant 48 : index
        %get3A_495 = tpu.vector_load %arg11[%get3A_493, %get3A_494] {strides = array<i32>} : memref<40x128xf32, #tpu.memory_space<vmem>>, vector<16xf32>,
        %add3A_496 = arith.addf %get3A_483, %get3A_489 : vector<16xf32>
        %mul3A_497 = arith.mulf %get3A_495, %add3A_496 : vector<16xf32>
        %add3A_498 = arith.addf %get3A_492, %get3A_489 : vector<16xf32>
        %get3A_499 = arith.index_cast %add3A_426 : i32 to index
        %get3A_500 = arith.constant 64 : index
        %get3A_501 = tpu.vector_load %arg12[%get3A_499, %get3A_500] {strides = array<i32>} : memref<40x256xf32, #tpu.memory_space<vmem>>, vector<16xf32>,
        %mul3A_502 = arith.constant 128 : i32
        %mul3A_503 = arith.muli %add3A_426, %mul3A_502 : i32
        %add3A_504 = arith.constant 64 : i32
        %add3A_505 = arith.addi %mul3A_503, %add3A_504 : i32
        %get3A_506 = arith.index_cast %add3A_505 : i32 to index
        %get3A_507 = tpu.vector_load %arg14[%get3A_506] {strides = array<i32>} : memref<5120xf32, #tpu.memory_space<vmem>>, vector<16xf32>,
        %get3A_508 = arith.index_cast %add3A_426 : i32 to index
        %get3A_509 = arith.constant 192 : index
        %get3A_510 = tpu.vector_load %arg12[%get3A_508, %get3A_509] {strides = array<i32>} : memref<40x256xf32, #tpu.memory_space<vmem>>, vector<16xf32>,
        %get3A_511 = arith.index_cast %add3A_426 : i32 to index
        %get3A_512 = arith.constant 64 : index
        %get3A_513 = tpu.vector_load %arg11[%get3A_511, %get3A_512] {strides = array<i32>} : memref<40x128xf32, #tpu.memory_space<vmem>>, vector<16xf32>,
        %add3A_514 = arith.addf %get3A_501, %get3A_507 : vector<16xf32>
        %mul3A_515 = arith.mulf %get3A_513, %add3A_514 : vector<16xf32>
        %add3A_516 = arith.addf %get3A_510, %get3A_507 : vector<16xf32>
        %get3A_517 = arith.index_cast %add3A_426 : i32 to index
        %get3A_518 = arith.constant 80 : index
        %get3A_519 = tpu.vector_load %arg12[%get3A_517, %get3A_518] {strides = array<i32>} : memref<40x256xf32, #tpu.memory_space<vmem>>, vector<16xf32>,
        %mul3A_520 = arith.constant 128 : i32
        %mul3A_521 = arith.muli %add3A_426, %mul3A_520 : i32
        %add3A_522 = arith.constant 80 : i32
        %add3A_523 = arith.addi %mul3A_521, %add3A_522 : i32
        %get3A_524 = arith.index_cast %add3A_523 : i32 to index
        %get3A_525 = tpu.vector_load %arg14[%get3A_524] {strides = array<i32>} : memref<5120xf32, #tpu.memory_space<vmem>>, vector<16xf32>,
        %get3A_526 = arith.index_cast %add3A_426 : i32 to index
        %get3A_527 = arith.constant 208 : index
        %get3A_528 = tpu.vector_load %arg12[%get3A_526, %get3A_527] {strides = array<i32>} : memref<40x256xf32, #tpu.memory_space<vmem>>, vector<16xf32>,
        %get3A_529 = arith.index_cast %add3A_426 : i32 to index
        %get3A_530 = arith.constant 80 : index
        %get3A_531 = tpu.vector_load %arg11[%get3A_529, %get3A_530] {strides = array<i32>} : memref<40x128xf32, #tpu.memory_space<vmem>>, vector<16xf32>,
        %add3A_532 = arith.addf %get3A_519, %get3A_525 : vector<16xf32>
        %mul3A_533 = arith.mulf %get3A_531, %add3A_532 : vector<16xf32>
        %add3A_534 = arith.addf %get3A_528, %get3A_525 : vector<16xf32>
        %get3A_535 = arith.index_cast %add3A_426 : i32 to index
        %get3A_536 = arith.constant 96 : index
        %get3A_537 = tpu.vector_load %arg12[%get3A_535, %get3A_536] {strides = array<i32>} : memref<40x256xf32, #tpu.memory_space<vmem>>, vector<16xf32>,
        %mul3A_538 = arith.constant 128 : i32
        %mul3A_539 = arith.muli %add3A_426, %mul3A_538 : i32
        %add3A_540 = arith.constant 96 : i32
        %add3A_541 = arith.addi %mul3A_539, %add3A_540 : i32
        %get3A_542 = arith.index_cast %add3A_541 : i32 to index
        %get3A_543 = tpu.vector_load %arg14[%get3A_542] {strides = array<i32>} : memref<5120xf32, #tpu.memory_space<vmem>>, vector<16xf32>,
        %get3A_544 = arith.index_cast %add3A_426 : i32 to index
        %get3A_545 = arith.constant 224 : index
        %get3A_546 = tpu.vector_load %arg12[%get3A_544, %get3A_545] {strides = array<i32>} : memref<40x256xf32, #tpu.memory_space<vmem>>, vector<16xf32>,
        %get3A_547 = arith.index_cast %add3A_426 : i32 to index
        %get3A_548 = arith.constant 96 : index
        %get3A_549 = tpu.vector_load %arg11[%get3A_547, %get3A_548] {strides = array<i32>} : memref<40x128xf32, #tpu.memory_space<vmem>>, vector<16xf32>,
        %add3A_550 = arith.addf %get3A_537, %get3A_543 : vector<16xf32>
        %mul3A_551 = arith.mulf %get3A_549, %add3A_550 : vector<16xf32>
        %add3A_552 = arith.addf %get3A_546, %get3A_543 : vector<16xf32>
        %get3A_553 = arith.index_cast %add3A_426 : i32 to index
        %get3A_554 = arith.constant 112 : index
        %get3A_555 = tpu.vector_load %arg12[%get3A_553, %get3A_554] {strides = array<i32>} : memref<40x256xf32, #tpu.memory_space<vmem>>, vector<16xf32>,
        %mul3A_556 = arith.constant 128 : i32
        %mul3A_557 = arith.muli %add3A_426, %mul3A_556 : i32
        %add3A_558 = arith.constant 112 : i32
        %add3A_559 = arith.addi %mul3A_557, %add3A_558 : i32
        %get3A_560 = arith.index_cast %add3A_559 : i32 to index
        %get3A_561 = tpu.vector_load %arg14[%get3A_560] {strides = array<i32>} : memref<5120xf32, #tpu.memory_space<vmem>>, vector<16xf32>,
        %get3A_562 = arith.index_cast %add3A_426 : i32 to index
        %get3A_563 = arith.constant 240 : index
        %get3A_564 = tpu.vector_load %arg12[%get3A_562, %get3A_563] {strides = array<i32>} : memref<40x256xf32, #tpu.memory_space<vmem>>, vector<16xf32>,
        %get3A_565 = arith.index_cast %add3A_426 : i32 to index
        %get3A_566 = arith.constant 112 : index
        %get3A_567 = tpu.vector_load %arg11[%get3A_565, %get3A_566] {strides = array<i32>} : memref<40x128xf32, #tpu.memory_space<vmem>>, vector<16xf32>,
        %add3A_568 = arith.addf %get3A_555, %get3A_561 : vector<16xf32>
        %mul3A_569 = arith.mulf %get3A_567, %add3A_568 : vector<16xf32>
        %add3A_570 = arith.addf %get3A_564, %get3A_561 : vector<16xf32>
        %cumsum3A_571 = arith.constant true
        %cumsum3A_572 = vector.broadcast %cumsum3A_571 : i1 to vector<16xi1>
        %cumsum3A_573 = tpu.scan <sum>, %mul3A_443 masked %cumsum3A_572 : vector<16xf32>, vector<16xi1> -> vector<16xf32>
        %cumsum3A_574 = arith.constant true
        %cumsum3A_575 = vector.broadcast %cumsum3A_574 : i1 to vector<16xi1>
        %cumsum3A_576 = tpu.scan <sum>, %mul3A_461 masked %cumsum3A_575 : vector<16xf32>, vector<16xi1> -> vector<16xf32>
        %cumsum3A_577 = arith.constant true
        %cumsum3A_578 = vector.broadcast %cumsum3A_577 : i1 to vector<16xi1>
        %cumsum3A_579 = tpu.scan <sum>, %mul3A_479 masked %cumsum3A_578 : vector<16xf32>, vector<16xi1> -> vector<16xf32>
        %cumsum3A_580 = arith.constant true
        %cumsum3A_581 = vector.broadcast %cumsum3A_580 : i1 to vector<16xi1>
        %cumsum3A_582 = tpu.scan <sum>, %mul3A_497 masked %cumsum3A_581 : vector<16xf32>, vector<16xi1> -> vector<16xf32>
        %cumsum3A_583 = arith.constant true
        %cumsum3A_584 = vector.broadcast %cumsum3A_583 : i1 to vector<16xi1>
        %cumsum3A_585 = tpu.scan <sum>, %mul3A_515 masked %cumsum3A_584 : vector<16xf32>, vector<16xi1> -> vector<16xf32>
        %cumsum3A_586 = arith.constant true
        %cumsum3A_587 = vector.broadcast %cumsum3A_586 : i1 to vector<16xi1>
        %cumsum3A_588 = tpu.scan <sum>, %mul3A_533 masked %cumsum3A_587 : vector<16xf32>, vector<16xi1> -> vector<16xf32>
        %cumsum3A_589 = arith.constant true
        %cumsum3A_590 = vector.broadcast %cumsum3A_589 : i1 to vector<16xi1>
        %cumsum3A_591 = tpu.scan <sum>, %mul3A_551 masked %cumsum3A_590 : vector<16xf32>, vector<16xi1> -> vector<16xf32>
        %cumsum3A_592 = arith.constant true
        %cumsum3A_593 = vector.broadcast %cumsum3A_592 : i1 to vector<16xi1>
        %cumsum3A_594 = tpu.scan <sum>, %mul3A_569 masked %cumsum3A_593 : vector<16xf32>, vector<16xi1> -> vector<16xf32>
        %broadcast_in_dim3A_595 = vector.shape_cast %broadcast_in_dim3A_5 : vector<16xi32> to vector<16x1xi32>
        %gather3A_596 = vector.shape_cast %broadcast_in_dim3A_595 : vector<16x1xi32> to vector<16xi32>
        %gather3A_597 = tpu.dynamic_gather %cumsum3A_573[%gather3A_596] in [0] : vector<16xf32>, vector<16xi32> -> vector<16xf32>
        %broadcast_in_dim3A_598 = vector.shape_cast %broadcast_in_dim3A_5 : vector<16xi32> to vector<16x1xi32>
        %gather3A_599 = vector.shape_cast %broadcast_in_dim3A_598 : vector<16x1xi32> to vector<16xi32>
        %gather3A_600 = tpu.dynamic_gather %cumsum3A_576[%gather3A_599] in [0] : vector<16xf32>, vector<16xi32> -> vector<16xf32>
        %broadcast_in_dim3A_601 = vector.shape_cast %broadcast_in_dim3A_5 : vector<16xi32> to vector<16x1xi32>
        %gather3A_602 = vector.shape_cast %broadcast_in_dim3A_601 : vector<16x1xi32> to vector<16xi32>
        %gather3A_603 = tpu.dynamic_gather %cumsum3A_579[%gather3A_602] in [0] : vector<16xf32>, vector<16xi32> -> vector<16xf32>
        %broadcast_in_dim3A_604 = vector.shape_cast %broadcast_in_dim3A_5 : vector<16xi32> to vector<16x1xi32>
        %gather3A_605 = vector.shape_cast %broadcast_in_dim3A_604 : vector<16x1xi32> to vector<16xi32>
        %gather3A_606 = tpu.dynamic_gather %cumsum3A_582[%gather3A_605] in [0] : vector<16xf32>, vector<16xi32> -> vector<16xf32>
        %broadcast_in_dim3A_607 = vector.shape_cast %broadcast_in_dim3A_5 : vector<16xi32> to vector<16x1xi32>
        %gather3A_608 = vector.shape_cast %broadcast_in_dim3A_607 : vector<16x1xi32> to vector<16xi32>
        %gather3A_609 = tpu.dynamic_gather %cumsum3A_585[%gather3A_608] in [0] : vector<16xf32>, vector<16xi32> -> vector<16xf32>
        %broadcast_in_dim3A_610 = vector.shape_cast %broadcast_in_dim3A_5 : vector<16xi32> to vector<16x1xi32>
        %gather3A_611 = vector.shape_cast %broadcast_in_dim3A_610 : vector<16x1xi32> to vector<16xi32>
        %gather3A_612 = tpu.dynamic_gather %cumsum3A_588[%gather3A_611] in [0] : vector<16xf32>, vector<16xi32> -> vector<16xf32>
        %broadcast_in_dim3A_613 = vector.shape_cast %broadcast_in_dim3A_5 : vector<16xi32> to vector<16x1xi32>
        %gather3A_614 = vector.shape_cast %broadcast_in_dim3A_613 : vector<16x1xi32> to vector<16xi32>
        %gather3A_615 = tpu.dynamic_gather %cumsum3A_591[%gather3A_614] in [0] : vector<16xf32>, vector<16xi32> -> vector<16xf32>
        %broadcast_in_dim3A_616 = vector.shape_cast %broadcast_in_dim3A_5 : vector<16xi32> to vector<16x1xi32>
        %gather3A_617 = vector.shape_cast %broadcast_in_dim3A_616 : vector<16x1xi32> to vector<16xi32>
        %gather3A_618 = tpu.dynamic_gather %cumsum3A_594[%gather3A_617] in [0] : vector<16xf32>, vector<16xi32> -> vector<16xf32>
        %exp3A_619 = math.exp %gather3A_597 : vector<16xf32>
        %exp3A_620 = math.exp %gather3A_600 : vector<16xf32>
        %exp3A_621 = math.exp %gather3A_603 : vector<16xf32>
        %exp3A_622 = math.exp %gather3A_606 : vector<16xf32>
        %exp3A_623 = math.exp %gather3A_609 : vector<16xf32>
        %exp3A_624 = math.exp %gather3A_612 : vector<16xf32>
        %exp3A_625 = math.exp %gather3A_615 : vector<16xf32>
        %exp3A_626 = math.exp %gather3A_618 : vector<16xf32>
        %eq3A_627 = arith.constant 0 : i32
        %eq3A_628 = vector.broadcast %eq3A_627 : i32 to vector<16xi32>
        %eq3A_629 = arith.cmpi eq, %iota3A, %eq3A_628 : vector<16xi32>
        %jit3A_630 = arith.constant 0.000000e+00 : f32
        %broadcast_in_dim3A_631 = vector.broadcast %jit3A_630 : f32 to vector<16xf32>
        %select_n3A_632 = arith.select %eq3A_629, %exp3A_619, %broadcast_in_dim3A_631 : vector<16xi1>, vector<16xf32>
        %eq3A_633 = arith.constant 1 : i32
        %eq3A_634 = vector.broadcast %eq3A_633 : i32 to vector<16xi32>
        %eq3A_635 = arith.cmpi eq, %iota3A, %eq3A_634 : vector<16xi32>
        %jit3A_636 = arith.constant 0.000000e+00 : f32
        %broadcast_in_dim3A_637 = vector.broadcast %jit3A_636 : f32 to vector<16xf32>
        %select_n3A_638 = arith.select %eq3A_635, %exp3A_620, %broadcast_in_dim3A_637 : vector<16xi1>, vector<16xf32>
        %eq3A_639 = arith.constant 2 : i32
        %eq3A_640 = vector.broadcast %eq3A_639 : i32 to vector<16xi32>
        %eq3A_641 = arith.cmpi eq, %iota3A, %eq3A_640 : vector<16xi32>
        %jit3A_642 = arith.constant 0.000000e+00 : f32
        %broadcast_in_dim3A_643 = vector.broadcast %jit3A_642 : f32 to vector<16xf32>
        %select_n3A_644 = arith.select %eq3A_641, %exp3A_621, %broadcast_in_dim3A_643 : vector<16xi1>, vector<16xf32>
        %eq3A_645 = arith.constant 3 : i32
        %eq3A_646 = vector.broadcast %eq3A_645 : i32 to vector<16xi32>
        %eq3A_647 = arith.cmpi eq, %iota3A, %eq3A_646 : vector<16xi32>
        %jit3A_648 = arith.constant 0.000000e+00 : f32
        %broadcast_in_dim3A_649 = vector.broadcast %jit3A_648 : f32 to vector<16xf32>
        %select_n3A_650 = arith.select %eq3A_647, %exp3A_622, %broadcast_in_dim3A_649 : vector<16xi1>, vector<16xf32>
        %eq3A_651 = arith.constant 4 : i32
        %eq3A_652 = vector.broadcast %eq3A_651 : i32 to vector<16xi32>
        %eq3A_653 = arith.cmpi eq, %iota3A, %eq3A_652 : vector<16xi32>
        %jit3A_654 = arith.constant 0.000000e+00 : f32
        %broadcast_in_dim3A_655 = vector.broadcast %jit3A_654 : f32 to vector<16xf32>
        %select_n3A_656 = arith.select %eq3A_653, %exp3A_623, %broadcast_in_dim3A_655 : vector<16xi1>, vector<16xf32>
        %eq3A_657 = arith.constant 5 : i32
        %eq3A_658 = vector.broadcast %eq3A_657 : i32 to vector<16xi32>
        %eq3A_659 = arith.cmpi eq, %iota3A, %eq3A_658 : vector<16xi32>
        %jit3A_660 = arith.constant 0.000000e+00 : f32
        %broadcast_in_dim3A_661 = vector.broadcast %jit3A_660 : f32 to vector<16xf32>
        %select_n3A_662 = arith.select %eq3A_659, %exp3A_624, %broadcast_in_dim3A_661 : vector<16xi1>, vector<16xf32>
        %eq3A_663 = arith.constant 6 : i32
        %eq3A_664 = vector.broadcast %eq3A_663 : i32 to vector<16xi32>
        %eq3A_665 = arith.cmpi eq, %iota3A, %eq3A_664 : vector<16xi32>
        %jit3A_666 = arith.constant 0.000000e+00 : f32
        %broadcast_in_dim3A_667 = vector.broadcast %jit3A_666 : f32 to vector<16xf32>
        %select_n3A_668 = arith.select %eq3A_665, %exp3A_625, %broadcast_in_dim3A_667 : vector<16xi1>, vector<16xf32>
        %eq3A_669 = arith.constant 7 : i32
        %eq3A_670 = vector.broadcast %eq3A_669 : i32 to vector<16xi32>
        %eq3A_671 = arith.cmpi eq, %iota3A, %eq3A_670 : vector<16xi32>
        %jit3A_672 = arith.constant 0.000000e+00 : f32
        %broadcast_in_dim3A_673 = vector.broadcast %jit3A_672 : f32 to vector<16xf32>
        %select_n3A_674 = arith.select %eq3A_671, %exp3A_626, %broadcast_in_dim3A_673 : vector<16xi1>, vector<16xf32>
        %mul3A_675 = arith.mulf %exp3A_619, %add3A_444 : vector<16xf32>
        %swap3A_676 = arith.index_cast %add3A_426 : i32 to index
        %swap3A_677 = arith.constant 0 : index
        %swap3A_678 = tpu.vector_load %arg15[%swap3A_676, %swap3A_677] {strides = array<i32>} : memref<40x144xf32, #tpu.memory_space<vmem>>, vector<16xf32>,
        tpu.vector_store %arg15[%swap3A_676, %swap3A_677], %mul3A_675 {strides = array<i32>} : memref<40x144xf32, #tpu.memory_space<vmem>>, vector<16xf32>,
        %mul3A_679 = arith.mulf %exp3A_620, %add3A_462 : vector<16xf32>
        %swap3A_680 = arith.index_cast %add3A_426 : i32 to index
        %swap3A_681 = arith.constant 16 : index
        %swap3A_682 = tpu.vector_load %arg15[%swap3A_680, %swap3A_681] {strides = array<i32>} : memref<40x144xf32, #tpu.memory_space<vmem>>, vector<16xf32>,
        tpu.vector_store %arg15[%swap3A_680, %swap3A_681], %mul3A_679 {strides = array<i32>} : memref<40x144xf32, #tpu.memory_space<vmem>>, vector<16xf32>,
        %mul3A_683 = arith.mulf %exp3A_621, %add3A_480 : vector<16xf32>
        %swap3A_684 = arith.index_cast %add3A_426 : i32 to index
        %swap3A_685 = arith.constant 32 : index
        %swap3A_686 = tpu.vector_load %arg15[%swap3A_684, %swap3A_685] {strides = array<i32>} : memref<40x144xf32, #tpu.memory_space<vmem>>, vector<16xf32>,
        tpu.vector_store %arg15[%swap3A_684, %swap3A_685], %mul3A_683 {strides = array<i32>} : memref<40x144xf32, #tpu.memory_space<vmem>>, vector<16xf32>,
        %mul3A_687 = arith.mulf %exp3A_622, %add3A_498 : vector<16xf32>
        %swap3A_688 = arith.index_cast %add3A_426 : i32 to index
        %swap3A_689 = arith.constant 48 : index
        %swap3A_690 = tpu.vector_load %arg15[%swap3A_688, %swap3A_689] {strides = array<i32>} : memref<40x144xf32, #tpu.memory_space<vmem>>, vector<16xf32>,
        tpu.vector_store %arg15[%swap3A_688, %swap3A_689], %mul3A_687 {strides = array<i32>} : memref<40x144xf32, #tpu.memory_space<vmem>>, vector<16xf32>,
        %mul3A_691 = arith.mulf %exp3A_623, %add3A_516 : vector<16xf32>
        %swap3A_692 = arith.index_cast %add3A_426 : i32 to index
        %swap3A_693 = arith.constant 64 : index
        %swap3A_694 = tpu.vector_load %arg15[%swap3A_692, %swap3A_693] {strides = array<i32>} : memref<40x144xf32, #tpu.memory_space<vmem>>, vector<16xf32>,
        tpu.vector_store %arg15[%swap3A_692, %swap3A_693], %mul3A_691 {strides = array<i32>} : memref<40x144xf32, #tpu.memory_space<vmem>>, vector<16xf32>,
        %mul3A_695 = arith.mulf %exp3A_624, %add3A_534 : vector<16xf32>
        %swap3A_696 = arith.index_cast %add3A_426 : i32 to index
        %swap3A_697 = arith.constant 80 : index
        %swap3A_698 = tpu.vector_load %arg15[%swap3A_696, %swap3A_697] {strides = array<i32>} : memref<40x144xf32, #tpu.memory_space<vmem>>, vector<16xf32>,
        tpu.vector_store %arg15[%swap3A_696, %swap3A_697], %mul3A_695 {strides = array<i32>} : memref<40x144xf32, #tpu.memory_space<vmem>>, vector<16xf32>,
        %mul3A_699 = arith.mulf %exp3A_625, %add3A_552 : vector<16xf32>
        %swap3A_700 = arith.index_cast %add3A_426 : i32 to index
        %swap3A_701 = arith.constant 96 : index
        %swap3A_702 = tpu.vector_load %arg15[%swap3A_700, %swap3A_701] {strides = array<i32>} : memref<40x144xf32, #tpu.memory_space<vmem>>, vector<16xf32>,
        tpu.vector_store %arg15[%swap3A_700, %swap3A_701], %mul3A_699 {strides = array<i32>} : memref<40x144xf32, #tpu.memory_space<vmem>>, vector<16xf32>,
        %mul3A_703 = arith.mulf %exp3A_626, %add3A_570 : vector<16xf32>
        %swap3A_704 = arith.index_cast %add3A_426 : i32 to index
        %swap3A_705 = arith.constant 112 : index
        %swap3A_706 = tpu.vector_load %arg15[%swap3A_704, %swap3A_705] {strides = array<i32>} : memref<40x144xf32, #tpu.memory_space<vmem>>, vector<16xf32>,
        tpu.vector_store %arg15[%swap3A_704, %swap3A_705], %mul3A_703 {strides = array<i32>} : memref<40x144xf32, #tpu.memory_space<vmem>>, vector<16xf32>,
        %add3A_707 = arith.addf %select_n3A_632, %select_n3A_638 : vector<16xf32>
        %add3A_708 = arith.addf %select_n3A_644, %select_n3A_650 : vector<16xf32>
        %add3A_709 = arith.addf %select_n3A_656, %select_n3A_662 : vector<16xf32>
        %add3A_710 = arith.addf %select_n3A_668, %select_n3A_674 : vector<16xf32>
        %add3A_711 = arith.addf %add3A_707, %add3A_708 : vector<16xf32>
        %add3A_712 = arith.addf %add3A_709, %add3A_710 : vector<16xf32>
        %add3A_713 = arith.addf %add3A_711, %add3A_712 : vector<16xf32>
        %swap3A_714 = arith.index_cast %add3A_426 : i32 to index
        %swap3A_715 = arith.constant 128 : index
        %swap3A_716 = tpu.vector_load %arg15[%swap3A_714, %swap3A_715] {strides = array<i32>} : memref<40x144xf32, #tpu.memory_space<vmem>>, vector<16xf32>,
        tpu.vector_store %arg15[%swap3A_714, %swap3A_715], %add3A_713 {strides = array<i32>} : memref<40x144xf32, #tpu.memory_space<vmem>>, vector<16xf32>,
      }
      %scan3A_106 = arith.constant 20 : i32
      "tpu.region"() ({
        %run_scoped3A = tpu.sem_alloc : memref<!tpu.dma_semaphore, #tpu.memory_space<semaphore_mem>>
        %dma_start3A_136 = arith.constant 0 : i32
        %dma_start3A_137 = arith.constant 0 : i32
        %dma_start3A_138 = tpu.memref_slice %arg16[%dma_start3A_136, %dma_start3A_137] : memref<10240x144xf32, #tpu.memory_space<vmem_shared>> -> memref<10240x144xf32, #tpu.memory_space<vmem_shared>>
        tpu.enqueue_indirect_dma source(%arg15 : memref<40x144xf32, #tpu.memory_space<vmem>>) target(%dma_start3A_138 : memref<10240x144xf32, #tpu.memory_space<vmem_shared>>) offsets(%arg9 : memref<40xi32, #tpu.memory_space<vmem>>) semaphore(%run_scoped3A : memref<!tpu.dma_semaphore, #tpu.memory_space<semaphore_mem>>) {add = true}
        %dma_wait3A_139 = arith.constant 0 : i32
        %dma_wait3A_140 = arith.constant 0 : i32
        %dma_wait3A_141 = tpu.memref_slice %arg16[%dma_wait3A_139, %dma_wait3A_140] : memref<10240x144xf32, #tpu.memory_space<vmem_shared>> -> memref<10240x144xf32, #tpu.memory_space<vmem_shared>>
        tpu.wait_indirect_dma semaphore(%run_scoped3A : memref<!tpu.dma_semaphore, #tpu.memory_space<semaphore_mem>>) src(%arg15 : memref<40x144xf32, #tpu.memory_space<vmem>>) dst(%dma_wait3A_141 : memref<10240x144xf32, #tpu.memory_space<vmem_shared>>)
        tpu.yield
      }) : () -> ()
      %lt3A = arith.constant 124 : i32
      %lt3A_107 = arith.cmpi slt, %add3A_63, %lt3A : i32
      %convert_element_type3A = arith.extui %lt3A_107 : i1 to i32
      %cond3A = arith.constant 0 : i32
      %cond3A_108 = arith.cmpi ne, %convert_element_type3A, %cond3A : i32
      scf.if %cond3A_108 {
        %add3A_136 = arith.constant 80 : i32
        %add3A_137 = arith.addi %multiple_of3A, %add3A_136 : i32
        %dma_start3A_138 = arith.constant 0 : i32
        %dma_start3A_139 = tpu.memref_slice %arg5[%dma_start3A_138, %add3A_137] : memref<2x320000xi32, #tpu.memory_space<hbm>> -> memref<1x40xi32, #tpu.memory_space<hbm>>
        %dma_start3A_140 = tpu.memref_squeeze %dma_start3A_139 : memref<1x40xi32, #tpu.memory_space<hbm>> -> memref<40xi32, #tpu.memory_space<hbm>>
        %dma_start3A_141 = tpu.memref_slice %arg5[%dma_start3A_138, %add3A_137] : memref<2x320000xi32, #tpu.memory_space<hbm>> -> memref<1x40xi32, #tpu.memory_space<hbm>>
        %dma_start3A_142 = tpu.memref_squeeze %dma_start3A_141 : memref<1x40xi32, #tpu.memory_space<hbm>> -> memref<40xi32, #tpu.memory_space<hbm>>
        tpu.enqueue_dma source(%dma_start3A_142 : memref<40xi32, #tpu.memory_space<hbm>>) target(%arg7 : memref<40xi32, #tpu.memory_space<vmem>>) target_semaphore(%arg17 : memref<!tpu.dma_semaphore, #tpu.memory_space<semaphore_mem>>)
        %dma_start3A_143 = arith.constant 1 : i32
        %dma_start3A_144 = tpu.memref_slice %arg5[%dma_start3A_143, %add3A_137] : memref<2x320000xi32, #tpu.memory_space<hbm>> -> memref<1x40xi32, #tpu.memory_space<hbm>>
        %dma_start3A_145 = tpu.memref_squeeze %dma_start3A_144 : memref<1x40xi32, #tpu.memory_space<hbm>> -> memref<40xi32, #tpu.memory_space<hbm>>
        %dma_start3A_146 = tpu.memref_slice %arg5[%dma_start3A_143, %add3A_137] : memref<2x320000xi32, #tpu.memory_space<hbm>> -> memref<1x40xi32, #tpu.memory_space<hbm>>
        %dma_start3A_147 = tpu.memref_squeeze %dma_start3A_146 : memref<1x40xi32, #tpu.memory_space<hbm>> -> memref<40xi32, #tpu.memory_space<hbm>>
        tpu.enqueue_dma source(%dma_start3A_147 : memref<40xi32, #tpu.memory_space<hbm>>) target(%arg9 : memref<40xi32, #tpu.memory_space<vmem>>) target_semaphore(%arg17 : memref<!tpu.dma_semaphore, #tpu.memory_space<semaphore_mem>>)
      } else {
      }
      %dma_start3A_109 = arith.constant 0 : i32
      %dma_start3A_110 = arith.constant 0 : i32
      %dma_start3A_111 = tpu.memref_slice %arg2[%dma_start3A_109, %dma_start3A_110] : memref<10000x128xf32, #tpu.memory_space<hbm>> -> memref<10000x128xf32, #tpu.memory_space<hbm>>
      tpu.enqueue_indirect_dma source(%dma_start3A_111 : memref<10000x128xf32, #tpu.memory_space<hbm>>) target(%arg11 : memref<40x128xf32, #tpu.memory_space<vmem>>) offsets(%arg10 : memref<40xi32, #tpu.memory_space<vmem>>) semaphore(%arg21 : memref<!tpu.dma_semaphore, #tpu.memory_space<semaphore_mem>>)
      %mul3A_112 = arith.constant 128 : i32
      %mul3A_113 = arith.muli %multiple_of3A_71, %mul3A_112 : i32
      %dma_start3A_114 = tpu.memref_slice %arg4[%mul3A_113] : memref<40960000xf32, #tpu.memory_space<hbm>> -> memref<5120xf32, #tpu.memory_space<hbm>>
      %dma_start3A_115 = tpu.memref_slice %arg4[%mul3A_113] : memref<40960000xf32, #tpu.memory_space<hbm>> -> memref<5120xf32, #tpu.memory_space<hbm>>
      tpu.enqueue_dma source(%dma_start3A_115 : memref<5120xf32, #tpu.memory_space<hbm>>) target(%arg14 : memref<5120xf32, #tpu.memory_space<vmem>>) target_semaphore(%arg21 : memref<!tpu.dma_semaphore, #tpu.memory_space<semaphore_mem>>)
      %dma_wait3A_116 = arith.constant 0 : i32
      %dma_wait3A_117 = arith.constant 0 : i32
      %dma_wait3A_118 = tpu.memref_slice %arg3[%dma_wait3A_116, %dma_wait3A_117] : memref<10000x256xf32, #tpu.memory_space<hbm>> -> memref<10000x256xf32, #tpu.memory_space<hbm>>
      tpu.wait_indirect_dma semaphore(%arg20 : memref<!tpu.dma_semaphore, #tpu.memory_space<semaphore_mem>>) src(%dma_wait3A_118 : memref<10000x256xf32, #tpu.memory_space<hbm>>) dst(%arg13 : memref<40x256xf32, #tpu.memory_space<vmem>>)
      %dma_wait3A_119 = arith.constant 0 : i32
      %dma_wait3A_120 = arith.constant 0 : i32
      %dma_wait3A_121 = tpu.memref_slice %arg2[%dma_wait3A_119, %dma_wait3A_120] : memref<10000x128xf32, #tpu.memory_space<hbm>> -> memref<10000x128xf32, #tpu.memory_space<hbm>>
      tpu.wait_indirect_dma semaphore(%arg21 : memref<!tpu.dma_semaphore, #tpu.memory_space<semaphore_mem>>) src(%dma_wait3A_121 : memref<10000x128xf32, #tpu.memory_space<hbm>>) dst(%arg11 : memref<40x128xf32, #tpu.memory_space<vmem>>)
      %mul3A_122 = arith.constant 128 : i32
      %mul3A_123 = arith.muli %multiple_of3A_71, %mul3A_122 : i32
      %dma_wait3A_124 = tpu.memref_slice %arg4[%mul3A_123] : memref<40960000xf32, #tpu.memory_space<hbm>> -> memref<5120xf32, #tpu.memory_space<hbm>>
      %dma_wait3A_125 = tpu.memref_slice %arg4[%mul3A_123] : memref<40960000xf32, #tpu.memory_space<hbm>> -> memref<5120xf32, #tpu.memory_space<hbm>>
      tpu.wait_dma2 semaphore(%arg21 : memref<!tpu.dma_semaphore, #tpu.memory_space<semaphore_mem>>) src(%dma_wait3A_125 : memref<5120xf32, #tpu.memory_space<hbm>>) dst(%arg14 : memref<5120xf32, #tpu.memory_space<vmem>>)
      %scan3A_126 = arith.constant 0 : i32
      %scan3A_127 = arith.constant 20 : i32
      %scan3A_128 = arith.addi %scan3A_126, %scan3A_127 : i32
      %scan3A_129 = arith.constant 1 : i32
      scf.for %scan3A_136 = %scan3A_126 to %scan3A_128 step %scan3A_129  : i32 {
        %mul3A_137 = arith.constant 2 : i32
        %mul3A_138 = arith.muli %scan3A_136, %mul3A_137 : i32
        %add3A_139 = arith.constant 0 : i32
        %add3A_140 = arith.addi %add3A_139, %mul3A_138 : i32
        %add3A_141 = arith.constant 0 : i32
        %add3A_142 = arith.addi %add3A_140, %add3A_141 : i32
        %get3A = arith.index_cast %add3A_142 : i32 to index
        %get3A_143 = arith.constant 0 : index
        %get3A_144 = tpu.vector_load %arg13[%get3A, %get3A_143] {strides = array<i32>} : memref<40x256xf32, #tpu.memory_space<vmem>>, vector<16xf32>,
        %mul3A_145 = arith.constant 128 : i32
        %mul3A_146 = arith.muli %add3A_142, %mul3A_145 : i32
        %add3A_147 = arith.constant 0 : i32
        %add3A_148 = arith.addi %mul3A_146, %add3A_147 : i32
        %get3A_149 = arith.index_cast %add3A_148 : i32 to index
        %get3A_150 = tpu.vector_load %arg14[%get3A_149] {strides = array<i32>} : memref<5120xf32, #tpu.memory_space<vmem>>, vector<16xf32>,
        %get3A_151 = arith.index_cast %add3A_142 : i32 to index
        %get3A_152 = arith.constant 128 : index
        %get3A_153 = tpu.vector_load %arg13[%get3A_151, %get3A_152] {strides = array<i32>} : memref<40x256xf32, #tpu.memory_space<vmem>>, vector<16xf32>,
        %get3A_154 = arith.index_cast %add3A_142 : i32 to index
        %get3A_155 = arith.constant 0 : index
        %get3A_156 = tpu.vector_load %arg11[%get3A_154, %get3A_155] {strides = array<i32>} : memref<40x128xf32, #tpu.memory_space<vmem>>, vector<16xf32>,
        %add3A_157 = arith.addf %get3A_144, %get3A_150 : vector<16xf32>
        %mul3A_158 = arith.mulf %get3A_156, %add3A_157 : vector<16xf32>
        %add3A_159 = arith.addf %get3A_153, %get3A_150 : vector<16xf32>
        %get3A_160 = arith.index_cast %add3A_142 : i32 to index
        %get3A_161 = arith.constant 16 : index
        %get3A_162 = tpu.vector_load %arg13[%get3A_160, %get3A_161] {strides = array<i32>} : memref<40x256xf32, #tpu.memory_space<vmem>>, vector<16xf32>,
        %mul3A_163 = arith.constant 128 : i32
        %mul3A_164 = arith.muli %add3A_142, %mul3A_163 : i32
        %add3A_165 = arith.constant 16 : i32
        %add3A_166 = arith.addi %mul3A_164, %add3A_165 : i32
        %get3A_167 = arith.index_cast %add3A_166 : i32 to index
        %get3A_168 = tpu.vector_load %arg14[%get3A_167] {strides = array<i32>} : memref<5120xf32, #tpu.memory_space<vmem>>, vector<16xf32>,
        %get3A_169 = arith.index_cast %add3A_142 : i32 to index
        %get3A_170 = arith.constant 144 : index
        %get3A_171 = tpu.vector_load %arg13[%get3A_169, %get3A_170] {strides = array<i32>} : memref<40x256xf32, #tpu.memory_space<vmem>>, vector<16xf32>,
        %get3A_172 = arith.index_cast %add3A_142 : i32 to index
        %get3A_173 = arith.constant 16 : index
        %get3A_174 = tpu.vector_load %arg11[%get3A_172, %get3A_173] {strides = array<i32>} : memref<40x128xf32, #tpu.memory_space<vmem>>, vector<16xf32>,
        %add3A_175 = arith.addf %get3A_162, %get3A_168 : vector<16xf32>
        %mul3A_176 = arith.mulf %get3A_174, %add3A_175 : vector<16xf32>
        %add3A_177 = arith.addf %get3A_171, %get3A_168 : vector<16xf32>
        %get3A_178 = arith.index_cast %add3A_142 : i32 to index
        %get3A_179 = arith.constant 32 : index
        %get3A_180 = tpu.vector_load %arg13[%get3A_178, %get3A_179] {strides = array<i32>} : memref<40x256xf32, #tpu.memory_space<vmem>>, vector<16xf32>,
        %mul3A_181 = arith.constant 128 : i32
        %mul3A_182 = arith.muli %add3A_142, %mul3A_181 : i32
        %add3A_183 = arith.constant 32 : i32
        %add3A_184 = arith.addi %mul3A_182, %add3A_183 : i32
        %get3A_185 = arith.index_cast %add3A_184 : i32 to index
        %get3A_186 = tpu.vector_load %arg14[%get3A_185] {strides = array<i32>} : memref<5120xf32, #tpu.memory_space<vmem>>, vector<16xf32>,
        %get3A_187 = arith.index_cast %add3A_142 : i32 to index
        %get3A_188 = arith.constant 160 : index
        %get3A_189 = tpu.vector_load %arg13[%get3A_187, %get3A_188] {strides = array<i32>} : memref<40x256xf32, #tpu.memory_space<vmem>>, vector<16xf32>,
        %get3A_190 = arith.index_cast %add3A_142 : i32 to index
        %get3A_191 = arith.constant 32 : index
        %get3A_192 = tpu.vector_load %arg11[%get3A_190, %get3A_191] {strides = array<i32>} : memref<40x128xf32, #tpu.memory_space<vmem>>, vector<16xf32>,
        %add3A_193 = arith.addf %get3A_180, %get3A_186 : vector<16xf32>
        %mul3A_194 = arith.mulf %get3A_192, %add3A_193 : vector<16xf32>
        %add3A_195 = arith.addf %get3A_189, %get3A_186 : vector<16xf32>
        %get3A_196 = arith.index_cast %add3A_142 : i32 to index
        %get3A_197 = arith.constant 48 : index
        %get3A_198 = tpu.vector_load %arg13[%get3A_196, %get3A_197] {strides = array<i32>} : memref<40x256xf32, #tpu.memory_space<vmem>>, vector<16xf32>,
        %mul3A_199 = arith.constant 128 : i32
        %mul3A_200 = arith.muli %add3A_142, %mul3A_199 : i32
        %add3A_201 = arith.constant 48 : i32
        %add3A_202 = arith.addi %mul3A_200, %add3A_201 : i32
        %get3A_203 = arith.index_cast %add3A_202 : i32 to index
        %get3A_204 = tpu.vector_load %arg14[%get3A_203] {strides = array<i32>} : memref<5120xf32, #tpu.memory_space<vmem>>, vector<16xf32>,
        %get3A_205 = arith.index_cast %add3A_142 : i32 to index
        %get3A_206 = arith.constant 176 : index
        %get3A_207 = tpu.vector_load %arg13[%get3A_205, %get3A_206] {strides = array<i32>} : memref<40x256xf32, #tpu.memory_space<vmem>>, vector<16xf32>,
        %get3A_208 = arith.index_cast %add3A_142 : i32 to index
        %get3A_209 = arith.constant 48 : index
        %get3A_210 = tpu.vector_load %arg11[%get3A_208, %get3A_209] {strides = array<i32>} : memref<40x128xf32, #tpu.memory_space<vmem>>, vector<16xf32>,
        %add3A_211 = arith.addf %get3A_198, %get3A_204 : vector<16xf32>
        %mul3A_212 = arith.mulf %get3A_210, %add3A_211 : vector<16xf32>
        %add3A_213 = arith.addf %get3A_207, %get3A_204 : vector<16xf32>
        %get3A_214 = arith.index_cast %add3A_142 : i32 to index
        %get3A_215 = arith.constant 64 : index
        %get3A_216 = tpu.vector_load %arg13[%get3A_214, %get3A_215] {strides = array<i32>} : memref<40x256xf32, #tpu.memory_space<vmem>>, vector<16xf32>,
        %mul3A_217 = arith.constant 128 : i32
        %mul3A_218 = arith.muli %add3A_142, %mul3A_217 : i32
        %add3A_219 = arith.constant 64 : i32
        %add3A_220 = arith.addi %mul3A_218, %add3A_219 : i32
        %get3A_221 = arith.index_cast %add3A_220 : i32 to index
        %get3A_222 = tpu.vector_load %arg14[%get3A_221] {strides = array<i32>} : memref<5120xf32, #tpu.memory_space<vmem>>, vector<16xf32>,
        %get3A_223 = arith.index_cast %add3A_142 : i32 to index
        %get3A_224 = arith.constant 192 : index
        %get3A_225 = tpu.vector_load %arg13[%get3A_223, %get3A_224] {strides = array<i32>} : memref<40x256xf32, #tpu.memory_space<vmem>>, vector<16xf32>,
        %get3A_226 = arith.index_cast %add3A_142 : i32 to index
        %get3A_227 = arith.constant 64 : index
        %get3A_228 = tpu.vector_load %arg11[%get3A_226, %get3A_227] {strides = array<i32>} : memref<40x128xf32, #tpu.memory_space<vmem>>, vector<16xf32>,
        %add3A_229 = arith.addf %get3A_216, %get3A_222 : vector<16xf32>
        %mul3A_230 = arith.mulf %get3A_228, %add3A_229 : vector<16xf32>
        %add3A_231 = arith.addf %get3A_225, %get3A_222 : vector<16xf32>
        %get3A_232 = arith.index_cast %add3A_142 : i32 to index
        %get3A_233 = arith.constant 80 : index
        %get3A_234 = tpu.vector_load %arg13[%get3A_232, %get3A_233] {strides = array<i32>} : memref<40x256xf32, #tpu.memory_space<vmem>>, vector<16xf32>,
        %mul3A_235 = arith.constant 128 : i32
        %mul3A_236 = arith.muli %add3A_142, %mul3A_235 : i32
        %add3A_237 = arith.constant 80 : i32
        %add3A_238 = arith.addi %mul3A_236, %add3A_237 : i32
        %get3A_239 = arith.index_cast %add3A_238 : i32 to index
        %get3A_240 = tpu.vector_load %arg14[%get3A_239] {strides = array<i32>} : memref<5120xf32, #tpu.memory_space<vmem>>, vector<16xf32>,
        %get3A_241 = arith.index_cast %add3A_142 : i32 to index
        %get3A_242 = arith.constant 208 : index
        %get3A_243 = tpu.vector_load %arg13[%get3A_241, %get3A_242] {strides = array<i32>} : memref<40x256xf32, #tpu.memory_space<vmem>>, vector<16xf32>,
        %get3A_244 = arith.index_cast %add3A_142 : i32 to index
        %get3A_245 = arith.constant 80 : index
        %get3A_246 = tpu.vector_load %arg11[%get3A_244, %get3A_245] {strides = array<i32>} : memref<40x128xf32, #tpu.memory_space<vmem>>, vector<16xf32>,
        %add3A_247 = arith.addf %get3A_234, %get3A_240 : vector<16xf32>
        %mul3A_248 = arith.mulf %get3A_246, %add3A_247 : vector<16xf32>
        %add3A_249 = arith.addf %get3A_243, %get3A_240 : vector<16xf32>
        %get3A_250 = arith.index_cast %add3A_142 : i32 to index
        %get3A_251 = arith.constant 96 : index
        %get3A_252 = tpu.vector_load %arg13[%get3A_250, %get3A_251] {strides = array<i32>} : memref<40x256xf32, #tpu.memory_space<vmem>>, vector<16xf32>,
        %mul3A_253 = arith.constant 128 : i32
        %mul3A_254 = arith.muli %add3A_142, %mul3A_253 : i32
        %add3A_255 = arith.constant 96 : i32
        %add3A_256 = arith.addi %mul3A_254, %add3A_255 : i32
        %get3A_257 = arith.index_cast %add3A_256 : i32 to index
        %get3A_258 = tpu.vector_load %arg14[%get3A_257] {strides = array<i32>} : memref<5120xf32, #tpu.memory_space<vmem>>, vector<16xf32>,
        %get3A_259 = arith.index_cast %add3A_142 : i32 to index
        %get3A_260 = arith.constant 224 : index
        %get3A_261 = tpu.vector_load %arg13[%get3A_259, %get3A_260] {strides = array<i32>} : memref<40x256xf32, #tpu.memory_space<vmem>>, vector<16xf32>,
        %get3A_262 = arith.index_cast %add3A_142 : i32 to index
        %get3A_263 = arith.constant 96 : index
        %get3A_264 = tpu.vector_load %arg11[%get3A_262, %get3A_263] {strides = array<i32>} : memref<40x128xf32, #tpu.memory_space<vmem>>, vector<16xf32>,
        %add3A_265 = arith.addf %get3A_252, %get3A_258 : vector<16xf32>
        %mul3A_266 = arith.mulf %get3A_264, %add3A_265 : vector<16xf32>
        %add3A_267 = arith.addf %get3A_261, %get3A_258 : vector<16xf32>
        %get3A_268 = arith.index_cast %add3A_142 : i32 to index
        %get3A_269 = arith.constant 112 : index
        %get3A_270 = tpu.vector_load %arg13[%get3A_268, %get3A_269] {strides = array<i32>} : memref<40x256xf32, #tpu.memory_space<vmem>>, vector<16xf32>,
        %mul3A_271 = arith.constant 128 : i32
        %mul3A_272 = arith.muli %add3A_142, %mul3A_271 : i32
        %add3A_273 = arith.constant 112 : i32
        %add3A_274 = arith.addi %mul3A_272, %add3A_273 : i32
        %get3A_275 = arith.index_cast %add3A_274 : i32 to index
        %get3A_276 = tpu.vector_load %arg14[%get3A_275] {strides = array<i32>} : memref<5120xf32, #tpu.memory_space<vmem>>, vector<16xf32>,
        %get3A_277 = arith.index_cast %add3A_142 : i32 to index
        %get3A_278 = arith.constant 240 : index
        %get3A_279 = tpu.vector_load %arg13[%get3A_277, %get3A_278] {strides = array<i32>} : memref<40x256xf32, #tpu.memory_space<vmem>>, vector<16xf32>,
        %get3A_280 = arith.index_cast %add3A_142 : i32 to index
        %get3A_281 = arith.constant 112 : index
        %get3A_282 = tpu.vector_load %arg11[%get3A_280, %get3A_281] {strides = array<i32>} : memref<40x128xf32, #tpu.memory_space<vmem>>, vector<16xf32>,
        %add3A_283 = arith.addf %get3A_270, %get3A_276 : vector<16xf32>
        %mul3A_284 = arith.mulf %get3A_282, %add3A_283 : vector<16xf32>
        %add3A_285 = arith.addf %get3A_279, %get3A_276 : vector<16xf32>
        %cumsum3A = arith.constant true
        %cumsum3A_286 = vector.broadcast %cumsum3A : i1 to vector<16xi1>
        %cumsum3A_287 = tpu.scan <sum>, %mul3A_158 masked %cumsum3A_286 : vector<16xf32>, vector<16xi1> -> vector<16xf32>
        %cumsum3A_288 = arith.constant true
        %cumsum3A_289 = vector.broadcast %cumsum3A_288 : i1 to vector<16xi1>
        %cumsum3A_290 = tpu.scan <sum>, %mul3A_176 masked %cumsum3A_289 : vector<16xf32>, vector<16xi1> -> vector<16xf32>
        %cumsum3A_291 = arith.constant true
        %cumsum3A_292 = vector.broadcast %cumsum3A_291 : i1 to vector<16xi1>
        %cumsum3A_293 = tpu.scan <sum>, %mul3A_194 masked %cumsum3A_292 : vector<16xf32>, vector<16xi1> -> vector<16xf32>
        %cumsum3A_294 = arith.constant true
        %cumsum3A_295 = vector.broadcast %cumsum3A_294 : i1 to vector<16xi1>
        %cumsum3A_296 = tpu.scan <sum>, %mul3A_212 masked %cumsum3A_295 : vector<16xf32>, vector<16xi1> -> vector<16xf32>
        %cumsum3A_297 = arith.constant true
        %cumsum3A_298 = vector.broadcast %cumsum3A_297 : i1 to vector<16xi1>
        %cumsum3A_299 = tpu.scan <sum>, %mul3A_230 masked %cumsum3A_298 : vector<16xf32>, vector<16xi1> -> vector<16xf32>
        %cumsum3A_300 = arith.constant true
        %cumsum3A_301 = vector.broadcast %cumsum3A_300 : i1 to vector<16xi1>
        %cumsum3A_302 = tpu.scan <sum>, %mul3A_248 masked %cumsum3A_301 : vector<16xf32>, vector<16xi1> -> vector<16xf32>
        %cumsum3A_303 = arith.constant true
        %cumsum3A_304 = vector.broadcast %cumsum3A_303 : i1 to vector<16xi1>
        %cumsum3A_305 = tpu.scan <sum>, %mul3A_266 masked %cumsum3A_304 : vector<16xf32>, vector<16xi1> -> vector<16xf32>
        %cumsum3A_306 = arith.constant true
        %cumsum3A_307 = vector.broadcast %cumsum3A_306 : i1 to vector<16xi1>
        %cumsum3A_308 = tpu.scan <sum>, %mul3A_284 masked %cumsum3A_307 : vector<16xf32>, vector<16xi1> -> vector<16xf32>
        %broadcast_in_dim3A_309 = vector.shape_cast %broadcast_in_dim3A_5 : vector<16xi32> to vector<16x1xi32>
        %gather3A = vector.shape_cast %broadcast_in_dim3A_309 : vector<16x1xi32> to vector<16xi32>
        %gather3A_310 = tpu.dynamic_gather %cumsum3A_287[%gather3A] in [0] : vector<16xf32>, vector<16xi32> -> vector<16xf32>
        %broadcast_in_dim3A_311 = vector.shape_cast %broadcast_in_dim3A_5 : vector<16xi32> to vector<16x1xi32>
        %gather3A_312 = vector.shape_cast %broadcast_in_dim3A_311 : vector<16x1xi32> to vector<16xi32>
        %gather3A_313 = tpu.dynamic_gather %cumsum3A_290[%gather3A_312] in [0] : vector<16xf32>, vector<16xi32> -> vector<16xf32>
        %broadcast_in_dim3A_314 = vector.shape_cast %broadcast_in_dim3A_5 : vector<16xi32> to vector<16x1xi32>
        %gather3A_315 = vector.shape_cast %broadcast_in_dim3A_314 : vector<16x1xi32> to vector<16xi32>
        %gather3A_316 = tpu.dynamic_gather %cumsum3A_293[%gather3A_315] in [0] : vector<16xf32>, vector<16xi32> -> vector<16xf32>
        %broadcast_in_dim3A_317 = vector.shape_cast %broadcast_in_dim3A_5 : vector<16xi32> to vector<16x1xi32>
        %gather3A_318 = vector.shape_cast %broadcast_in_dim3A_317 : vector<16x1xi32> to vector<16xi32>
        %gather3A_319 = tpu.dynamic_gather %cumsum3A_296[%gather3A_318] in [0] : vector<16xf32>, vector<16xi32> -> vector<16xf32>
        %broadcast_in_dim3A_320 = vector.shape_cast %broadcast_in_dim3A_5 : vector<16xi32> to vector<16x1xi32>
        %gather3A_321 = vector.shape_cast %broadcast_in_dim3A_320 : vector<16x1xi32> to vector<16xi32>
        %gather3A_322 = tpu.dynamic_gather %cumsum3A_299[%gather3A_321] in [0] : vector<16xf32>, vector<16xi32> -> vector<16xf32>
        %broadcast_in_dim3A_323 = vector.shape_cast %broadcast_in_dim3A_5 : vector<16xi32> to vector<16x1xi32>
        %gather3A_324 = vector.shape_cast %broadcast_in_dim3A_323 : vector<16x1xi32> to vector<16xi32>
        %gather3A_325 = tpu.dynamic_gather %cumsum3A_302[%gather3A_324] in [0] : vector<16xf32>, vector<16xi32> -> vector<16xf32>
        %broadcast_in_dim3A_326 = vector.shape_cast %broadcast_in_dim3A_5 : vector<16xi32> to vector<16x1xi32>
        %gather3A_327 = vector.shape_cast %broadcast_in_dim3A_326 : vector<16x1xi32> to vector<16xi32>
        %gather3A_328 = tpu.dynamic_gather %cumsum3A_305[%gather3A_327] in [0] : vector<16xf32>, vector<16xi32> -> vector<16xf32>
        %broadcast_in_dim3A_329 = vector.shape_cast %broadcast_in_dim3A_5 : vector<16xi32> to vector<16x1xi32>
        %gather3A_330 = vector.shape_cast %broadcast_in_dim3A_329 : vector<16x1xi32> to vector<16xi32>
        %gather3A_331 = tpu.dynamic_gather %cumsum3A_308[%gather3A_330] in [0] : vector<16xf32>, vector<16xi32> -> vector<16xf32>
        %exp3A = math.exp %gather3A_310 : vector<16xf32>
        %exp3A_332 = math.exp %gather3A_313 : vector<16xf32>
        %exp3A_333 = math.exp %gather3A_316 : vector<16xf32>
        %exp3A_334 = math.exp %gather3A_319 : vector<16xf32>
        %exp3A_335 = math.exp %gather3A_322 : vector<16xf32>
        %exp3A_336 = math.exp %gather3A_325 : vector<16xf32>
        %exp3A_337 = math.exp %gather3A_328 : vector<16xf32>
        %exp3A_338 = math.exp %gather3A_331 : vector<16xf32>
        %eq3A = arith.constant 0 : i32
        %eq3A_339 = vector.broadcast %eq3A : i32 to vector<16xi32>
        %eq3A_340 = arith.cmpi eq, %iota3A, %eq3A_339 : vector<16xi32>
        %jit3A = arith.constant 0.000000e+00 : f32
        %broadcast_in_dim3A_341 = vector.broadcast %jit3A : f32 to vector<16xf32>
        %select_n3A = arith.select %eq3A_340, %exp3A, %broadcast_in_dim3A_341 : vector<16xi1>, vector<16xf32>
        %eq3A_342 = arith.constant 1 : i32
        %eq3A_343 = vector.broadcast %eq3A_342 : i32 to vector<16xi32>
        %eq3A_344 = arith.cmpi eq, %iota3A, %eq3A_343 : vector<16xi32>
        %jit3A_345 = arith.constant 0.000000e+00 : f32
        %broadcast_in_dim3A_346 = vector.broadcast %jit3A_345 : f32 to vector<16xf32>
        %select_n3A_347 = arith.select %eq3A_344, %exp3A_332, %broadcast_in_dim3A_346 : vector<16xi1>, vector<16xf32>
        %eq3A_348 = arith.constant 2 : i32
        %eq3A_349 = vector.broadcast %eq3A_348 : i32 to vector<16xi32>
        %eq3A_350 = arith.cmpi eq, %iota3A, %eq3A_349 : vector<16xi32>
        %jit3A_351 = arith.constant 0.000000e+00 : f32
        %broadcast_in_dim3A_352 = vector.broadcast %jit3A_351 : f32 to vector<16xf32>
        %select_n3A_353 = arith.select %eq3A_350, %exp3A_333, %broadcast_in_dim3A_352 : vector<16xi1>, vector<16xf32>
        %eq3A_354 = arith.constant 3 : i32
        %eq3A_355 = vector.broadcast %eq3A_354 : i32 to vector<16xi32>
        %eq3A_356 = arith.cmpi eq, %iota3A, %eq3A_355 : vector<16xi32>
        %jit3A_357 = arith.constant 0.000000e+00 : f32
        %broadcast_in_dim3A_358 = vector.broadcast %jit3A_357 : f32 to vector<16xf32>
        %select_n3A_359 = arith.select %eq3A_356, %exp3A_334, %broadcast_in_dim3A_358 : vector<16xi1>, vector<16xf32>
        %eq3A_360 = arith.constant 4 : i32
        %eq3A_361 = vector.broadcast %eq3A_360 : i32 to vector<16xi32>
        %eq3A_362 = arith.cmpi eq, %iota3A, %eq3A_361 : vector<16xi32>
        %jit3A_363 = arith.constant 0.000000e+00 : f32
        %broadcast_in_dim3A_364 = vector.broadcast %jit3A_363 : f32 to vector<16xf32>
        %select_n3A_365 = arith.select %eq3A_362, %exp3A_335, %broadcast_in_dim3A_364 : vector<16xi1>, vector<16xf32>
        %eq3A_366 = arith.constant 5 : i32
        %eq3A_367 = vector.broadcast %eq3A_366 : i32 to vector<16xi32>
        %eq3A_368 = arith.cmpi eq, %iota3A, %eq3A_367 : vector<16xi32>
        %jit3A_369 = arith.constant 0.000000e+00 : f32
        %broadcast_in_dim3A_370 = vector.broadcast %jit3A_369 : f32 to vector<16xf32>
        %select_n3A_371 = arith.select %eq3A_368, %exp3A_336, %broadcast_in_dim3A_370 : vector<16xi1>, vector<16xf32>
        %eq3A_372 = arith.constant 6 : i32
        %eq3A_373 = vector.broadcast %eq3A_372 : i32 to vector<16xi32>
        %eq3A_374 = arith.cmpi eq, %iota3A, %eq3A_373 : vector<16xi32>
        %jit3A_375 = arith.constant 0.000000e+00 : f32
        %broadcast_in_dim3A_376 = vector.broadcast %jit3A_375 : f32 to vector<16xf32>
        %select_n3A_377 = arith.select %eq3A_374, %exp3A_337, %broadcast_in_dim3A_376 : vector<16xi1>, vector<16xf32>
        %eq3A_378 = arith.constant 7 : i32
        %eq3A_379 = vector.broadcast %eq3A_378 : i32 to vector<16xi32>
        %eq3A_380 = arith.cmpi eq, %iota3A, %eq3A_379 : vector<16xi32>
        %jit3A_381 = arith.constant 0.000000e+00 : f32
        %broadcast_in_dim3A_382 = vector.broadcast %jit3A_381 : f32 to vector<16xf32>
        %select_n3A_383 = arith.select %eq3A_380, %exp3A_338, %broadcast_in_dim3A_382 : vector<16xi1>, vector<16xf32>
        %mul3A_384 = arith.mulf %exp3A, %add3A_159 : vector<16xf32>
        %swap3A = arith.index_cast %add3A_142 : i32 to index
        %swap3A_385 = arith.constant 0 : index
        %swap3A_386 = tpu.vector_load %arg15[%swap3A, %swap3A_385] {strides = array<i32>} : memref<40x144xf32, #tpu.memory_space<vmem>>, vector<16xf32>,
        tpu.vector_store %arg15[%swap3A, %swap3A_385], %mul3A_384 {strides = array<i32>} : memref<40x144xf32, #tpu.memory_space<vmem>>, vector<16xf32>,
        %mul3A_387 = arith.mulf %exp3A_332, %add3A_177 : vector<16xf32>
        %swap3A_388 = arith.index_cast %add3A_142 : i32 to index
        %swap3A_389 = arith.constant 16 : index
        %swap3A_390 = tpu.vector_load %arg15[%swap3A_388, %swap3A_389] {strides = array<i32>} : memref<40x144xf32, #tpu.memory_space<vmem>>, vector<16xf32>,
        tpu.vector_store %arg15[%swap3A_388, %swap3A_389], %mul3A_387 {strides = array<i32>} : memref<40x144xf32, #tpu.memory_space<vmem>>, vector<16xf32>,
        %mul3A_391 = arith.mulf %exp3A_333, %add3A_195 : vector<16xf32>
        %swap3A_392 = arith.index_cast %add3A_142 : i32 to index
        %swap3A_393 = arith.constant 32 : index
        %swap3A_394 = tpu.vector_load %arg15[%swap3A_392, %swap3A_393] {strides = array<i32>} : memref<40x144xf32, #tpu.memory_space<vmem>>, vector<16xf32>,
        tpu.vector_store %arg15[%swap3A_392, %swap3A_393], %mul3A_391 {strides = array<i32>} : memref<40x144xf32, #tpu.memory_space<vmem>>, vector<16xf32>,
        %mul3A_395 = arith.mulf %exp3A_334, %add3A_213 : vector<16xf32>
        %swap3A_396 = arith.index_cast %add3A_142 : i32 to index
        %swap3A_397 = arith.constant 48 : index
        %swap3A_398 = tpu.vector_load %arg15[%swap3A_396, %swap3A_397] {strides = array<i32>} : memref<40x144xf32, #tpu.memory_space<vmem>>, vector<16xf32>,
        tpu.vector_store %arg15[%swap3A_396, %swap3A_397], %mul3A_395 {strides = array<i32>} : memref<40x144xf32, #tpu.memory_space<vmem>>, vector<16xf32>,
        %mul3A_399 = arith.mulf %exp3A_335, %add3A_231 : vector<16xf32>
        %swap3A_400 = arith.index_cast %add3A_142 : i32 to index
        %swap3A_401 = arith.constant 64 : index
        %swap3A_402 = tpu.vector_load %arg15[%swap3A_400, %swap3A_401] {strides = array<i32>} : memref<40x144xf32, #tpu.memory_space<vmem>>, vector<16xf32>,
        tpu.vector_store %arg15[%swap3A_400, %swap3A_401], %mul3A_399 {strides = array<i32>} : memref<40x144xf32, #tpu.memory_space<vmem>>, vector<16xf32>,
        %mul3A_403 = arith.mulf %exp3A_336, %add3A_249 : vector<16xf32>
        %swap3A_404 = arith.index_cast %add3A_142 : i32 to index
        %swap3A_405 = arith.constant 80 : index
        %swap3A_406 = tpu.vector_load %arg15[%swap3A_404, %swap3A_405] {strides = array<i32>} : memref<40x144xf32, #tpu.memory_space<vmem>>, vector<16xf32>,
        tpu.vector_store %arg15[%swap3A_404, %swap3A_405], %mul3A_403 {strides = array<i32>} : memref<40x144xf32, #tpu.memory_space<vmem>>, vector<16xf32>,
        %mul3A_407 = arith.mulf %exp3A_337, %add3A_267 : vector<16xf32>
        %swap3A_408 = arith.index_cast %add3A_142 : i32 to index
        %swap3A_409 = arith.constant 96 : index
        %swap3A_410 = tpu.vector_load %arg15[%swap3A_408, %swap3A_409] {strides = array<i32>} : memref<40x144xf32, #tpu.memory_space<vmem>>, vector<16xf32>,
        tpu.vector_store %arg15[%swap3A_408, %swap3A_409], %mul3A_407 {strides = array<i32>} : memref<40x144xf32, #tpu.memory_space<vmem>>, vector<16xf32>,
        %mul3A_411 = arith.mulf %exp3A_338, %add3A_285 : vector<16xf32>
        %swap3A_412 = arith.index_cast %add3A_142 : i32 to index
        %swap3A_413 = arith.constant 112 : index
        %swap3A_414 = tpu.vector_load %arg15[%swap3A_412, %swap3A_413] {strides = array<i32>} : memref<40x144xf32, #tpu.memory_space<vmem>>, vector<16xf32>,
        tpu.vector_store %arg15[%swap3A_412, %swap3A_413], %mul3A_411 {strides = array<i32>} : memref<40x144xf32, #tpu.memory_space<vmem>>, vector<16xf32>,
        %add3A_415 = arith.addf %select_n3A, %select_n3A_347 : vector<16xf32>
        %add3A_416 = arith.addf %select_n3A_353, %select_n3A_359 : vector<16xf32>
        %add3A_417 = arith.addf %select_n3A_365, %select_n3A_371 : vector<16xf32>
        %add3A_418 = arith.addf %select_n3A_377, %select_n3A_383 : vector<16xf32>
        %add3A_419 = arith.addf %add3A_415, %add3A_416 : vector<16xf32>
        %add3A_420 = arith.addf %add3A_417, %add3A_418 : vector<16xf32>
        %add3A_421 = arith.addf %add3A_419, %add3A_420 : vector<16xf32>
        %swap3A_422 = arith.index_cast %add3A_142 : i32 to index
        %swap3A_423 = arith.constant 128 : index
        %swap3A_424 = tpu.vector_load %arg15[%swap3A_422, %swap3A_423] {strides = array<i32>} : memref<40x144xf32, #tpu.memory_space<vmem>>, vector<16xf32>,
        tpu.vector_store %arg15[%swap3A_422, %swap3A_423], %add3A_421 {strides = array<i32>} : memref<40x144xf32, #tpu.memory_space<vmem>>, vector<16xf32>,
        %add3A_425 = arith.constant 1 : i32
        %add3A_426 = arith.addi %add3A_140, %add3A_425 : i32
        %get3A_427 = arith.index_cast %add3A_426 : i32 to index
        %get3A_428 = arith.constant 0 : index
        %get3A_429 = tpu.vector_load %arg13[%get3A_427, %get3A_428] {strides = array<i32>} : memref<40x256xf32, #tpu.memory_space<vmem>>, vector<16xf32>,
        %mul3A_430 = arith.constant 128 : i32
        %mul3A_431 = arith.muli %add3A_426, %mul3A_430 : i32
        %add3A_432 = arith.constant 0 : i32
        %add3A_433 = arith.addi %mul3A_431, %add3A_432 : i32
        %get3A_434 = arith.index_cast %add3A_433 : i32 to index
        %get3A_435 = tpu.vector_load %arg14[%get3A_434] {strides = array<i32>} : memref<5120xf32, #tpu.memory_space<vmem>>, vector<16xf32>,
        %get3A_436 = arith.index_cast %add3A_426 : i32 to index
        %get3A_437 = arith.constant 128 : index
        %get3A_438 = tpu.vector_load %arg13[%get3A_436, %get3A_437] {strides = array<i32>} : memref<40x256xf32, #tpu.memory_space<vmem>>, vector<16xf32>,
        %get3A_439 = arith.index_cast %add3A_426 : i32 to index
        %get3A_440 = arith.constant 0 : index
        %get3A_441 = tpu.vector_load %arg11[%get3A_439, %get3A_440] {strides = array<i32>} : memref<40x128xf32, #tpu.memory_space<vmem>>, vector<16xf32>,
        %add3A_442 = arith.addf %get3A_429, %get3A_435 : vector<16xf32>
        %mul3A_443 = arith.mulf %get3A_441, %add3A_442 : vector<16xf32>
        %add3A_444 = arith.addf %get3A_438, %get3A_435 : vector<16xf32>
        %get3A_445 = arith.index_cast %add3A_426 : i32 to index
        %get3A_446 = arith.constant 16 : index
        %get3A_447 = tpu.vector_load %arg13[%get3A_445, %get3A_446] {strides = array<i32>} : memref<40x256xf32, #tpu.memory_space<vmem>>, vector<16xf32>,
        %mul3A_448 = arith.constant 128 : i32
        %mul3A_449 = arith.muli %add3A_426, %mul3A_448 : i32
        %add3A_450 = arith.constant 16 : i32
        %add3A_451 = arith.addi %mul3A_449, %add3A_450 : i32
        %get3A_452 = arith.index_cast %add3A_451 : i32 to index
        %get3A_453 = tpu.vector_load %arg14[%get3A_452] {strides = array<i32>} : memref<5120xf32, #tpu.memory_space<vmem>>, vector<16xf32>,
        %get3A_454 = arith.index_cast %add3A_426 : i32 to index
        %get3A_455 = arith.constant 144 : index
        %get3A_456 = tpu.vector_load %arg13[%get3A_454, %get3A_455] {strides = array<i32>} : memref<40x256xf32, #tpu.memory_space<vmem>>, vector<16xf32>,
        %get3A_457 = arith.index_cast %add3A_426 : i32 to index
        %get3A_458 = arith.constant 16 : index
        %get3A_459 = tpu.vector_load %arg11[%get3A_457, %get3A_458] {strides = array<i32>} : memref<40x128xf32, #tpu.memory_space<vmem>>, vector<16xf32>,
        %add3A_460 = arith.addf %get3A_447, %get3A_453 : vector<16xf32>
        %mul3A_461 = arith.mulf %get3A_459, %add3A_460 : vector<16xf32>
        %add3A_462 = arith.addf %get3A_456, %get3A_453 : vector<16xf32>
        %get3A_463 = arith.index_cast %add3A_426 : i32 to index
        %get3A_464 = arith.constant 32 : index
        %get3A_465 = tpu.vector_load %arg13[%get3A_463, %get3A_464] {strides = array<i32>} : memref<40x256xf32, #tpu.memory_space<vmem>>, vector<16xf32>,
        %mul3A_466 = arith.constant 128 : i32
        %mul3A_467 = arith.muli %add3A_426, %mul3A_466 : i32
        %add3A_468 = arith.constant 32 : i32
        %add3A_469 = arith.addi %mul3A_467, %add3A_468 : i32
        %get3A_470 = arith.index_cast %add3A_469 : i32 to index
        %get3A_471 = tpu.vector_load %arg14[%get3A_470] {strides = array<i32>} : memref<5120xf32, #tpu.memory_space<vmem>>, vector<16xf32>,
        %get3A_472 = arith.index_cast %add3A_426 : i32 to index
        %get3A_473 = arith.constant 160 : index
        %get3A_474 = tpu.vector_load %arg13[%get3A_472, %get3A_473] {strides = array<i32>} : memref<40x256xf32, #tpu.memory_space<vmem>>, vector<16xf32>,
        %get3A_475 = arith.index_cast %add3A_426 : i32 to index
        %get3A_476 = arith.constant 32 : index
        %get3A_477 = tpu.vector_load %arg11[%get3A_475, %get3A_476] {strides = array<i32>} : memref<40x128xf32, #tpu.memory_space<vmem>>, vector<16xf32>,
        %add3A_478 = arith.addf %get3A_465, %get3A_471 : vector<16xf32>
        %mul3A_479 = arith.mulf %get3A_477, %add3A_478 : vector<16xf32>
        %add3A_480 = arith.addf %get3A_474, %get3A_471 : vector<16xf32>
        %get3A_481 = arith.index_cast %add3A_426 : i32 to index
        %get3A_482 = arith.constant 48 : index
        %get3A_483 = tpu.vector_load %arg13[%get3A_481, %get3A_482] {strides = array<i32>} : memref<40x256xf32, #tpu.memory_space<vmem>>, vector<16xf32>,
        %mul3A_484 = arith.constant 128 : i32
        %mul3A_485 = arith.muli %add3A_426, %mul3A_484 : i32
        %add3A_486 = arith.constant 48 : i32
        %add3A_487 = arith.addi %mul3A_485, %add3A_486 : i32
        %get3A_488 = arith.index_cast %add3A_487 : i32 to index
        %get3A_489 = tpu.vector_load %arg14[%get3A_488] {strides = array<i32>} : memref<5120xf32, #tpu.memory_space<vmem>>, vector<16xf32>,
        %get3A_490 = arith.index_cast %add3A_426 : i32 to index
        %get3A_491 = arith.constant 176 : index
        %get3A_492 = tpu.vector_load %arg13[%get3A_490, %get3A_491] {strides = array<i32>} : memref<40x256xf32, #tpu.memory_space<vmem>>, vector<16xf32>,
        %get3A_493 = arith.index_cast %add3A_426 : i32 to index
        %get3A_494 = arith.constant 48 : index
        %get3A_495 = tpu.vector_load %arg11[%get3A_493, %get3A_494] {strides = array<i32>} : memref<40x128xf32, #tpu.memory_space<vmem>>, vector<16xf32>,
        %add3A_496 = arith.addf %get3A_483, %get3A_489 : vector<16xf32>
        %mul3A_497 = arith.mulf %get3A_495, %add3A_496 : vector<16xf32>
        %add3A_498 = arith.addf %get3A_492, %get3A_489 : vector<16xf32>
        %get3A_499 = arith.index_cast %add3A_426 : i32 to index
        %get3A_500 = arith.constant 64 : index
        %get3A_501 = tpu.vector_load %arg13[%get3A_499, %get3A_500] {strides = array<i32>} : memref<40x256xf32, #tpu.memory_space<vmem>>, vector<16xf32>,
        %mul3A_502 = arith.constant 128 : i32
        %mul3A_503 = arith.muli %add3A_426, %mul3A_502 : i32
        %add3A_504 = arith.constant 64 : i32
        %add3A_505 = arith.addi %mul3A_503, %add3A_504 : i32
        %get3A_506 = arith.index_cast %add3A_505 : i32 to index
        %get3A_507 = tpu.vector_load %arg14[%get3A_506] {strides = array<i32>} : memref<5120xf32, #tpu.memory_space<vmem>>, vector<16xf32>,
        %get3A_508 = arith.index_cast %add3A_426 : i32 to index
        %get3A_509 = arith.constant 192 : index
        %get3A_510 = tpu.vector_load %arg13[%get3A_508, %get3A_509] {strides = array<i32>} : memref<40x256xf32, #tpu.memory_space<vmem>>, vector<16xf32>,
        %get3A_511 = arith.index_cast %add3A_426 : i32 to index
        %get3A_512 = arith.constant 64 : index
        %get3A_513 = tpu.vector_load %arg11[%get3A_511, %get3A_512] {strides = array<i32>} : memref<40x128xf32, #tpu.memory_space<vmem>>, vector<16xf32>,
        %add3A_514 = arith.addf %get3A_501, %get3A_507 : vector<16xf32>
        %mul3A_515 = arith.mulf %get3A_513, %add3A_514 : vector<16xf32>
        %add3A_516 = arith.addf %get3A_510, %get3A_507 : vector<16xf32>
        %get3A_517 = arith.index_cast %add3A_426 : i32 to index
        %get3A_518 = arith.constant 80 : index
        %get3A_519 = tpu.vector_load %arg13[%get3A_517, %get3A_518] {strides = array<i32>} : memref<40x256xf32, #tpu.memory_space<vmem>>, vector<16xf32>,
        %mul3A_520 = arith.constant 128 : i32
        %mul3A_521 = arith.muli %add3A_426, %mul3A_520 : i32
        %add3A_522 = arith.constant 80 : i32
        %add3A_523 = arith.addi %mul3A_521, %add3A_522 : i32
        %get3A_524 = arith.index_cast %add3A_523 : i32 to index
        %get3A_525 = tpu.vector_load %arg14[%get3A_524] {strides = array<i32>} : memref<5120xf32, #tpu.memory_space<vmem>>, vector<16xf32>,
        %get3A_526 = arith.index_cast %add3A_426 : i32 to index
        %get3A_527 = arith.constant 208 : index
        %get3A_528 = tpu.vector_load %arg13[%get3A_526, %get3A_527] {strides = array<i32>} : memref<40x256xf32, #tpu.memory_space<vmem>>, vector<16xf32>,
        %get3A_529 = arith.index_cast %add3A_426 : i32 to index
        %get3A_530 = arith.constant 80 : index
        %get3A_531 = tpu.vector_load %arg11[%get3A_529, %get3A_530] {strides = array<i32>} : memref<40x128xf32, #tpu.memory_space<vmem>>, vector<16xf32>,
        %add3A_532 = arith.addf %get3A_519, %get3A_525 : vector<16xf32>
        %mul3A_533 = arith.mulf %get3A_531, %add3A_532 : vector<16xf32>
        %add3A_534 = arith.addf %get3A_528, %get3A_525 : vector<16xf32>
        %get3A_535 = arith.index_cast %add3A_426 : i32 to index
        %get3A_536 = arith.constant 96 : index
        %get3A_537 = tpu.vector_load %arg13[%get3A_535, %get3A_536] {strides = array<i32>} : memref<40x256xf32, #tpu.memory_space<vmem>>, vector<16xf32>,
        %mul3A_538 = arith.constant 128 : i32
        %mul3A_539 = arith.muli %add3A_426, %mul3A_538 : i32
        %add3A_540 = arith.constant 96 : i32
        %add3A_541 = arith.addi %mul3A_539, %add3A_540 : i32
        %get3A_542 = arith.index_cast %add3A_541 : i32 to index
        %get3A_543 = tpu.vector_load %arg14[%get3A_542] {strides = array<i32>} : memref<5120xf32, #tpu.memory_space<vmem>>, vector<16xf32>,
        %get3A_544 = arith.index_cast %add3A_426 : i32 to index
        %get3A_545 = arith.constant 224 : index
        %get3A_546 = tpu.vector_load %arg13[%get3A_544, %get3A_545] {strides = array<i32>} : memref<40x256xf32, #tpu.memory_space<vmem>>, vector<16xf32>,
        %get3A_547 = arith.index_cast %add3A_426 : i32 to index
        %get3A_548 = arith.constant 96 : index
        %get3A_549 = tpu.vector_load %arg11[%get3A_547, %get3A_548] {strides = array<i32>} : memref<40x128xf32, #tpu.memory_space<vmem>>, vector<16xf32>,
        %add3A_550 = arith.addf %get3A_537, %get3A_543 : vector<16xf32>
        %mul3A_551 = arith.mulf %get3A_549, %add3A_550 : vector<16xf32>
        %add3A_552 = arith.addf %get3A_546, %get3A_543 : vector<16xf32>
        %get3A_553 = arith.index_cast %add3A_426 : i32 to index
        %get3A_554 = arith.constant 112 : index
        %get3A_555 = tpu.vector_load %arg13[%get3A_553, %get3A_554] {strides = array<i32>} : memref<40x256xf32, #tpu.memory_space<vmem>>, vector<16xf32>,
        %mul3A_556 = arith.constant 128 : i32
        %mul3A_557 = arith.muli %add3A_426, %mul3A_556 : i32
        %add3A_558 = arith.constant 112 : i32
        %add3A_559 = arith.addi %mul3A_557, %add3A_558 : i32
        %get3A_560 = arith.index_cast %add3A_559 : i32 to index
        %get3A_561 = tpu.vector_load %arg14[%get3A_560] {strides = array<i32>} : memref<5120xf32, #tpu.memory_space<vmem>>, vector<16xf32>,
        %get3A_562 = arith.index_cast %add3A_426 : i32 to index
        %get3A_563 = arith.constant 240 : index
        %get3A_564 = tpu.vector_load %arg13[%get3A_562, %get3A_563] {strides = array<i32>} : memref<40x256xf32, #tpu.memory_space<vmem>>, vector<16xf32>,
        %get3A_565 = arith.index_cast %add3A_426 : i32 to index
        %get3A_566 = arith.constant 112 : index
        %get3A_567 = tpu.vector_load %arg11[%get3A_565, %get3A_566] {strides = array<i32>} : memref<40x128xf32, #tpu.memory_space<vmem>>, vector<16xf32>,
        %add3A_568 = arith.addf %get3A_555, %get3A_561 : vector<16xf32>
        %mul3A_569 = arith.mulf %get3A_567, %add3A_568 : vector<16xf32>
        %add3A_570 = arith.addf %get3A_564, %get3A_561 : vector<16xf32>
        %cumsum3A_571 = arith.constant true
        %cumsum3A_572 = vector.broadcast %cumsum3A_571 : i1 to vector<16xi1>
        %cumsum3A_573 = tpu.scan <sum>, %mul3A_443 masked %cumsum3A_572 : vector<16xf32>, vector<16xi1> -> vector<16xf32>
        %cumsum3A_574 = arith.constant true
        %cumsum3A_575 = vector.broadcast %cumsum3A_574 : i1 to vector<16xi1>
        %cumsum3A_576 = tpu.scan <sum>, %mul3A_461 masked %cumsum3A_575 : vector<16xf32>, vector<16xi1> -> vector<16xf32>
        %cumsum3A_577 = arith.constant true
        %cumsum3A_578 = vector.broadcast %cumsum3A_577 : i1 to vector<16xi1>
        %cumsum3A_579 = tpu.scan <sum>, %mul3A_479 masked %cumsum3A_578 : vector<16xf32>, vector<16xi1> -> vector<16xf32>
        %cumsum3A_580 = arith.constant true
        %cumsum3A_581 = vector.broadcast %cumsum3A_580 : i1 to vector<16xi1>
        %cumsum3A_582 = tpu.scan <sum>, %mul3A_497 masked %cumsum3A_581 : vector<16xf32>, vector<16xi1> -> vector<16xf32>
        %cumsum3A_583 = arith.constant true
        %cumsum3A_584 = vector.broadcast %cumsum3A_583 : i1 to vector<16xi1>
        %cumsum3A_585 = tpu.scan <sum>, %mul3A_515 masked %cumsum3A_584 : vector<16xf32>, vector<16xi1> -> vector<16xf32>
        %cumsum3A_586 = arith.constant true
        %cumsum3A_587 = vector.broadcast %cumsum3A_586 : i1 to vector<16xi1>
        %cumsum3A_588 = tpu.scan <sum>, %mul3A_533 masked %cumsum3A_587 : vector<16xf32>, vector<16xi1> -> vector<16xf32>
        %cumsum3A_589 = arith.constant true
        %cumsum3A_590 = vector.broadcast %cumsum3A_589 : i1 to vector<16xi1>
        %cumsum3A_591 = tpu.scan <sum>, %mul3A_551 masked %cumsum3A_590 : vector<16xf32>, vector<16xi1> -> vector<16xf32>
        %cumsum3A_592 = arith.constant true
        %cumsum3A_593 = vector.broadcast %cumsum3A_592 : i1 to vector<16xi1>
        %cumsum3A_594 = tpu.scan <sum>, %mul3A_569 masked %cumsum3A_593 : vector<16xf32>, vector<16xi1> -> vector<16xf32>
        %broadcast_in_dim3A_595 = vector.shape_cast %broadcast_in_dim3A_5 : vector<16xi32> to vector<16x1xi32>
        %gather3A_596 = vector.shape_cast %broadcast_in_dim3A_595 : vector<16x1xi32> to vector<16xi32>
        %gather3A_597 = tpu.dynamic_gather %cumsum3A_573[%gather3A_596] in [0] : vector<16xf32>, vector<16xi32> -> vector<16xf32>
        %broadcast_in_dim3A_598 = vector.shape_cast %broadcast_in_dim3A_5 : vector<16xi32> to vector<16x1xi32>
        %gather3A_599 = vector.shape_cast %broadcast_in_dim3A_598 : vector<16x1xi32> to vector<16xi32>
        %gather3A_600 = tpu.dynamic_gather %cumsum3A_576[%gather3A_599] in [0] : vector<16xf32>, vector<16xi32> -> vector<16xf32>
        %broadcast_in_dim3A_601 = vector.shape_cast %broadcast_in_dim3A_5 : vector<16xi32> to vector<16x1xi32>
        %gather3A_602 = vector.shape_cast %broadcast_in_dim3A_601 : vector<16x1xi32> to vector<16xi32>
        %gather3A_603 = tpu.dynamic_gather %cumsum3A_579[%gather3A_602] in [0] : vector<16xf32>, vector<16xi32> -> vector<16xf32>
        %broadcast_in_dim3A_604 = vector.shape_cast %broadcast_in_dim3A_5 : vector<16xi32> to vector<16x1xi32>
        %gather3A_605 = vector.shape_cast %broadcast_in_dim3A_604 : vector<16x1xi32> to vector<16xi32>
        %gather3A_606 = tpu.dynamic_gather %cumsum3A_582[%gather3A_605] in [0] : vector<16xf32>, vector<16xi32> -> vector<16xf32>
        %broadcast_in_dim3A_607 = vector.shape_cast %broadcast_in_dim3A_5 : vector<16xi32> to vector<16x1xi32>
        %gather3A_608 = vector.shape_cast %broadcast_in_dim3A_607 : vector<16x1xi32> to vector<16xi32>
        %gather3A_609 = tpu.dynamic_gather %cumsum3A_585[%gather3A_608] in [0] : vector<16xf32>, vector<16xi32> -> vector<16xf32>
        %broadcast_in_dim3A_610 = vector.shape_cast %broadcast_in_dim3A_5 : vector<16xi32> to vector<16x1xi32>
        %gather3A_611 = vector.shape_cast %broadcast_in_dim3A_610 : vector<16x1xi32> to vector<16xi32>
        %gather3A_612 = tpu.dynamic_gather %cumsum3A_588[%gather3A_611] in [0] : vector<16xf32>, vector<16xi32> -> vector<16xf32>
        %broadcast_in_dim3A_613 = vector.shape_cast %broadcast_in_dim3A_5 : vector<16xi32> to vector<16x1xi32>
        %gather3A_614 = vector.shape_cast %broadcast_in_dim3A_613 : vector<16x1xi32> to vector<16xi32>
        %gather3A_615 = tpu.dynamic_gather %cumsum3A_591[%gather3A_614] in [0] : vector<16xf32>, vector<16xi32> -> vector<16xf32>
        %broadcast_in_dim3A_616 = vector.shape_cast %broadcast_in_dim3A_5 : vector<16xi32> to vector<16x1xi32>
        %gather3A_617 = vector.shape_cast %broadcast_in_dim3A_616 : vector<16x1xi32> to vector<16xi32>
        %gather3A_618 = tpu.dynamic_gather %cumsum3A_594[%gather3A_617] in [0] : vector<16xf32>, vector<16xi32> -> vector<16xf32>
        %exp3A_619 = math.exp %gather3A_597 : vector<16xf32>
        %exp3A_620 = math.exp %gather3A_600 : vector<16xf32>
        %exp3A_621 = math.exp %gather3A_603 : vector<16xf32>
        %exp3A_622 = math.exp %gather3A_606 : vector<16xf32>
        %exp3A_623 = math.exp %gather3A_609 : vector<16xf32>
        %exp3A_624 = math.exp %gather3A_612 : vector<16xf32>
        %exp3A_625 = math.exp %gather3A_615 : vector<16xf32>
        %exp3A_626 = math.exp %gather3A_618 : vector<16xf32>
        %eq3A_627 = arith.constant 0 : i32
        %eq3A_628 = vector.broadcast %eq3A_627 : i32 to vector<16xi32>
        %eq3A_629 = arith.cmpi eq, %iota3A, %eq3A_628 : vector<16xi32>
        %jit3A_630 = arith.constant 0.000000e+00 : f32
        %broadcast_in_dim3A_631 = vector.broadcast %jit3A_630 : f32 to vector<16xf32>
        %select_n3A_632 = arith.select %eq3A_629, %exp3A_619, %broadcast_in_dim3A_631 : vector<16xi1>, vector<16xf32>
        %eq3A_633 = arith.constant 1 : i32
        %eq3A_634 = vector.broadcast %eq3A_633 : i32 to vector<16xi32>
        %eq3A_635 = arith.cmpi eq, %iota3A, %eq3A_634 : vector<16xi32>
        %jit3A_636 = arith.constant 0.000000e+00 : f32
        %broadcast_in_dim3A_637 = vector.broadcast %jit3A_636 : f32 to vector<16xf32>
        %select_n3A_638 = arith.select %eq3A_635, %exp3A_620, %broadcast_in_dim3A_637 : vector<16xi1>, vector<16xf32>
        %eq3A_639 = arith.constant 2 : i32
        %eq3A_640 = vector.broadcast %eq3A_639 : i32 to vector<16xi32>
        %eq3A_641 = arith.cmpi eq, %iota3A, %eq3A_640 : vector<16xi32>
        %jit3A_642 = arith.constant 0.000000e+00 : f32
        %broadcast_in_dim3A_643 = vector.broadcast %jit3A_642 : f32 to vector<16xf32>
        %select_n3A_644 = arith.select %eq3A_641, %exp3A_621, %broadcast_in_dim3A_643 : vector<16xi1>, vector<16xf32>
        %eq3A_645 = arith.constant 3 : i32
        %eq3A_646 = vector.broadcast %eq3A_645 : i32 to vector<16xi32>
        %eq3A_647 = arith.cmpi eq, %iota3A, %eq3A_646 : vector<16xi32>
        %jit3A_648 = arith.constant 0.000000e+00 : f32
        %broadcast_in_dim3A_649 = vector.broadcast %jit3A_648 : f32 to vector<16xf32>
        %select_n3A_650 = arith.select %eq3A_647, %exp3A_622, %broadcast_in_dim3A_649 : vector<16xi1>, vector<16xf32>
        %eq3A_651 = arith.constant 4 : i32
        %eq3A_652 = vector.broadcast %eq3A_651 : i32 to vector<16xi32>
        %eq3A_653 = arith.cmpi eq, %iota3A, %eq3A_652 : vector<16xi32>
        %jit3A_654 = arith.constant 0.000000e+00 : f32
        %broadcast_in_dim3A_655 = vector.broadcast %jit3A_654 : f32 to vector<16xf32>
        %select_n3A_656 = arith.select %eq3A_653, %exp3A_623, %broadcast_in_dim3A_655 : vector<16xi1>, vector<16xf32>
        %eq3A_657 = arith.constant 5 : i32
        %eq3A_658 = vector.broadcast %eq3A_657 : i32 to vector<16xi32>
        %eq3A_659 = arith.cmpi eq, %iota3A, %eq3A_658 : vector<16xi32>
        %jit3A_660 = arith.constant 0.000000e+00 : f32
        %broadcast_in_dim3A_661 = vector.broadcast %jit3A_660 : f32 to vector<16xf32>
        %select_n3A_662 = arith.select %eq3A_659, %exp3A_624, %broadcast_in_dim3A_661 : vector<16xi1>, vector<16xf32>
        %eq3A_663 = arith.constant 6 : i32
        %eq3A_664 = vector.broadcast %eq3A_663 : i32 to vector<16xi32>
        %eq3A_665 = arith.cmpi eq, %iota3A, %eq3A_664 : vector<16xi32>
        %jit3A_666 = arith.constant 0.000000e+00 : f32
        %broadcast_in_dim3A_667 = vector.broadcast %jit3A_666 : f32 to vector<16xf32>
        %select_n3A_668 = arith.select %eq3A_665, %exp3A_625, %broadcast_in_dim3A_667 : vector<16xi1>, vector<16xf32>
        %eq3A_669 = arith.constant 7 : i32
        %eq3A_670 = vector.broadcast %eq3A_669 : i32 to vector<16xi32>
        %eq3A_671 = arith.cmpi eq, %iota3A, %eq3A_670 : vector<16xi32>
        %jit3A_672 = arith.constant 0.000000e+00 : f32
        %broadcast_in_dim3A_673 = vector.broadcast %jit3A_672 : f32 to vector<16xf32>
        %select_n3A_674 = arith.select %eq3A_671, %exp3A_626, %broadcast_in_dim3A_673 : vector<16xi1>, vector<16xf32>
        %mul3A_675 = arith.mulf %exp3A_619, %add3A_444 : vector<16xf32>
        %swap3A_676 = arith.index_cast %add3A_426 : i32 to index
        %swap3A_677 = arith.constant 0 : index
        %swap3A_678 = tpu.vector_load %arg15[%swap3A_676, %swap3A_677] {strides = array<i32>} : memref<40x144xf32, #tpu.memory_space<vmem>>, vector<16xf32>,
        tpu.vector_store %arg15[%swap3A_676, %swap3A_677], %mul3A_675 {strides = array<i32>} : memref<40x144xf32, #tpu.memory_space<vmem>>, vector<16xf32>,
        %mul3A_679 = arith.mulf %exp3A_620, %add3A_462 : vector<16xf32>
        %swap3A_680 = arith.index_cast %add3A_426 : i32 to index
        %swap3A_681 = arith.constant 16 : index
        %swap3A_682 = tpu.vector_load %arg15[%swap3A_680, %swap3A_681] {strides = array<i32>} : memref<40x144xf32, #tpu.memory_space<vmem>>, vector<16xf32>,
        tpu.vector_store %arg15[%swap3A_680, %swap3A_681], %mul3A_679 {strides = array<i32>} : memref<40x144xf32, #tpu.memory_space<vmem>>, vector<16xf32>,
        %mul3A_683 = arith.mulf %exp3A_621, %add3A_480 : vector<16xf32>
        %swap3A_684 = arith.index_cast %add3A_426 : i32 to index
        %swap3A_685 = arith.constant 32 : index
        %swap3A_686 = tpu.vector_load %arg15[%swap3A_684, %swap3A_685] {strides = array<i32>} : memref<40x144xf32, #tpu.memory_space<vmem>>, vector<16xf32>,
        tpu.vector_store %arg15[%swap3A_684, %swap3A_685], %mul3A_683 {strides = array<i32>} : memref<40x144xf32, #tpu.memory_space<vmem>>, vector<16xf32>,
        %mul3A_687 = arith.mulf %exp3A_622, %add3A_498 : vector<16xf32>
        %swap3A_688 = arith.index_cast %add3A_426 : i32 to index
        %swap3A_689 = arith.constant 48 : index
        %swap3A_690 = tpu.vector_load %arg15[%swap3A_688, %swap3A_689] {strides = array<i32>} : memref<40x144xf32, #tpu.memory_space<vmem>>, vector<16xf32>,
        tpu.vector_store %arg15[%swap3A_688, %swap3A_689], %mul3A_687 {strides = array<i32>} : memref<40x144xf32, #tpu.memory_space<vmem>>, vector<16xf32>,
        %mul3A_691 = arith.mulf %exp3A_623, %add3A_516 : vector<16xf32>
        %swap3A_692 = arith.index_cast %add3A_426 : i32 to index
        %swap3A_693 = arith.constant 64 : index
        %swap3A_694 = tpu.vector_load %arg15[%swap3A_692, %swap3A_693] {strides = array<i32>} : memref<40x144xf32, #tpu.memory_space<vmem>>, vector<16xf32>,
        tpu.vector_store %arg15[%swap3A_692, %swap3A_693], %mul3A_691 {strides = array<i32>} : memref<40x144xf32, #tpu.memory_space<vmem>>, vector<16xf32>,
        %mul3A_695 = arith.mulf %exp3A_624, %add3A_534 : vector<16xf32>
        %swap3A_696 = arith.index_cast %add3A_426 : i32 to index
        %swap3A_697 = arith.constant 80 : index
        %swap3A_698 = tpu.vector_load %arg15[%swap3A_696, %swap3A_697] {strides = array<i32>} : memref<40x144xf32, #tpu.memory_space<vmem>>, vector<16xf32>,
        tpu.vector_store %arg15[%swap3A_696, %swap3A_697], %mul3A_695 {strides = array<i32>} : memref<40x144xf32, #tpu.memory_space<vmem>>, vector<16xf32>,
        %mul3A_699 = arith.mulf %exp3A_625, %add3A_552 : vector<16xf32>
        %swap3A_700 = arith.index_cast %add3A_426 : i32 to index
        %swap3A_701 = arith.constant 96 : index
        %swap3A_702 = tpu.vector_load %arg15[%swap3A_700, %swap3A_701] {strides = array<i32>} : memref<40x144xf32, #tpu.memory_space<vmem>>, vector<16xf32>,
        tpu.vector_store %arg15[%swap3A_700, %swap3A_701], %mul3A_699 {strides = array<i32>} : memref<40x144xf32, #tpu.memory_space<vmem>>, vector<16xf32>,
        %mul3A_703 = arith.mulf %exp3A_626, %add3A_570 : vector<16xf32>
        %swap3A_704 = arith.index_cast %add3A_426 : i32 to index
        %swap3A_705 = arith.constant 112 : index
        %swap3A_706 = tpu.vector_load %arg15[%swap3A_704, %swap3A_705] {strides = array<i32>} : memref<40x144xf32, #tpu.memory_space<vmem>>, vector<16xf32>,
        tpu.vector_store %arg15[%swap3A_704, %swap3A_705], %mul3A_703 {strides = array<i32>} : memref<40x144xf32, #tpu.memory_space<vmem>>, vector<16xf32>,
        %add3A_707 = arith.addf %select_n3A_632, %select_n3A_638 : vector<16xf32>
        %add3A_708 = arith.addf %select_n3A_644, %select_n3A_650 : vector<16xf32>
        %add3A_709 = arith.addf %select_n3A_656, %select_n3A_662 : vector<16xf32>
        %add3A_710 = arith.addf %select_n3A_668, %select_n3A_674 : vector<16xf32>
        %add3A_711 = arith.addf %add3A_707, %add3A_708 : vector<16xf32>
        %add3A_712 = arith.addf %add3A_709, %add3A_710 : vector<16xf32>
        %add3A_713 = arith.addf %add3A_711, %add3A_712 : vector<16xf32>
        %swap3A_714 = arith.index_cast %add3A_426 : i32 to index
        %swap3A_715 = arith.constant 128 : index
        %swap3A_716 = tpu.vector_load %arg15[%swap3A_714, %swap3A_715] {strides = array<i32>} : memref<40x144xf32, #tpu.memory_space<vmem>>, vector<16xf32>,
        tpu.vector_store %arg15[%swap3A_714, %swap3A_715], %add3A_713 {strides = array<i32>} : memref<40x144xf32, #tpu.memory_space<vmem>>, vector<16xf32>,
      }
      %scan3A_130 = arith.constant 20 : i32
      "tpu.region"() ({
        %run_scoped3A = tpu.sem_alloc : memref<!tpu.dma_semaphore, #tpu.memory_space<semaphore_mem>>
        %dma_start3A_136 = arith.constant 0 : i32
        %dma_start3A_137 = arith.constant 0 : i32
        %dma_start3A_138 = tpu.memref_slice %arg16[%dma_start3A_136, %dma_start3A_137] : memref<10240x144xf32, #tpu.memory_space<vmem_shared>> -> memref<10240x144xf32, #tpu.memory_space<vmem_shared>>
        tpu.enqueue_indirect_dma source(%arg15 : memref<40x144xf32, #tpu.memory_space<vmem>>) target(%dma_start3A_138 : memref<10240x144xf32, #tpu.memory_space<vmem_shared>>) offsets(%arg10 : memref<40xi32, #tpu.memory_space<vmem>>) semaphore(%run_scoped3A : memref<!tpu.dma_semaphore, #tpu.memory_space<semaphore_mem>>) {add = true}
        %dma_wait3A_139 = arith.constant 0 : i32
        %dma_wait3A_140 = arith.constant 0 : i32
        %dma_wait3A_141 = tpu.memref_slice %arg16[%dma_wait3A_139, %dma_wait3A_140] : memref<10240x144xf32, #tpu.memory_space<vmem_shared>> -> memref<10240x144xf32, #tpu.memory_space<vmem_shared>>
        tpu.wait_indirect_dma semaphore(%run_scoped3A : memref<!tpu.dma_semaphore, #tpu.memory_space<semaphore_mem>>) src(%arg15 : memref<40x144xf32, #tpu.memory_space<vmem>>) dst(%dma_wait3A_141 : memref<10240x144xf32, #tpu.memory_space<vmem_shared>>)
        tpu.yield
      }) : () -> ()
      %lt3A_131 = arith.constant 124 : i32
      %lt3A_132 = arith.cmpi slt, %add3A_63, %lt3A_131 : i32
      %convert_element_type3A_133 = arith.extui %lt3A_132 : i1 to i32
      %cond3A_134 = arith.constant 0 : i32
      %cond3A_135 = arith.cmpi ne, %convert_element_type3A_133, %cond3A_134 : i32
      scf.if %cond3A_135 {
        %add3A_136 = arith.constant 80 : i32
        %add3A_137 = arith.addi %multiple_of3A, %add3A_136 : i32
        %dma_wait3A_138 = arith.constant 0 : i32
        %dma_wait3A_139 = tpu.memref_slice %arg5[%dma_wait3A_138, %add3A_137] : memref<2x320000xi32, #tpu.memory_space<hbm>> -> memref<1x40xi32, #tpu.memory_space<hbm>>
        %dma_wait3A_140 = tpu.memref_squeeze %dma_wait3A_139 : memref<1x40xi32, #tpu.memory_space<hbm>> -> memref<40xi32, #tpu.memory_space<hbm>>
        %dma_wait3A_141 = tpu.memref_slice %arg5[%dma_wait3A_138, %add3A_137] : memref<2x320000xi32, #tpu.memory_space<hbm>> -> memref<1x40xi32, #tpu.memory_space<hbm>>
        %dma_wait3A_142 = tpu.memref_squeeze %dma_wait3A_141 : memref<1x40xi32, #tpu.memory_space<hbm>> -> memref<40xi32, #tpu.memory_space<hbm>>
        tpu.wait_dma2 semaphore(%arg17 : memref<!tpu.dma_semaphore, #tpu.memory_space<semaphore_mem>>) src(%dma_wait3A_142 : memref<40xi32, #tpu.memory_space<hbm>>) dst(%arg7 : memref<40xi32, #tpu.memory_space<vmem>>)
        %dma_wait3A_143 = arith.constant 1 : i32
        %dma_wait3A_144 = tpu.memref_slice %arg5[%dma_wait3A_143, %add3A_137] : memref<2x320000xi32, #tpu.memory_space<hbm>> -> memref<1x40xi32, #tpu.memory_space<hbm>>
        %dma_wait3A_145 = tpu.memref_squeeze %dma_wait3A_144 : memref<1x40xi32, #tpu.memory_space<hbm>> -> memref<40xi32, #tpu.memory_space<hbm>>
        %dma_wait3A_146 = tpu.memref_slice %arg5[%dma_wait3A_143, %add3A_137] : memref<2x320000xi32, #tpu.memory_space<hbm>> -> memref<1x40xi32, #tpu.memory_space<hbm>>
        %dma_wait3A_147 = tpu.memref_squeeze %dma_wait3A_146 : memref<1x40xi32, #tpu.memory_space<hbm>> -> memref<40xi32, #tpu.memory_space<hbm>>
        tpu.wait_dma2 semaphore(%arg17 : memref<!tpu.dma_semaphore, #tpu.memory_space<semaphore_mem>>) src(%dma_wait3A_147 : memref<40xi32, #tpu.memory_space<hbm>>) dst(%arg9 : memref<40xi32, #tpu.memory_space<vmem>>)
        %dma_start3A_148 = arith.constant 0 : i32
        %dma_start3A_149 = arith.constant 0 : i32
        %dma_start3A_150 = tpu.memref_slice %arg3[%dma_start3A_148, %dma_start3A_149] : memref<10000x256xf32, #tpu.memory_space<hbm>> -> memref<10000x256xf32, #tpu.memory_space<hbm>>
        tpu.enqueue_indirect_dma source(%dma_start3A_150 : memref<10000x256xf32, #tpu.memory_space<hbm>>) target(%arg12 : memref<40x256xf32, #tpu.memory_space<vmem>>) offsets(%arg7 : memref<40xi32, #tpu.memory_space<vmem>>) semaphore(%arg19 : memref<!tpu.dma_semaphore, #tpu.memory_space<semaphore_mem>>)
        %add3A_151 = arith.constant 80 : i32
        %add3A_152 = arith.addi %multiple_of3A_71, %add3A_151 : i32
        %dma_start3A_153 = arith.constant 0 : i32
        %dma_start3A_154 = tpu.memref_slice %arg5[%dma_start3A_153, %add3A_152] : memref<2x320000xi32, #tpu.memory_space<hbm>> -> memref<1x40xi32, #tpu.memory_space<hbm>>
        %dma_start3A_155 = tpu.memref_squeeze %dma_start3A_154 : memref<1x40xi32, #tpu.memory_space<hbm>> -> memref<40xi32, #tpu.memory_space<hbm>>
        %dma_start3A_156 = tpu.memref_slice %arg5[%dma_start3A_153, %add3A_152] : memref<2x320000xi32, #tpu.memory_space<hbm>> -> memref<1x40xi32, #tpu.memory_space<hbm>>
        %dma_start3A_157 = tpu.memref_squeeze %dma_start3A_156 : memref<1x40xi32, #tpu.memory_space<hbm>> -> memref<40xi32, #tpu.memory_space<hbm>>
        tpu.enqueue_dma source(%dma_start3A_157 : memref<40xi32, #tpu.memory_space<hbm>>) target(%arg8 : memref<40xi32, #tpu.memory_space<vmem>>) target_semaphore(%arg18 : memref<!tpu.dma_semaphore, #tpu.memory_space<semaphore_mem>>)
        %dma_start3A_158 = arith.constant 1 : i32
        %dma_start3A_159 = tpu.memref_slice %arg5[%dma_start3A_158, %add3A_152] : memref<2x320000xi32, #tpu.memory_space<hbm>> -> memref<1x40xi32, #tpu.memory_space<hbm>>
        %dma_start3A_160 = tpu.memref_squeeze %dma_start3A_159 : memref<1x40xi32, #tpu.memory_space<hbm>> -> memref<40xi32, #tpu.memory_space<hbm>>
        %dma_start3A_161 = tpu.memref_slice %arg5[%dma_start3A_158, %add3A_152] : memref<2x320000xi32, #tpu.memory_space<hbm>> -> memref<1x40xi32, #tpu.memory_space<hbm>>
        %dma_start3A_162 = tpu.memref_squeeze %dma_start3A_161 : memref<1x40xi32, #tpu.memory_space<hbm>> -> memref<40xi32, #tpu.memory_space<hbm>>
        tpu.enqueue_dma source(%dma_start3A_162 : memref<40xi32, #tpu.memory_space<hbm>>) target(%arg10 : memref<40xi32, #tpu.memory_space<vmem>>) target_semaphore(%arg18 : memref<!tpu.dma_semaphore, #tpu.memory_space<semaphore_mem>>)
      } else {
      }
    }
    %scan3A_52 = arith.constant 125 : i32
    %barrier3A_53 = arith.constant 0 : index
    tpu.barrier barrier_id(%barrier3A_53)
    %scan3A_54 = arith.constant 0 : i32
    %scan3A_55 = arith.constant 16 : i32
    %scan3A_56 = arith.addi %scan3A_54, %scan3A_55 : i32
    %scan3A_57 = arith.constant 1 : i32
    scf.for %scan3A_59 = %scan3A_54 to %scan3A_56 step %scan3A_57  : i32 {
      %mul3A_60 = arith.constant 1 : i32
      %mul3A_61 = arith.muli %scan3A_59, %mul3A_60 : i32
      %add3A_62 = arith.constant 0 : i32
      %add3A_63 = arith.addi %add3A_62, %mul3A_61 : i32
      %mul3A_64 = arith.constant 40 : i32
      %mul3A_65 = arith.muli %add3A_63, %mul3A_64 : i32
      %add3A_66 = arith.addi %mul3A_4, %mul3A_65 : i32
      %multiple_of3A = tpu.assume_multiple %add3A_66, 8 : i32
      "tpu.region"() ({
        %run_scoped3A = tpu.sem_alloc : memref<!tpu.dma_semaphore, #tpu.memory_space<semaphore_mem>>
        %dma_start3A_67 = arith.constant 0 : i32
        %dma_start3A_68 = tpu.memref_slice %arg16[%multiple_of3A, %dma_start3A_67] : memref<10240x144xf32, #tpu.memory_space<vmem_shared>> -> memref<40x144xf32, #tpu.memory_space<vmem_shared>>
        %dma_start3A_69 = arith.constant 0 : i32
        %dma_start3A_70 = tpu.memref_slice %arg16[%multiple_of3A, %dma_start3A_69] : memref<10240x144xf32, #tpu.memory_space<vmem_shared>> -> memref<40x144xf32, #tpu.memory_space<vmem_shared>>
        tpu.enqueue_dma source(%dma_start3A_70 : memref<40x144xf32, #tpu.memory_space<vmem_shared>>) target(%arg15 : memref<40x144xf32, #tpu.memory_space<vmem>>) target_semaphore(%run_scoped3A : memref<!tpu.dma_semaphore, #tpu.memory_space<semaphore_mem>>)
        %dma_wait3A_71 = arith.constant 0 : i32
        %dma_wait3A_72 = tpu.memref_slice %arg16[%multiple_of3A, %dma_wait3A_71] : memref<10240x144xf32, #tpu.memory_space<vmem_shared>> -> memref<40x144xf32, #tpu.memory_space<vmem_shared>>
        %dma_wait3A_73 = arith.constant 0 : i32
        %dma_wait3A_74 = tpu.memref_slice %arg16[%multiple_of3A, %dma_wait3A_73] : memref<10240x144xf32, #tpu.memory_space<vmem_shared>> -> memref<40x144xf32, #tpu.memory_space<vmem_shared>>
        tpu.wait_dma2 semaphore(%run_scoped3A : memref<!tpu.dma_semaphore, #tpu.memory_space<semaphore_mem>>) src(%dma_wait3A_74 : memref<40x144xf32, #tpu.memory_space<vmem_shared>>) dst(%arg15 : memref<40x144xf32, #tpu.memory_space<vmem>>)
        tpu.yield
      }) : () -> ()
      "tpu.region"() ({
        %run_scoped3A = tpu.sem_alloc : memref<!tpu.dma_semaphore, #tpu.memory_space<semaphore_mem>>
        %dma_start3A_67 = arith.constant 0 : i32
        %dma_start3A_68 = tpu.memref_slice %arg6[%arg0, %multiple_of3A, %dma_start3A_67] : memref<2x10240x144xf32, #tpu.memory_space<hbm>> -> memref<1x40x144xf32, #tpu.memory_space<hbm>>
        %dma_start3A_69 = tpu.memref_squeeze %dma_start3A_68 : memref<1x40x144xf32, #tpu.memory_space<hbm>> -> memref<40x144xf32, #tpu.memory_space<hbm>>
        %dma_start3A_70 = arith.constant 0 : i32
        %dma_start3A_71 = tpu.memref_slice %arg6[%arg0, %multiple_of3A, %dma_start3A_70] : memref<2x10240x144xf32, #tpu.memory_space<hbm>> -> memref<1x40x144xf32, #tpu.memory_space<hbm>>
        %dma_start3A_72 = tpu.memref_squeeze %dma_start3A_71 : memref<1x40x144xf32, #tpu.memory_space<hbm>> -> memref<40x144xf32, #tpu.memory_space<hbm>>
        tpu.enqueue_dma source(%arg15 : memref<40x144xf32, #tpu.memory_space<vmem>>) target(%dma_start3A_72 : memref<40x144xf32, #tpu.memory_space<hbm>>) target_semaphore(%run_scoped3A : memref<!tpu.dma_semaphore, #tpu.memory_space<semaphore_mem>>)
        %dma_wait3A_73 = arith.constant 0 : i32
        %dma_wait3A_74 = tpu.memref_slice %arg6[%arg0, %multiple_of3A, %dma_wait3A_73] : memref<2x10240x144xf32, #tpu.memory_space<hbm>> -> memref<1x40x144xf32, #tpu.memory_space<hbm>>
        %dma_wait3A_75 = tpu.memref_squeeze %dma_wait3A_74 : memref<1x40x144xf32, #tpu.memory_space<hbm>> -> memref<40x144xf32, #tpu.memory_space<hbm>>
        %dma_wait3A_76 = arith.constant 0 : i32
        %dma_wait3A_77 = tpu.memref_slice %arg6[%arg0, %multiple_of3A, %dma_wait3A_76] : memref<2x10240x144xf32, #tpu.memory_space<hbm>> -> memref<1x40x144xf32, #tpu.memory_space<hbm>>
        %dma_wait3A_78 = tpu.memref_squeeze %dma_wait3A_77 : memref<1x40x144xf32, #tpu.memory_space<hbm>> -> memref<40x144xf32, #tpu.memory_space<hbm>>
        tpu.wait_dma2 semaphore(%run_scoped3A : memref<!tpu.dma_semaphore, #tpu.memory_space<semaphore_mem>>) src(%arg15 : memref<40x144xf32, #tpu.memory_space<vmem>>) dst(%dma_wait3A_78 : memref<40x144xf32, #tpu.memory_space<hbm>>)
        tpu.yield
      }) : () -> ()
    }
    %scan3A_58 = arith.constant 16 : i32
    return
  }
}

module attributes {stable_mosaic.version = 14 : i64} {
  func.func @_node_body(%arg0: i32, %arg1: memref<1000x128xf32, #tpu.memory_space<vmem>>, %arg2: memref<128x128xf32, #tpu.memory_space<vmem>>, %arg3: memref<1x128xf32, #tpu.memory_space<vmem>>, %arg4: memref<128x128xf32, #tpu.memory_space<vmem>>, %arg5: memref<1x128xf32, #tpu.memory_space<vmem>>, %arg6: memref<128x128xf32, #tpu.memory_space<vmem>>, %arg7: memref<1x128xf32, #tpu.memory_space<vmem>>, %arg8: memref<128x128xf32, #tpu.memory_space<vmem>>, %arg9: memref<1x128xf32, #tpu.memory_space<vmem>>, %arg10: memref<128x128xf32, #tpu.memory_space<vmem>>, %arg11: memref<1x128xf32, #tpu.memory_space<vmem>>, %arg12: memref<1000x128xf32, #tpu.memory_space<vmem>>, %arg13: memref<1000x256xf32, #tpu.memory_space<vmem>>, %arg14: memref<1000x128xf32, #tpu.memory_space<vmem>>) attributes {dimension_semantics = [#tpu.dimension_semantics<arbitrary>], iteration_bounds = array<i64: 10>, scalar_prefetch = 0 : i64, scratch_operands = 0 : i64, tpu.core_type = #tpu.core_type<tc>, window_params = [{transform_indices = @transform_0, window_bounds = array<i64: 1000, 128>}, {pipeline_mode = #tpu.pipeline_mode<synchronous>, transform_indices = @transform_1, window_bounds = array<i64: 128, 128>}, {pipeline_mode = #tpu.pipeline_mode<synchronous>, transform_indices = @transform_2, window_bounds = array<i64: 1, 128>}, {pipeline_mode = #tpu.pipeline_mode<synchronous>, transform_indices = @transform_3, window_bounds = array<i64: 128, 128>}, {pipeline_mode = #tpu.pipeline_mode<synchronous>, transform_indices = @transform_4, window_bounds = array<i64: 1, 128>}, {pipeline_mode = #tpu.pipeline_mode<synchronous>, transform_indices = @transform_5, window_bounds = array<i64: 128, 128>}, {pipeline_mode = #tpu.pipeline_mode<synchronous>, transform_indices = @transform_6, window_bounds = array<i64: 1, 128>}, {pipeline_mode = #tpu.pipeline_mode<synchronous>, transform_indices = @transform_7, window_bounds = array<i64: 128, 128>}, {pipeline_mode = #tpu.pipeline_mode<synchronous>, transform_indices = @transform_8, window_bounds = array<i64: 1, 128>}, {pipeline_mode = #tpu.pipeline_mode<synchronous>, transform_indices = @transform_9, window_bounds = array<i64: 128, 128>}, {pipeline_mode = #tpu.pipeline_mode<synchronous>, transform_indices = @transform_10, window_bounds = array<i64: 1, 128>}, {transform_indices = @transform_11, window_bounds = array<i64: 1000, 128>}, {transform_indices = @transform_12, window_bounds = array<i64: 1000, 256>}, {transform_indices = @transform_13, window_bounds = array<i64: 1000, 128>}]} {
    %get3A = arith.constant 0 : index
    %get3A_0 = arith.constant 0 : index
    %get3A_1 = vector.load %arg1[%get3A, %get3A_0] : memref<1000x128xf32, #tpu.memory_space<vmem>>, vector<1000x128xf32>
    %get3A_2 = arith.constant 0 : index
    %get3A_3 = arith.constant 0 : index
    %get3A_4 = vector.load %arg2[%get3A_2, %get3A_3] : memref<128x128xf32, #tpu.memory_space<vmem>>, vector<128x128xf32>
    %dot_general3A = arith.constant dense<0.000000e+00> : vector<1000x128xf32>
    %dot_general3A_5 = tpu.matmul %get3A_1, %get3A_4, %dot_general3A {dimension_numbers = #tpu.dot_dimension_numbers<[1], [0], [0], [1], [0, 0, 1, 1], [], []>, transpose_lhs_hint = false} : vector<1000x128xf32>, vector<128x128xf32>, vector<1000x128xf32> -> vector<1000x128xf32>
    %get3A_6 = arith.constant 0 : index
    %get3A_7 = arith.constant 0 : index
    %get3A_8 = vector.load %arg3[%get3A_6, %get3A_7] : memref<1x128xf32, #tpu.memory_space<vmem>>, vector<1x128xf32>
    %add3A = vector.broadcast %get3A_8 : vector<1x128xf32> to vector<1000x128xf32>
    %add3A_9 = arith.addf %dot_general3A_5, %add3A : vector<1000x128xf32>
    %get3A_10 = arith.constant 0 : index
    %get3A_11 = arith.constant 0 : index
    %get3A_12 = vector.load %arg4[%get3A_10, %get3A_11] : memref<128x128xf32, #tpu.memory_space<vmem>>, vector<128x128xf32>
    %dot_general3A_13 = arith.constant dense<0.000000e+00> : vector<1000x128xf32>
    %dot_general3A_14 = tpu.matmul %add3A_9, %get3A_12, %dot_general3A_13 {dimension_numbers = #tpu.dot_dimension_numbers<[1], [0], [0], [1], [0, 0, 1, 1], [], []>, transpose_lhs_hint = false} : vector<1000x128xf32>, vector<128x128xf32>, vector<1000x128xf32> -> vector<1000x128xf32>
    %get3A_15 = arith.constant 0 : index
    %get3A_16 = arith.constant 0 : index
    %get3A_17 = vector.load %arg5[%get3A_15, %get3A_16] : memref<1x128xf32, #tpu.memory_space<vmem>>, vector<1x128xf32>
    %add3A_18 = vector.broadcast %get3A_17 : vector<1x128xf32> to vector<1000x128xf32>
    %add3A_19 = arith.addf %dot_general3A_14, %add3A_18 : vector<1000x128xf32>
    %mul3A = arith.constant 2.500000e-01 : f32
    %mul3A_20 = vector.broadcast %mul3A : f32 to vector<1000x128xf32>
    %mul3A_21 = arith.mulf %add3A_19, %mul3A_20 : vector<1000x128xf32>
    %swap3A = arith.constant 0 : index
    %swap3A_22 = arith.constant 0 : index
    %swap3A_23 = vector.load %arg12[%swap3A, %swap3A_22] : memref<1000x128xf32, #tpu.memory_space<vmem>>, vector<1000x128xf32>
    tpu.vector_store %arg12[%swap3A, %swap3A_22], %mul3A_21 {strides = array<i32>} : memref<1000x128xf32, #tpu.memory_space<vmem>>, vector<1000x128xf32>,
    %get3A_24 = arith.constant 0 : index
    %get3A_25 = arith.constant 0 : index
    %get3A_26 = vector.load %arg6[%get3A_24, %get3A_25] : memref<128x128xf32, #tpu.memory_space<vmem>>, vector<128x128xf32>
    %dot_general3A_27 = arith.constant dense<0.000000e+00> : vector<1000x128xf32>
    %dot_general3A_28 = tpu.matmul %add3A_9, %get3A_26, %dot_general3A_27 {dimension_numbers = #tpu.dot_dimension_numbers<[1], [0], [0], [1], [0, 0, 1, 1], [], []>, transpose_lhs_hint = false} : vector<1000x128xf32>, vector<128x128xf32>, vector<1000x128xf32> -> vector<1000x128xf32>
    %get3A_29 = arith.constant 0 : index
    %get3A_30 = arith.constant 0 : index
    %get3A_31 = vector.load %arg7[%get3A_29, %get3A_30] : memref<1x128xf32, #tpu.memory_space<vmem>>, vector<1x128xf32>
    %add3A_32 = vector.broadcast %get3A_31 : vector<1x128xf32> to vector<1000x128xf32>
    %add3A_33 = arith.addf %dot_general3A_28, %add3A_32 : vector<1000x128xf32>
    %swap3A_34 = arith.constant 0 : index
    %swap3A_35 = arith.constant 0 : index
    %swap3A_36 = vector.load %arg13[%swap3A_34, %swap3A_35] : memref<1000x256xf32, #tpu.memory_space<vmem>>, vector<1000x128xf32>
    tpu.vector_store %arg13[%swap3A_34, %swap3A_35], %add3A_33 {strides = array<i32>} : memref<1000x256xf32, #tpu.memory_space<vmem>>, vector<1000x128xf32>,
    %get3A_37 = arith.constant 0 : index
    %get3A_38 = arith.constant 0 : index
    %get3A_39 = vector.load %arg8[%get3A_37, %get3A_38] : memref<128x128xf32, #tpu.memory_space<vmem>>, vector<128x128xf32>
    %dot_general3A_40 = arith.constant dense<0.000000e+00> : vector<1000x128xf32>
    %dot_general3A_41 = tpu.matmul %add3A_9, %get3A_39, %dot_general3A_40 {dimension_numbers = #tpu.dot_dimension_numbers<[1], [0], [0], [1], [0, 0, 1, 1], [], []>, transpose_lhs_hint = false} : vector<1000x128xf32>, vector<128x128xf32>, vector<1000x128xf32> -> vector<1000x128xf32>
    %get3A_42 = arith.constant 0 : index
    %get3A_43 = arith.constant 0 : index
    %get3A_44 = vector.load %arg9[%get3A_42, %get3A_43] : memref<1x128xf32, #tpu.memory_space<vmem>>, vector<1x128xf32>
    %add3A_45 = vector.broadcast %get3A_44 : vector<1x128xf32> to vector<1000x128xf32>
    %add3A_46 = arith.addf %dot_general3A_41, %add3A_45 : vector<1000x128xf32>
    %swap3A_47 = arith.constant 0 : index
    %swap3A_48 = arith.constant 128 : index
    %swap3A_49 = vector.load %arg13[%swap3A_47, %swap3A_48] : memref<1000x256xf32, #tpu.memory_space<vmem>>, vector<1000x128xf32>
    tpu.vector_store %arg13[%swap3A_47, %swap3A_48], %add3A_46 {strides = array<i32>} : memref<1000x256xf32, #tpu.memory_space<vmem>>, vector<1000x128xf32>,
    %get3A_50 = arith.constant 0 : index
    %get3A_51 = arith.constant 0 : index
    %get3A_52 = vector.load %arg10[%get3A_50, %get3A_51] : memref<128x128xf32, #tpu.memory_space<vmem>>, vector<128x128xf32>
    %dot_general3A_53 = arith.constant dense<0.000000e+00> : vector<1000x128xf32>
    %dot_general3A_54 = tpu.matmul %add3A_9, %get3A_52, %dot_general3A_53 {dimension_numbers = #tpu.dot_dimension_numbers<[1], [0], [0], [1], [0, 0, 1, 1], [], []>, transpose_lhs_hint = false} : vector<1000x128xf32>, vector<128x128xf32>, vector<1000x128xf32> -> vector<1000x128xf32>
    %get3A_55 = arith.constant 0 : index
    %get3A_56 = arith.constant 0 : index
    %get3A_57 = vector.load %arg11[%get3A_55, %get3A_56] : memref<1x128xf32, #tpu.memory_space<vmem>>, vector<1x128xf32>
    %add3A_58 = vector.broadcast %get3A_57 : vector<1x128xf32> to vector<1000x128xf32>
    %add3A_59 = arith.addf %dot_general3A_54, %add3A_58 : vector<1000x128xf32>
    %swap3A_60 = arith.constant 0 : index
    %swap3A_61 = arith.constant 0 : index
    %swap3A_62 = vector.load %arg14[%swap3A_60, %swap3A_61] : memref<1000x128xf32, #tpu.memory_space<vmem>>, vector<1000x128xf32>
    tpu.vector_store %arg14[%swap3A_60, %swap3A_61], %add3A_59 {strides = array<i32>} : memref<1000x128xf32, #tpu.memory_space<vmem>>, vector<1000x128xf32>,
    return
  }
  func.func @transform_0(%arg0: i32) -> (i32, i32) {
    %c0_i32 = arith.constant 0 : i32
    %c0_i32_0 = arith.constant 0 : i32
    return %arg0, %c0_i32 : i32, i32
  }
  func.func @transform_1(%arg0: i32) -> (i32, i32) {
    %c0_i32 = arith.constant 0 : i32
    %c0_i32_0 = arith.constant 0 : i32
    %c0_i32_1 = arith.constant 0 : i32
    return %c0_i32, %c0_i32_0 : i32, i32
  }
  func.func @transform_2(%arg0: i32) -> (i32, i32) {
    %c0_i32 = arith.constant 0 : i32
    %c0_i32_0 = arith.constant 0 : i32
    %c0_i32_1 = arith.constant 0 : i32
    return %c0_i32, %c0_i32_0 : i32, i32
  }
  func.func @transform_3(%arg0: i32) -> (i32, i32) {
    %c0_i32 = arith.constant 0 : i32
    %c0_i32_0 = arith.constant 0 : i32
    %c0_i32_1 = arith.constant 0 : i32
    return %c0_i32, %c0_i32_0 : i32, i32
  }
  func.func @transform_4(%arg0: i32) -> (i32, i32) {
    %c0_i32 = arith.constant 0 : i32
    %c0_i32_0 = arith.constant 0 : i32
    %c0_i32_1 = arith.constant 0 : i32
    return %c0_i32, %c0_i32_0 : i32, i32
  }
  func.func @transform_5(%arg0: i32) -> (i32, i32) {
    %c0_i32 = arith.constant 0 : i32
    %c0_i32_0 = arith.constant 0 : i32
    %c0_i32_1 = arith.constant 0 : i32
    return %c0_i32, %c0_i32_0 : i32, i32
  }
  func.func @transform_6(%arg0: i32) -> (i32, i32) {
    %c0_i32 = arith.constant 0 : i32
    %c0_i32_0 = arith.constant 0 : i32
    %c0_i32_1 = arith.constant 0 : i32
    return %c0_i32, %c0_i32_0 : i32, i32
  }
  func.func @transform_7(%arg0: i32) -> (i32, i32) {
    %c0_i32 = arith.constant 0 : i32
    %c0_i32_0 = arith.constant 0 : i32
    %c0_i32_1 = arith.constant 0 : i32
    return %c0_i32, %c0_i32_0 : i32, i32
  }
  func.func @transform_8(%arg0: i32) -> (i32, i32) {
    %c0_i32 = arith.constant 0 : i32
    %c0_i32_0 = arith.constant 0 : i32
    %c0_i32_1 = arith.constant 0 : i32
    return %c0_i32, %c0_i32_0 : i32, i32
  }
  func.func @transform_9(%arg0: i32) -> (i32, i32) {
    %c0_i32 = arith.constant 0 : i32
    %c0_i32_0 = arith.constant 0 : i32
    %c0_i32_1 = arith.constant 0 : i32
    return %c0_i32, %c0_i32_0 : i32, i32
  }
  func.func @transform_10(%arg0: i32) -> (i32, i32) {
    %c0_i32 = arith.constant 0 : i32
    %c0_i32_0 = arith.constant 0 : i32
    %c0_i32_1 = arith.constant 0 : i32
    return %c0_i32, %c0_i32_0 : i32, i32
  }
  func.func @transform_11(%arg0: i32) -> (i32, i32) {
    %c0_i32 = arith.constant 0 : i32
    %c0_i32_0 = arith.constant 0 : i32
    return %arg0, %c0_i32 : i32, i32
  }
  func.func @transform_12(%arg0: i32) -> (i32, i32) {
    %c0_i32 = arith.constant 0 : i32
    %c0_i32_0 = arith.constant 0 : i32
    return %arg0, %c0_i32 : i32, i32
  }
  func.func @transform_13(%arg0: i32) -> (i32, i32) {
    %c0_i32 = arith.constant 0 : i32
    %c0_i32_0 = arith.constant 0 : i32
    return %arg0, %c0_i32 : i32, i32
  }
}

module attributes {stable_mosaic.version = 14 : i64} {
  func.func @_edge_emb_body(%arg0: i32, %arg1: memref<8000x16xf32, #tpu.memory_space<vmem>>, %arg2: memref<16x128xf32, #tpu.memory_space<vmem>>, %arg3: memref<1x128xf32, #tpu.memory_space<vmem>>, %arg4: memref<8000x128xf32, #tpu.memory_space<vmem>>) attributes {dimension_semantics = [#tpu.dimension_semantics<arbitrary>], iteration_bounds = array<i64: 40>, scalar_prefetch = 0 : i64, scratch_operands = 0 : i64, tpu.core_type = #tpu.core_type<tc>, window_params = [{transform_indices = @transform_0, window_bounds = array<i64: 8000, 16>}, {pipeline_mode = #tpu.pipeline_mode<synchronous>, transform_indices = @transform_1, window_bounds = array<i64: 16, 128>}, {pipeline_mode = #tpu.pipeline_mode<synchronous>, transform_indices = @transform_2, window_bounds = array<i64: 1, 128>}, {transform_indices = @transform_3, window_bounds = array<i64: 8000, 128>}]} {
    %get3A = arith.constant 0 : index
    %get3A_0 = arith.constant 0 : index
    %get3A_1 = vector.load %arg1[%get3A, %get3A_0] : memref<8000x16xf32, #tpu.memory_space<vmem>>, vector<8000x16xf32>
    %get3A_2 = arith.constant 0 : index
    %get3A_3 = arith.constant 0 : index
    %get3A_4 = vector.load %arg2[%get3A_2, %get3A_3] : memref<16x128xf32, #tpu.memory_space<vmem>>, vector<16x128xf32>
    %dot_general3A = arith.constant dense<0.000000e+00> : vector<8000x128xf32>
    %dot_general3A_5 = tpu.matmul %get3A_1, %get3A_4, %dot_general3A {dimension_numbers = #tpu.dot_dimension_numbers<[1], [0], [0], [1], [0, 0, 1, 1], [], []>, transpose_lhs_hint = false} : vector<8000x16xf32>, vector<16x128xf32>, vector<8000x128xf32> -> vector<8000x128xf32>
    %get3A_6 = arith.constant 0 : index
    %get3A_7 = arith.constant 0 : index
    %get3A_8 = vector.load %arg3[%get3A_6, %get3A_7] : memref<1x128xf32, #tpu.memory_space<vmem>>, vector<1x128xf32>
    %add3A = vector.broadcast %get3A_8 : vector<1x128xf32> to vector<8000x128xf32>
    %add3A_9 = arith.addf %dot_general3A_5, %add3A : vector<8000x128xf32>
    %swap3A = arith.constant 0 : index
    %swap3A_10 = arith.constant 0 : index
    %swap3A_11 = vector.load %arg4[%swap3A, %swap3A_10] : memref<8000x128xf32, #tpu.memory_space<vmem>>, vector<8000x128xf32>
    tpu.vector_store %arg4[%swap3A, %swap3A_10], %add3A_9 {strides = array<i32>} : memref<8000x128xf32, #tpu.memory_space<vmem>>, vector<8000x128xf32>,
    return
  }
  func.func @transform_0(%arg0: i32) -> (i32, i32) {
    %c0_i32 = arith.constant 0 : i32
    %c0_i32_0 = arith.constant 0 : i32
    return %arg0, %c0_i32 : i32, i32
  }
  func.func @transform_1(%arg0: i32) -> (i32, i32) {
    %c0_i32 = arith.constant 0 : i32
    %c0_i32_0 = arith.constant 0 : i32
    %c0_i32_1 = arith.constant 0 : i32
    return %c0_i32, %c0_i32_0 : i32, i32
  }
  func.func @transform_2(%arg0: i32) -> (i32, i32) {
    %c0_i32 = arith.constant 0 : i32
    %c0_i32_0 = arith.constant 0 : i32
    %c0_i32_1 = arith.constant 0 : i32
    return %c0_i32, %c0_i32_0 : i32, i32
  }
  func.func @transform_3(%arg0: i32) -> (i32, i32) {
    %c0_i32 = arith.constant 0 : i32
    %c0_i32_0 = arith.constant 0 : i32
    return %arg0, %c0_i32 : i32, i32
  }
}

module attributes {stable_mosaic.version = 14 : i64} {
  func.func @_combine_body(%arg0: i32, %arg1: memref<1x1000x144xf32, #tpu.memory_space<vmem>>, %arg2: memref<1x1000x144xf32, #tpu.memory_space<vmem>>, %arg3: memref<1000x128xf32, #tpu.memory_space<vmem>>, %arg4: memref<128x16xf32, #tpu.memory_space<vmem>>, %arg5: memref<1x16xf32, #tpu.memory_space<vmem>>, %arg6: memref<1000x16xf32, #tpu.memory_space<vmem>>) attributes {dimension_semantics = [#tpu.dimension_semantics<arbitrary>], iteration_bounds = array<i64: 10>, scalar_prefetch = 0 : i64, scratch_operands = 0 : i64, tpu.core_type = #tpu.core_type<tc>, window_params = [{transform_indices = @transform_0, window_bounds = array<i64: 1, 1000, 144>}, {transform_indices = @transform_1, window_bounds = array<i64: 1, 1000, 144>}, {transform_indices = @transform_2, window_bounds = array<i64: 1000, 128>}, {pipeline_mode = #tpu.pipeline_mode<synchronous>, transform_indices = @transform_3, window_bounds = array<i64: 128, 16>}, {pipeline_mode = #tpu.pipeline_mode<synchronous>, transform_indices = @transform_4, window_bounds = array<i64: 1, 16>}, {transform_indices = @transform_5, window_bounds = array<i64: 1000, 16>}]} {
    %get3A = arith.constant 0 : index
    %get3A_0 = arith.constant 0 : index
    %get3A_1 = arith.constant 0 : index
    %get3A_2 = vector.load %arg1[%get3A, %get3A_0, %get3A_1] : memref<1x1000x144xf32, #tpu.memory_space<vmem>>, vector<1x1000x128xf32>
    %get3A_3 = vector.shape_cast %get3A_2 : vector<1x1000x128xf32> to vector<1000x128xf32>
    %get3A_4 = arith.constant 0 : index
    %get3A_5 = arith.constant 0 : index
    %get3A_6 = arith.constant 0 : index
    %get3A_7 = vector.load %arg2[%get3A_4, %get3A_5, %get3A_6] : memref<1x1000x144xf32, #tpu.memory_space<vmem>>, vector<1x1000x128xf32>
    %get3A_8 = vector.shape_cast %get3A_7 : vector<1x1000x128xf32> to vector<1000x128xf32>
    %add3A = arith.addf %get3A_3, %get3A_8 : vector<1000x128xf32>
    %get3A_9 = arith.constant 0 : index
    %get3A_10 = arith.constant 0 : index
    %get3A_11 = arith.constant 128 : index
    %get3A_12 = vector.load %arg1[%get3A_9, %get3A_10, %get3A_11] : memref<1x1000x144xf32, #tpu.memory_space<vmem>>, vector<1x1000x16xf32>
    %get3A_13 = vector.shape_cast %get3A_12 : vector<1x1000x16xf32> to vector<1000x16xf32>
    %get3A_14 = arith.constant 0 : index
    %get3A_15 = arith.constant 0 : index
    %get3A_16 = arith.constant 128 : index
    %get3A_17 = vector.load %arg2[%get3A_14, %get3A_15, %get3A_16] : memref<1x1000x144xf32, #tpu.memory_space<vmem>>, vector<1x1000x16xf32>
    %get3A_18 = vector.shape_cast %get3A_17 : vector<1x1000x16xf32> to vector<1000x16xf32>
    %add3A_19 = arith.addf %get3A_13, %get3A_18 : vector<1000x16xf32>
    %iota3A = tpu.iota {dimensions = array<i32: 0>} : vector<16x128xi32>
    %iota3A_20 = tpu.iota {dimensions = array<i32: 1>} : vector<16x128xi32>
    %jit3A = arith.constant 16 : i32
    %div3A = vector.broadcast %jit3A : i32 to vector<16x128xi32>
    %div3A_21 = arith.divsi %iota3A_20, %div3A : vector<16x128xi32>
    %sign3A = arith.constant 0 : i32
    %sign3A_22 = vector.broadcast %sign3A : i32 to vector<16x128xi32>
    %sign3A_23 = arith.cmpi sgt, %iota3A_20, %sign3A_22 : vector<16x128xi32>
    %sign3A_24 = arith.extui %sign3A_23 : vector<16x128xi1> to vector<16x128xi32>
    %sign3A_25 = arith.constant 0 : i32
    %sign3A_26 = vector.broadcast %sign3A_25 : i32 to vector<16x128xi32>
    %sign3A_27 = arith.cmpi slt, %iota3A_20, %sign3A_26 : vector<16x128xi32>
    %sign3A_28 = arith.extui %sign3A_27 : vector<16x128xi1> to vector<16x128xi32>
    %sign3A_29 = arith.subi %sign3A_24, %sign3A_28 : vector<16x128xi32>
    %sign3A_30 = arith.constant 0 : i32
    %sign3A_31 = arith.cmpi sgt, %jit3A, %sign3A_30 : i32
    %sign3A_32 = arith.extui %sign3A_31 : i1 to i32
    %sign3A_33 = arith.constant 0 : i32
    %sign3A_34 = arith.cmpi slt, %jit3A, %sign3A_33 : i32
    %sign3A_35 = arith.extui %sign3A_34 : i1 to i32
    %sign3A_36 = arith.subi %sign3A_32, %sign3A_35 : i32
    %ne3A = vector.broadcast %sign3A_36 : i32 to vector<16x128xi32>
    %ne3A_37 = arith.cmpi ne, %sign3A_29, %ne3A : vector<16x128xi32>
    %rem3A = vector.broadcast %jit3A : i32 to vector<16x128xi32>
    %rem3A_38 = arith.remsi %iota3A_20, %rem3A : vector<16x128xi32>
    %ne3A_39 = arith.constant 0 : i32
    %ne3A_40 = vector.broadcast %ne3A_39 : i32 to vector<16x128xi32>
    %ne3A_41 = arith.cmpi ne, %rem3A_38, %ne3A_40 : vector<16x128xi32>
    %and3A = arith.andi %ne3A_37, %ne3A_41 : vector<16x128xi1>
    %sub3A = arith.constant 1 : i32
    %sub3A_42 = vector.broadcast %sub3A : i32 to vector<16x128xi32>
    %sub3A_43 = arith.subi %div3A_21, %sub3A_42 : vector<16x128xi32>
    %select_n3A = arith.select %and3A, %sub3A_43, %div3A_21 : vector<16x128xi1>, vector<16x128xi32>
    %eq3A = arith.cmpi eq, %select_n3A, %iota3A : vector<16x128xi32>
    %convert_element_type3A = arith.extui %eq3A : vector<16x128xi1> to vector<16x128xi32>
    %convert_element_type3A_44 = arith.sitofp %convert_element_type3A : vector<16x128xi32> to vector<16x128xf32>
    %dot_general3A = arith.constant dense<0.000000e+00> : vector<1000x128xf32>
    %dot_general3A_45 = tpu.matmul %add3A_19, %convert_element_type3A_44, %dot_general3A {dimension_numbers = #tpu.dot_dimension_numbers<[1], [0], [0], [1], [0, 0, 1, 1], [], []>, transpose_lhs_hint = false} : vector<1000x16xf32>, vector<16x128xf32>, vector<1000x128xf32> -> vector<1000x128xf32>
    %add3A_46 = arith.constant 1.000000e-16 : f32
    %add3A_47 = vector.broadcast %add3A_46 : f32 to vector<1000x128xf32>
    %add3A_48 = arith.addf %dot_general3A_45, %add3A_47 : vector<1000x128xf32>
    %div3A_49 = arith.divf %add3A, %add3A_48 : vector<1000x128xf32>
    %get3A_50 = arith.constant 0 : index
    %get3A_51 = arith.constant 0 : index
    %get3A_52 = vector.load %arg3[%get3A_50, %get3A_51] : memref<1000x128xf32, #tpu.memory_space<vmem>>, vector<1000x128xf32>
    %add3A_53 = arith.addf %div3A_49, %get3A_52 : vector<1000x128xf32>
    %get3A_54 = arith.constant 0 : index
    %get3A_55 = arith.constant 0 : index
    %get3A_56 = vector.load %arg4[%get3A_54, %get3A_55] : memref<128x16xf32, #tpu.memory_space<vmem>>, vector<128x16xf32>
    %dot_general3A_57 = arith.constant dense<0.000000e+00> : vector<1000x16xf32>
    %dot_general3A_58 = tpu.matmul %add3A_53, %get3A_56, %dot_general3A_57 {dimension_numbers = #tpu.dot_dimension_numbers<[1], [0], [0], [1], [0, 0, 1, 1], [], []>, transpose_lhs_hint = false} : vector<1000x128xf32>, vector<128x16xf32>, vector<1000x16xf32> -> vector<1000x16xf32>
    %get3A_59 = arith.constant 0 : index
    %get3A_60 = arith.constant 0 : index
    %get3A_61 = vector.load %arg5[%get3A_59, %get3A_60] : memref<1x16xf32, #tpu.memory_space<vmem>>, vector<1x16xf32>
    %add3A_62 = vector.broadcast %get3A_61 : vector<1x16xf32> to vector<1000x16xf32>
    %add3A_63 = arith.addf %dot_general3A_58, %add3A_62 : vector<1000x16xf32>
    %swap3A = arith.constant 0 : index
    %swap3A_64 = arith.constant 0 : index
    %swap3A_65 = vector.load %arg6[%swap3A, %swap3A_64] : memref<1000x16xf32, #tpu.memory_space<vmem>>, vector<1000x16xf32>
    tpu.vector_store %arg6[%swap3A, %swap3A_64], %add3A_63 {strides = array<i32>} : memref<1000x16xf32, #tpu.memory_space<vmem>>, vector<1000x16xf32>,
    return
  }
  func.func @transform_0(%arg0: i32) -> (i32, i32, i32) {
    %c0_i32 = arith.constant 0 : i32
    %c0_i32_0 = arith.constant 0 : i32
    %c0_i32_1 = arith.constant 0 : i32
    return %c0_i32, %arg0, %c0_i32_0 : i32, i32, i32
  }
  func.func @transform_1(%arg0: i32) -> (i32, i32, i32) {
    %c1_i32 = arith.constant 1 : i32
    %c0_i32 = arith.constant 0 : i32
    %c0_i32_0 = arith.constant 0 : i32
    return %c1_i32, %arg0, %c0_i32 : i32, i32, i32
  }
  func.func @transform_2(%arg0: i32) -> (i32, i32) {
    %c0_i32 = arith.constant 0 : i32
    %c0_i32_0 = arith.constant 0 : i32
    return %arg0, %c0_i32 : i32, i32
  }
  func.func @transform_3(%arg0: i32) -> (i32, i32) {
    %c0_i32 = arith.constant 0 : i32
    %c0_i32_0 = arith.constant 0 : i32
    %c0_i32_1 = arith.constant 0 : i32
    return %c0_i32, %c0_i32_0 : i32, i32
  }
  func.func @transform_4(%arg0: i32) -> (i32, i32) {
    %c0_i32 = arith.constant 0 : i32
    %c0_i32_0 = arith.constant 0 : i32
    %c0_i32_1 = arith.constant 0 : i32
    return %c0_i32, %c0_i32_0 : i32, i32
  }
  func.func @transform_5(%arg0: i32) -> (i32, i32) {
    %c0_i32 = arith.constant 0 : i32
    %c0_i32_0 = arith.constant 0 : i32
    return %arg0, %c0_i32 : i32, i32
  }
}

</mosaic_0001>

<sc_bundles>
// kernel: kernel.10.cloned.1.call-start
scs
__scs_entry_jumppad:
0x0: {  	(pc) =	sbr.rel $0x88, $3  }
0x1: {  	(tag) =	ssettag $0x0;
	lr =	simm.s32 $0x1  }
0x2: {  	[smem:$0x3F90] =	sst lr;
	_ =	strace $0xD0000000  }
0x3: {  	_ = 	snop  }
0x4: {  	_ = 	snop  }
0x5: {  	_ = 	snop  }
0x6: {  	_ = 	snop  }
0x7: {  	_ = 	snop  }
__scs_overlays_trampoline_lowered:
0x8: {  	[smem:$0x3F9F] =	sst s0  }
0x9: {  	[smem:$0x3FA0] =	sst s1  }
0xa: {  	[smem:$0x3FA1] =	sst s2  }
0xb: {  	[smem:$0x3FA2] =	sst s3  }
0xc: {  	[smem:$0x3FA3] =	sst s4  }
0xd: {  	[smem:$0x3FA4] =	sst s5  }
0xe: {  	[smem:$0x3FA5] =	sst s6  }
0xf: {  	[smem:$0x3FA6] =	sst s7  }
0x10: {  	[smem:$0x3FA7] =	sst s8  }
0x11: {  	[smem:$0x3FA8] =	sst s9;
	s0 =	simm.s32 @!p0 $0x0  }
0x12: {  	s1 =	sld [smem:$0x3F8E];
	s0 =	simm.s32 @p0 $0x1  }
0x13: {  	[smem:$0x3FA9] =	sst s0;
	s0 =	simm.s32 @!p1 $0x0  }
0x14: {  	s2 =	sld [smem:$0x3F8D];
	s0 =	simm.s32 @p1 $0x1  }
0x15: {  	[smem:$0x3FAA] =	sst s0;
	s0 =	simm.s32 @!p2 $0x0  }
0x16: {  	s3 =	sld [smem:$0x3FDB];
	s0 =	simm.s32 @p2 $0x1  }
0x17: {  	s4 =	simm.s32 $0x1BF5;
	[smem:$0x3FAC] =	sst s0  }
0x18: {  	s0 =	sld [smem:$0x3F8F];
	_ =	swait.ge [sflag:s4], $0x0  }
0x19: {  	s7 =	sld [smem:$0x3F90]  }
0x1a: {  	s8 =	sadd.s32 $0xFFFFE003, lr  }
0x1b: {  	s9 =	sadd.s32 $0xFFFFFEF7, lr;
	s5 =	simm.s32 $0xFFFFFFFF;
	p2 =	slt.u32 s8, $0xFFFFF086  }
0x1c: {  	p1 =	slt.u32 s9, $0xF7A;
	s5 =	simm.s32 @!p2 $0x0  }
0x1d: {  	s5 =	simm.s32 @p1 $0x1;
	p0 =	seq.s32 s7, s2  }
0x1e: {  	s7 =	smul.u32 @!p0 $0xF7A, s2;
	p2 =	seq.s32 @!p0 s5, $0x0  }
0x1f: {  	s9 =	smul.u32 $0xF7A, s1;
	s8 =	simm.s32 @!p0 $0x1BF5;
	p2 =	por !p2, p0  }
0x20: {  	[sflag:s8] =	ssyncset.s32 @!p0 $0xFFFFF086;
	s6 =	sadd.s32 @!p0 s3, s7;
	s7 =	simm.s32 @!p0 $0x108  }
0x21: {  	s3 =	sadd.s32 s3, s9;
	s6 =	sadd.s32 @!p0 $0x88, s6;
	s7 =	simm.s32 @p2 $0x1082  }
0x22: {  	[simem:s7], [sflag:s8] =	dma.local @!p0 [hbm:s6], $0xF7A  }
0x23: {  	s9 =	sor.u32 $0xD0000000, s2;
	s6 =	simm.s32 $0x108;
	_ =	swait.ge @!p0 [sflag:s8], $0x0  }
0x24: {  	s3 =	sadd.s32 $0x88, s3;
	s6 =	simm.s32 @!p1 $0x1082;
	[sflag:s4] =	ssyncset.s32 $0xFFFFF086  }
0x25: {  	[simem:s6], [sflag:s4] =	dma.local [hbm:s3], $0xF7A  }
0x26: {  	[smem:$0x3F90] =	sst s1;
	(tag) =	ssettag s2;
	_ =	strace s9  }
0x27: {  	s1 =	sld [smem:$0x3FA0]  }
0x28: {  	s2 =	sld [smem:$0x3FA1]  }
0x29: {  	s4 =	sld [smem:$0x3FA3]  }
0x2a: {  	p0 =	seq.s32 s5, $0x0;
	s5 =	sld [smem:$0x3FA4]  }
0x2b: {  	s6 =	sld [smem:$0x3FA5]  }
0x2c: {  	s7 =	sld [smem:$0x3FA6]  }
0x2d: {  	s3 =	simm.s32 $0x108;
	s8 =	sld [smem:$0x3FA7]  }
0x2e: {  	s3 =	simm.s32 @!p0 $0x1082;
	s9 =	sld [smem:$0x3FA8]  }
0x2f: {  	lr =	sadd.s32 s0, s3;
	s0 =	sld [smem:$0x3F9F]  }
0x30: {  	s3 =	sld [smem:$0x3FA2]  }
0x31: {  	[smem:$0x3FAB] =	sst s10  }
0x32: {  	s10 =	sld [smem:$0x3FA9];
	_ =	sdelay $0x3  }
0x33: {  	p0 =	seq.s32 s10, $0x1;
	s10 =	sld [smem:$0x3FAB];
	_ =	sdelay $0x3  }
0x34: {  	[smem:$0x3FAB] =	sst s10  }
0x35: {  	s10 =	sld [smem:$0x3FAA];
	_ =	sdelay $0x3  }
0x36: {  	p1 =	seq.s32 s10, $0x1;
	s10 =	sld [smem:$0x3FAB];
	_ =	sdelay $0x3  }
0x37: {  	[smem:$0x3FAB] =	sst s10  }
0x38: {  	s10 =	sld [smem:$0x3FAC]  }
0x39: {  	_ = 	snop;
	(pc) =	sbr.ind lr, $3  }
0x3a: {  	_ = 	snop  }
0x3b: {  	_ = 	snop  }
0x3c: {  	p2 =	seq.s32 s10, $0x1;
	s10 =	sld [smem:$0x3FAB]  }
0x3d: {  	_ =	shalt  }
0x3e: {  	_ =	shalt  }
0x3f: {  	_ =	shalt  }
0x40: {  	_ =	shalt  }
0x41: {  	_ =	shalt  }
0x42: {  	_ =	shalt  }
0x43: {  	_ =	shalt  }
0x44: {  	_ =	shalt  }
0x45: {  	_ =	shalt  }
0x46: {  	_ =	shalt  }
0x47: {  	_ =	shalt  }
0x48: {  	_ =	shalt  }
0x49: {  	_ =	shalt  }
0x4a: {  	_ =	shalt  }
0x4b: {  	_ =	shalt  }
0x4c: {  	_ =	shalt  }
0x4d: {  	_ =	shalt  }
0x4e: {  	_ =	shalt  }
0x4f: {  	_ =	shalt  }
0x50: {  	_ =	shalt  }
0x51: {  	_ =	shalt  }
0x52: {  	_ =	shalt  }
0x53: {  	_ =	shalt  }
0x54: {  	_ =	shalt  }
0x55: {  	_ =	shalt  }
0x56: {  	_ =	shalt  }
0x57: {  	_ =	shalt  }
0x58: {  	_ =	shalt  }
0x59: {  	_ =	shalt  }
0x5a: {  	_ =	shalt  }
0x5b: {  	_ =	shalt  }
0x5c: {  	_ =	shalt  }
0x5d: {  	_ =	shalt  }
0x5e: {  	_ =	shalt  }
0x5f: {  	_ =	shalt  }
0x60: {  	_ =	shalt  }
0x61: {  	_ =	shalt  }
0x62: {  	_ =	shalt  }
0x63: {  	_ =	shalt  }
0x64: {  	_ =	shalt  }
0x65: {  	_ =	shalt  }
0x66: {  	_ =	shalt  }
0x67: {  	_ =	shalt  }
0x68: {  	_ =	shalt  }
0x69: {  	_ =	shalt  }
0x6a: {  	_ =	shalt  }
0x6b: {  	_ =	shalt  }
0x6c: {  	_ =	shalt  }
0x6d: {  	_ =	shalt  }
0x6e: {  	_ =	shalt  }
0x6f: {  	_ =	shalt  }
0x70: {  	_ =	shalt  }
0x71: {  	_ =	shalt  }
0x72: {  	_ =	shalt  }
0x73: {  	_ =	shalt  }
0x74: {  	_ =	shalt  }
0x75: {  	_ =	shalt  }
0x76: {  	_ =	shalt  }
0x77: {  	_ =	shalt  }
0x78: {  	_ =	shalt  }
0x79: {  	_ =	shalt  }
0x7a: {  	_ =	shalt  }
0x7b: {  	_ =	shalt  }
0x7c: {  	_ =	shalt  }
0x7d: {  	_ =	shalt  }
0x7e: {  	_ =	shalt  }
0x7f: {  	_ =	shalt  }
0x80: {  	_ =	shalt  }
0x81: {  	_ =	shalt  }
0x82: {  	_ =	shalt  }
0x83: {  	_ =	shalt  }
0x84: {  	_ =	shalt  }
0x85: {  	_ =	shalt  }
0x86: {  	_ =	shalt  }
0x87: {  	_ =	shalt  }
.Lfunc_end0:
.L_simem_size_0:
called_computation.1_lowered:
.L_overlay_start_0:
0x88: {  	s2 =	sld [smem:$0x3FD9]  }
0x89: {  	s3 =	sld [smem:$0x3FFE];
	_ =	sdelay $0x1  }
0x8a: {  	s1 =	srdreg.scid  }
0x8b: {  	s0 =	sand.u32 $0x1, s1  }
0x8c: {  	s17 =	sshll.u32 s0, $0xA;
	s2 =	sadd.s32 s3, s2  }
0x8d: {  	s2 =	sadd.s32 s2, s17  }
0x8e: {  	[smem:$0x3FB7] =	sst s2  }
0x8f: {  	_ = 	snop  }
0x90: {  	s2 =	sld [smem:$0x3FD0];
	(tm) =	ssettm $0x1  }
0x91: {  	s18 =	sld [smem:$0x3FFB];
	_ =	sdelay $0x3  }
0x92: {  	_ =	strace s18  }
0x93: {  	s3 =	sld [smem:$0x3FFC];
	_ =	sdelay $0x3  }
0x94: {  	_ =	strace s3  }
0x95: {  	s3 =	sld [smem:$0x3FFD];
	_ =	sdelay $0x3  }
0x96: {  	_ =	strace s3  }
0x97: {  	_ =	strace $0x8FFFFFFF  }
0x98: {  	s19 =	sld [smem:$0x3FDB];
	_ =	sdelay $0x1  }
0x99: {  	s4 =	simm.s32 $_scs_section_size  }
0x9a: {  	s5 =	simm.s32 $_size__tile_overlayer_lowered;
	s6 =	simm.s32 $_tile_overlayer_lowered  }
0x9b: {  	s22 =	simm.s32 $0x1BFF;
	s21 =	sshll.u32 s6, $0x1;
	s3 =	sadd.s32 s4, s19  }
0x9c: {  	s7 =	simm.s32 $0x0;
	s20 =	sshll.u32 s5, $0x1;
	s5 =	sadd.s32 s21, s3  }
0x9d: {  	[timem:s7], [sflag:s22] =	dma.local [hbm:s5], s20  }
0x9e: {  	_ =	swait.ge [sflag:s22], s20  }
0x9f: {  	s4 =	ssub.s32 $0x0, s20;
	[sflag:s22] =	ssyncset.done $0x0  }
0xa0: {  	[sflag:s22] =	ssyncadd.s32 s4;
	_ =	sdelay $0x1  }
0xa1: {  	s23 =	simm.s32 $0x1B8B  }
0xa2: {  	_ =	swait.ge [sflag:s23], $0x1  }
0xa3: {  	[sflag:s23] =	ssyncset.done $0x0  }
0xa4: {  	s25 =	simm.s32 $0x1B8E;
	s24 =	sld [smem:$0x3FFE];
	[sflag:s23] =	ssyncadd.s32 $0xFFFFFFFF  }
0xa5: {  	s26 =	simm.s32 $execute0_lowered;
	[smem:$0x3FD2] =	sst s25  }
0xa6: {  	s5 =	sshll.u32 s26, $0x1;
	_ =	strace $0x80000049;
	[dreg:$0x1] =	wrdreg $0xFFFFFFFF  }
0xa7: {  	s28 =	simm.s32 $_size_execute0_lowered;
	s3 =	sadd.s32 s3, s5;
	[dreg:$0x0] =	wrdreg $0x0  }
0xa8: {  	s5 =	sshll.u32 s28, $0x1;
	[dreg:$0x2] =	wrdreg s3  }
0xa9: {  	[dreg:$0x3] =	wrdreg s5  }
0xaa: {  	[dreg:$0x4] =	wrdreg $0xC0  }
0xab: {  	_ =	task [dreg:s7], $0x5FFFF  }
0xac: {  	[dreg:$0x1] =	wrdreg $0xFFFFFFFF  }
0xad: {  	[dreg:$0x0] =	wrdreg $0x60  }
0xae: {  	[dreg:$0x2] =	wrdreg s24  }
0xaf: {  	[dreg:$0x3] =	wrdreg s2  }
0xb0: {  	[dreg:$0x4] =	wrdreg $0x9  }
0xb1: {  	_ =	task.clear_ibuf [dreg:s7], $0x5FFFF;
	_ =	strace $0x90000049  }
0xb2: {  	s29 =	simm.s32 $0x9;
	_ =	strace $0x8000004B  }
0xb3: {  	_ =	swait.ge [sflag:s29], $0x1  }
0xb4: {  	[sflag:s29] =	ssyncadd.s32 $0xFFFFFFFF  }
0xb5: {  	_ =	strace $0x9000004B  }
0xb6: {  	_ =	sfence  }
0xb7: {  	s30 =	sld [smem:$0x0];
	_ =	sdelay $0x2  }
0xb8: {  	s31 =	sshll.u32 s1, $0xD;
	s1 =	sshrl.u32 s1, $0x2  }
0xb9: {  	s3 =	sand.u32 $0x4000, s31;
	s1 =	sadd.s32 s1, s30  }
0xba: {  	s0 =	sor.u32 s3, s0;
	s1 =	sshll.u32 s1, $0x11  }
0xbb: {  	s0 =	sor.u32 s1, s0  }
0xbc: {  	s0 =	sadd.s32 $0x8F2B, s0  }
0xbd: {  	[sflag:s0] =	ssyncadd.remote.s32 $0x1  }
0xbe: {  	_ =	sfence.sel $0xFFFF  }
0xbf: {  	[dreg:$0x0] =	wrdreg $0xFFFFFFFF;
	(pc) =	sbr.abs _section_cstart, $3  }
0xc0: {  	[dreg:$0x1] =	wrdreg $0xFFFFFFFF  }
0xc1: {  	_ =	task.clear_ibuf [dreg:s7], $0x2FFFF;
	_ =	strace $0x9FFFFFFF  }
0xc2: {  	(tm) =	ssettm $0x7FFFFFFF  }
0xc3: {  	_ =	shalt  }
tec
execute0_lowered:
.L_overlay_start_1:
0x0: {  	(tag) =	ssettag $0x1  }
0x1: {  	s1 =	rddreg [dreg:$0x0];
	s3 =	srdreg.scid  }
0x2: {  	s0 =	stileid.u32;
	s2 =	rddreg [dreg:$0x1]  }
0x3: {  	s14 =	simm.s32 $0xA0;
	s15 =	simm.s32 $0x1;
	s16 =	simm.s32 $0x50  }
0x4: {  	s17 =	simm.s32 $0x140;
	s18 =	simm.s32 $0x640;
	s19 =	simm.s32 $0xF0  }
0x5: {  	s20 =	simm.s32 $0x2;
	s21 =	simm.s32 $0xB40;
	s22 =	simm.s32 $0x1040  }
0x6: {  	s23 =	simm.s32 $0x3;
	s24 =	simm.s32 $0x5;
	s25 =	simm.s32 $0x4  }
0x7: {  	s26 =	simm.s32 $0x0;
	s7 =	sand.u32 $0x1, s3;
	s4 =	sshll.u32 s0, $0x1  }
0x8: {  	s3 =	simm.s32 $0x0;
	s5 =	sadd.s32 $0x2600, s1;
	s6 =	sor.u32 s7, s4  }
0x9: {  	s13 =	sadd.s32 $0xA0, s2;
	[smem:$0x7FF] =	sst s3;
	s4 =	smul.u32 $0x2710, s6  }
0xa: {  	s30 =	ssub.s32 $0x2, s7;
	_ =	strace $0x8000004A;
	s8 =	smul.u32 $0x27100, s6  }
0xb: {  	s6 =	sadd.s32 $0x580C00, s1;
	s9 =	sshrl.u32 s30, $0x1;
	s31 =	sshrl.u32 s4, $0x3  }
0xc: {  	s1 =	ssub.s32 s30, s9;
	s10 =	sshrl.u32 s8, $0x3;
	s7 =	sadd.s32 s6, s31  }
0xd: {  	s12 =	smax.u32 s1, $0x1;
	s11 =	sadd.s32 s2, s10;
	s8 =	sadd.s32 $0x9C40, s7  }
0xe: {  	s9 =	sadd.s32 $0xA, s7;
	s10 =	sadd.s32 $0x9C4A, s7;
	s11 =	sadd.s32 $0x4D80, s11  }
.LBB2_1:
0xf: {  	[tilespmem:s3], [sflag:$0x1] =	stream.linear.gather [hbm4b:s7+s3], $0x50, $0x38;
	[tilespmem:$0x1540] =	vst v63  }
0x10: {  	_ = 	snop  }
0x11: {  	[tilespmem:s14], [sflag:$0x1] =	stream.linear.gather [hbm4b:s8+s3], $0x50, $0x38;
	[tilespmem:$0x1540] =	vst v63  }
0x12: {  	_ =	swait.ge [sflag:s15], $0x50  }
0x13: {  	[sflag:s15] =	ssyncset.done $0x0  }
0x14: {  	[sflag:s15] =	ssyncadd.s32 $0xFFFFFFB0  }
0x15: {  	_ =	swait.ge [sflag:s15], $0x50  }
0x16: {  	[sflag:s15] =	ssyncset.done $0x0  }
0x17: {  	[sflag:s15] =	ssyncadd.s32 $0xFFFFFFB0  }
0x18: {  	[tilespmem:s17], [sflag:$0x3] =	stream.indirect.gather [hbm4b:s5+s16], $0x10, s3, s16, $0xb8;
	[tilespmem:$0x1540] =	vst v63  }
0x19: {  	_ = 	snop  }
0x1a: {  	[tilespmem:s18], [sflag:$0x3] =	stream.indirect.gather [hbm4b:s5+s16], $0x10, s14, s16, $0xb8;
	[tilespmem:$0x1540] =	vst v63  }
0x1b: {  	_ = 	snop  }
0x1c: {  	[tilespmem:s16], [sflag:$0x2] =	stream.linear.gather [hbm4b:s9+s3], $0x50, $0x38;
	[tilespmem:$0x1540] =	vst v63  }
0x1d: {  	s28 =	simm.s32 $0x0  }
0x1e: {  	[tilespmem:s19], [sflag:$0x2] =	stream.linear.gather [hbm4b:s10+s3], $0x50, $0x38;
	[tilespmem:$0x1540] =	vst v63  }
.LBB2_2:
0x1f: {  	_ =	swait.ge [sflag:s20], $0x50  }
0x20: {  	[sflag:s20] =	ssyncset.done $0x0  }
0x21: {  	[sflag:s20] =	ssyncadd.s32 $0xFFFFFFB0  }
0x22: {  	_ =	swait.ge [sflag:s20], $0x50  }
0x23: {  	[sflag:s20] =	ssyncset.done $0x0  }
0x24: {  	[sflag:s20] =	ssyncadd.s32 $0xFFFFFFB0  }
0x25: {  	[tilespmem:s21], [sflag:$0x4] =	stream.indirect.gather [hbm4b:s5+s16], $0x10, s16, s16, $0xb8;
	[tilespmem:$0x1540] =	vst v63  }
0x26: {  	_ = 	snop  }
0x27: {  	[tilespmem:s22], [sflag:$0x4] =	stream.indirect.gather [hbm4b:s5+s16], $0x10, s19, s16, $0xb8;
	[tilespmem:$0x1540] =	vst v63  }
0x28: {  	_ =	swait.ge [sflag:s23], $0x500  }
0x29: {  	[sflag:s23] =	ssyncset.done $0x0  }
0x2a: {  	[sflag:s23] =	ssyncadd.s32 $0xFFFFFB00  }
0x2b: {  	_ =	swait.ge [sflag:s23], $0x500  }
0x2c: {  	[sflag:s23] =	ssyncset.done $0x0  }
0x2d: {  	s29 =	simm.s32 $0x0;
	[sflag:s23] =	ssyncadd.s32 $0xFFFFFB00  }
0x2e: {  	v5 =	vld [tilespmem:s29+$0x640]  }
0x2f: {  	v6 =	vld [tilespmem:s29+$0x650]  }
0x30: {  	v1 =	vld [tilespmem:s29+$0x660]  }
0x31: {  	v0 =	vld [tilespmem:s29+$0x670]  }
0x32: {  	v3 =	vld [tilespmem:s29+$0x140]  }
0x33: {  	v4 =	vld [tilespmem:s29+$0x150]  }
0x34: {  	s30 =	simm.s32 $0x100;
	v2 =	vld [tilespmem:s29+$0x160]  }
.LBB2_3:
0x35: {  	s1 =	sshra.s32 s30, $0x2;
	p0 =	sne.s32 s30, $0x1300;
	v7 =	vld [tilespmem:s29+$0x170];
	v8 =	vmov v1  }
0x36: {  	v9 =	vld [tilespmem:s1+$0x640];
	v10 =	vmov v0  }
0x37: {  	v11 =	vld [tilespmem:s1+$0x650];
	v3 =	vadd.f32 v5, v3  }
.Ltmp0:
0x38: {  	v1 =	vld [tilespmem:s1+$0x660];
	v4 =	vadd.f32 v6, v4;
	(pc) =	sbr.rel @p0 .LBB2_3-.Ltmp0, $4  }
0x39: {  	v0 =	vld [tilespmem:s1+$0x670];
	[tilespmem:s29+$0x140] =	vst v3;
	v2 =	vadd.f32 v8, v2  }
0x3a: {  	v3 =	vld [tilespmem:s1+$0x140];
	[tilespmem:s29+$0x150] =	vst v4;
	v7 =	vadd.f32 v10, v7  }
0x3b: {  	v4 =	vld [tilespmem:s1+$0x150];
	[tilespmem:s29+$0x160] =	vst v2;
	v5 =	vmov v9  }
0x3c: {  	s30 =	sadd.s32 $0x100, s30;
	v2 =	vld [tilespmem:s1+$0x160];
	[tilespmem:s29+$0x170] =	vst v7;
	v6 =	vmov v11;
	s29 =	smov.u32 s1  }
0x3d: {  	v7 =	vld [tilespmem:s29+$0x170];
	_ =	sdelay $0x1  }
0x3e: {  	v3 =	vadd.f32 v5, v3  }
0x3f: {  	s1 =	smul.u32 $0xA0, s28;
	v4 =	vadd.f32 v6, v4  }
0x40: {  	[tilespmem:s29+$0x140] =	vst v3;
	v1 =	vadd.f32 v1, v2  }
0x41: {  	s1 =	sadd.s32 s4, s1;
	[tilespmem:s29+$0x150] =	vst v4;
	v0 =	vadd.f32 v0, v7  }
0x42: {  	s30 =	sshll.u32 s1, $0x1;
	[tilespmem:s29+$0x160] =	vst v1  }
0x43: {  	s31 =	simm.s32 $0x0;
	[tilespmem:s29+$0x170] =	vst v0;
	s29 =	sadd.s32 s2, s30  }
0x44: {  	[hbm4b:s29+s31] =	stream.linear.scatter [tilespmem:s17], [sflag:$0x5], $0x500, $0x38;
	[tilespmem:$0x1540] =	vst v63  }
0x45: {  	s1 =	sshrl.u32 s1, $0x3;
	_ =	swait.ge [sflag:s24], $0x500  }
0x46: {  	s29 =	sadd.s32 s6, s1;
	[sflag:s24] =	ssyncset.done $0x0  }
0x47: {  	s1 =	sadd.s32 $0x14, s29;
	[sflag:s24] =	ssyncadd.s32 $0xFFFFFB00  }
0x48: {  	[tilespmem:s31], [sflag:$0x1] =	stream.linear.gather [hbm4b:s1+s31], $0x50, $0x38;
	[tilespmem:$0x1540] =	vst v63  }
0x49: {  	s0 =	sadd.s32 $0x9C54, s29  }
0x4a: {  	[tilespmem:s14], [sflag:$0x1] =	stream.linear.gather [hbm4b:s0+s31], $0x50, $0x38;
	[tilespmem:$0x1540] =	vst v63  }
0x4b: {  	_ =	swait.ge [sflag:s25], $0x500  }
0x4c: {  	[sflag:s25] =	ssyncset.done $0x0  }
0x4d: {  	[sflag:s25] =	ssyncadd.s32 $0xFFFFFB00  }
0x4e: {  	_ =	swait.ge [sflag:s25], $0x500  }
0x4f: {  	[sflag:s25] =	ssyncset.done $0x0  }
0x50: {  	s31 =	simm.s32 $0x0;
	[sflag:s25] =	ssyncadd.s32 $0xFFFFFB00  }
0x51: {  	v5 =	vld [tilespmem:s31+$0x1040]  }
0x52: {  	v6 =	vld [tilespmem:s31+$0x1050]  }
0x53: {  	v1 =	vld [tilespmem:s31+$0x1060]  }
0x54: {  	v0 =	vld [tilespmem:s31+$0x1070]  }
0x55: {  	v2 =	vld [tilespmem:s31+$0xB40]  }
0x56: {  	v4 =	vld [tilespmem:s31+$0xB50]  }
0x57: {  	s1 =	simm.s32 $0x100;
	v3 =	vld [tilespmem:s31+$0xB60]  }
.LBB2_5:
0x58: {  	s0 =	sshra.s32 s1, $0x2;
	p0 =	sne.s32 s1, $0x1300;
	v7 =	vld [tilespmem:s31+$0xB70];
	v8 =	vmov v1  }
0x59: {  	v9 =	vld [tilespmem:s0+$0x1040];
	v10 =	vmov v0  }
0x5a: {  	v11 =	vld [tilespmem:s0+$0x1050];
	v2 =	vadd.f32 v5, v2  }
.Ltmp1:
0x5b: {  	v1 =	vld [tilespmem:s0+$0x1060];
	v4 =	vadd.f32 v6, v4;
	(pc) =	sbr.rel @p0 .LBB2_5-.Ltmp1, $4  }
0x5c: {  	v0 =	vld [tilespmem:s0+$0x1070];
	[tilespmem:s31+$0xB40] =	vst v2;
	v3 =	vadd.f32 v8, v3  }
0x5d: {  	v2 =	vld [tilespmem:s0+$0xB40];
	[tilespmem:s31+$0xB50] =	vst v4;
	v7 =	vadd.f32 v10, v7  }
0x5e: {  	v4 =	vld [tilespmem:s0+$0xB50];
	[tilespmem:s31+$0xB60] =	vst v3;
	v5 =	vmov v9  }
0x5f: {  	s1 =	sadd.s32 $0x100, s1;
	v3 =	vld [tilespmem:s0+$0xB60];
	[tilespmem:s31+$0xB70] =	vst v7;
	v6 =	vmov v11;
	s31 =	smov.u32 s0  }
0x60: {  	v7 =	vld [tilespmem:s31+$0xB70];
	_ =	sdelay $0x1  }
0x61: {  	v2 =	vadd.f32 v5, v2  }
0x62: {  	v4 =	vadd.f32 v6, v4  }
0x63: {  	[tilespmem:s31+$0xB40] =	vst v2;
	v1 =	vadd.f32 v1, v3  }
0x64: {  	[tilespmem:s31+$0xB50] =	vst v4;
	v0 =	vadd.f32 v0, v7  }
0x65: {  	[tilespmem:s31+$0xB60] =	vst v1  }
0x66: {  	s0 =	sadd.s32 s13, s30;
	[tilespmem:s31+$0xB70] =	vst v0  }
0x67: {  	[hbm4b:s0+s3] =	stream.linear.scatter [tilespmem:s21], [sflag:$0x5], $0x500, $0x38;
	[tilespmem:$0x1540] =	vst v63  }
0x68: {  	_ =	swait.ge [sflag:s24], $0x500  }
0x69: {  	[sflag:s24] =	ssyncset.done $0x0  }
0x6a: {  	[sflag:s24] =	ssyncadd.s32 $0xFFFFFB00  }
0x6b: {  	_ =	swait.ge [sflag:s15], $0x50  }
0x6c: {  	[sflag:s15] =	ssyncset.done $0x0  }
0x6d: {  	[sflag:s15] =	ssyncadd.s32 $0xFFFFFFB0  }
0x6e: {  	p0 =	seq.s32 s28, $0x3D;
	_ =	swait.ge [sflag:s15], $0x50  }
.Ltmp2:
0x6f: {  	[sflag:s15] =	ssyncset.done $0x0;
	(pc) =	sbr.rel @p0 .LBB2_8-.Ltmp2, $4  }
0x70: {  	[sflag:s15] =	ssyncadd.s32 $0xFFFFFFB0  }
0x71: {  	[tilespmem:s17], [sflag:$0x3] =	stream.indirect.gather [hbm4b:s5+s16], $0x10, s3, s16, $0xb8;
	[tilespmem:$0x1540] =	vst v63  }
0x72: {  	_ = 	snop  }
0x73: {  	[tilespmem:s18], [sflag:$0x3] =	stream.indirect.gather [hbm4b:s5+s16], $0x10, s14, s16, $0xb8;
	[tilespmem:$0x1540] =	vst v63  }
.Ltmp3:
0x74: {  	(pc) =	sbr.rel .LBB2_2-.Ltmp3, $4  }
0x75: {  	s0 =	sadd.s32 $0x1E, s29  }
0x76: {  	[tilespmem:s16], [sflag:$0x2] =	stream.linear.gather [hbm4b:s0+s3], $0x50, $0x38;
	[tilespmem:$0x1540] =	vst v63  }
0x77: {  	s31 =	sadd.s32 $0x9C5E, s29;
	s28 =	sadd.s32 $0x1, s28  }
0x78: {  	[tilespmem:s19], [sflag:$0x2] =	stream.linear.gather [hbm4b:s31+s3], $0x50, $0x38;
	[tilespmem:$0x1540] =	vst v63  }
.LBB2_8:
0x79: {  	_ =	swait.ge [sflag:s23], $0x500  }
0x7a: {  	[sflag:s23] =	ssyncset.done $0x0  }
0x7b: {  	[sflag:s23] =	ssyncadd.s32 $0xFFFFFB00  }
0x7c: {  	_ =	swait.ge [sflag:s23], $0x500  }
0x7d: {  	[sflag:s23] =	ssyncset.done $0x0  }
0x7e: {  	s28 =	simm.s32 $0x0;
	[sflag:s23] =	ssyncadd.s32 $0xFFFFFB00  }
0x7f: {  	v5 =	vld [tilespmem:s28+$0x640]  }
0x80: {  	v6 =	vld [tilespmem:s28+$0x650]  }
0x81: {  	v1 =	vld [tilespmem:s28+$0x660]  }
0x82: {  	v0 =	vld [tilespmem:s28+$0x670]  }
0x83: {  	v2 =	vld [tilespmem:s28+$0x140]  }
0x84: {  	v4 =	vld [tilespmem:s28+$0x150]  }
0x85: {  	s1 =	simm.s32 $0x100;
	v3 =	vld [tilespmem:s28+$0x160]  }
.LBB2_9:
0x86: {  	s0 =	sshra.s32 s1, $0x2;
	p0 =	sne.s32 s1, $0x1300;
	v7 =	vld [tilespmem:s28+$0x170];
	v8 =	vmov v1  }
0x87: {  	v9 =	vld [tilespmem:s0+$0x640];
	v10 =	vmov v0  }
0x88: {  	v11 =	vld [tilespmem:s0+$0x650];
	v2 =	vadd.f32 v5, v2  }
.Ltmp4:
0x89: {  	v1 =	vld [tilespmem:s0+$0x660];
	v4 =	vadd.f32 v6, v4;
	(pc) =	sbr.rel @p0 .LBB2_9-.Ltmp4, $4  }
0x8a: {  	v0 =	vld [tilespmem:s0+$0x670];
	[tilespmem:s28+$0x140] =	vst v2;
	v3 =	vadd.f32 v8, v3  }
0x8b: {  	v2 =	vld [tilespmem:s0+$0x140];
	[tilespmem:s28+$0x150] =	vst v4;
	v7 =	vadd.f32 v10, v7  }
0x8c: {  	v4 =	vld [tilespmem:s0+$0x150];
	[tilespmem:s28+$0x160] =	vst v3;
	v5 =	vmov v9  }
0x8d: {  	s1 =	sadd.s32 $0x100, s1;
	v3 =	vld [tilespmem:s0+$0x160];
	[tilespmem:s28+$0x170] =	vst v7;
	v6 =	vmov v11;
	s28 =	smov.u32 s0  }
0x8e: {  	v7 =	vld [tilespmem:s28+$0x170];
	_ =	sdelay $0x1  }
0x8f: {  	v2 =	vadd.f32 v5, v2  }
0x90: {  	v4 =	vadd.f32 v6, v4  }
0x91: {  	[tilespmem:s28+$0x140] =	vst v2;
	v1 =	vadd.f32 v1, v3  }
0x92: {  	s26 =	sadd.s32 $0x1, s26;
	[tilespmem:s28+$0x150] =	vst v4;
	v0 =	vadd.f32 v0, v7  }
0x93: {  	p0 =	sne.s32 s26, s12;
	[tilespmem:s28+$0x160] =	vst v1  }
.Ltmp5:
0x94: {  	[tilespmem:s28+$0x170] =	vst v0;
	(pc) =	sbr.rel @p0 .LBB2_1-.Ltmp5, $4  }
0x95: {  	[hbm4b:s11+s3] =	stream.linear.scatter [tilespmem:s17], [sflag:$0x5], $0x500, $0x38;
	[tilespmem:$0x1540] =	vst v63  }
0x96: {  	_ =	swait.ge [sflag:s24], $0x500  }
0x97: {  	[sflag:s24] =	ssyncset.done $0x0  }
0x98: {  	[sflag:s24] =	ssyncadd.s32 $0xFFFFFB00  }
0x99: {  	_ =	sfence.sel $0x180000  }
0x9a: {  	[bflag:$0x0] =	sbarrier.arrive $0xFFFF  }
0x9b: {  	_ =	strace $0x9000004A  }
0x9c: {  	s0 =	stileid.u32;
	[bflag:$0x2] =	sbarrier.arrive $0xFFFF  }
0x9d: {  	p0 =	sne.s32 s0, $0x0;
	s0 =	rddreg [dreg:$0x2]  }
0x9e: {  	s0 =	sadd.s32 @!p0 $0x100000, s0  }
0x9f: {  	[sflag:s0] =	ssyncadd.tile.s32 @!p0 $0x1;
	_ =	shalt  }
.Lfunc_end2:
_tile_overlayer_lowered:
.L_overlay_start_2:
0xa0: {  	(tag) =	ssettag $0x2  }
0xa1: {  	s0 =	rddreg [dreg:$0x0];
	s2 =	stileid.u32  }
0xa2: {  	s1 =	rddreg [dreg:$0x1];
	p0 =	sne.s32 s2, $0x0  }
0xa3: {  	s3 =	rddreg [dreg:$0x2];
	[bflag:$0x3] =	sbarrier.arrive $0xFFFF;
	s2 =	simm.s32 @!p0 $0x1C05  }
0xa4: {  	[timem:s3], [sflag:s2] =	dma.local @!p0 [hbm:s0], s1  }
0xa5: {  	s0 =	simm.s32 @!p0 $0x5  }
0xa6: {  	_ =	swait.ge @!p0 [sflag:s0], s1  }
0xa7: {  	s1 =	ssub.s32 @!p0 $0x0, s1;
	[sflag:s0] =	ssyncset.done @!p0 $0x0  }
0xa8: {  	[sflag:s0] =	ssyncadd.s32 @!p0 s1  }
0xa9: {  	[bflag:$0x3] =	sbarrier.arrive $0xFFFF  }
0xaa: {  	_ =	shalt  }

// kernel: kernel.7.cloned.1.call-start
scs
__scs_entry_jumppad:
0x0: {  	(pc) =	sbr.rel $0x88, $3  }
0x1: {  	(tag) =	ssettag $0x0;
	lr =	simm.s32 $0x1  }
0x2: {  	[smem:$0x3F90] =	sst lr;
	_ =	strace $0xD0000000  }
0x3: {  	_ = 	snop  }
0x4: {  	_ = 	snop  }
0x5: {  	_ = 	snop  }
0x6: {  	_ = 	snop  }
0x7: {  	_ = 	snop  }
__scs_overlays_trampoline_lowered:
0x8: {  	[smem:$0x3F9F] =	sst s0  }
0x9: {  	[smem:$0x3FA0] =	sst s1  }
0xa: {  	[smem:$0x3FA1] =	sst s2  }
0xb: {  	[smem:$0x3FA2] =	sst s3  }
0xc: {  	[smem:$0x3FA3] =	sst s4  }
0xd: {  	[smem:$0x3FA4] =	sst s5  }
0xe: {  	[smem:$0x3FA5] =	sst s6  }
0xf: {  	[smem:$0x3FA6] =	sst s7  }
0x10: {  	[smem:$0x3FA7] =	sst s8  }
0x11: {  	[smem:$0x3FA8] =	sst s9;
	s0 =	simm.s32 @!p0 $0x0  }
0x12: {  	s1 =	sld [smem:$0x3F8E];
	s0 =	simm.s32 @p0 $0x1  }
0x13: {  	[smem:$0x3FA9] =	sst s0;
	s0 =	simm.s32 @!p1 $0x0  }
0x14: {  	s2 =	sld [smem:$0x3F8D];
	s0 =	simm.s32 @p1 $0x1  }
0x15: {  	[smem:$0x3FAA] =	sst s0;
	s0 =	simm.s32 @!p2 $0x0  }
0x16: {  	s3 =	sld [smem:$0x3FDB];
	s0 =	simm.s32 @p2 $0x1  }
0x17: {  	s4 =	simm.s32 $0x1BF5;
	[smem:$0x3FAC] =	sst s0  }
0x18: {  	s0 =	sld [smem:$0x3F8F];
	_ =	swait.ge [sflag:s4], $0x0  }
0x19: {  	s7 =	sld [smem:$0x3F90]  }
0x1a: {  	s8 =	sadd.s32 $0xFFFFE003, lr  }
0x1b: {  	s9 =	sadd.s32 $0xFFFFFEF7, lr;
	s5 =	simm.s32 $0xFFFFFFFF;
	p2 =	slt.u32 s8, $0xFFFFF086  }
0x1c: {  	p1 =	slt.u32 s9, $0xF7A;
	s5 =	simm.s32 @!p2 $0x0  }
0x1d: {  	s5 =	simm.s32 @p1 $0x1;
	p0 =	seq.s32 s7, s2  }
0x1e: {  	s7 =	smul.u32 @!p0 $0xF7A, s2;
	p2 =	seq.s32 @!p0 s5, $0x0  }
0x1f: {  	s9 =	smul.u32 $0xF7A, s1;
	s8 =	simm.s32 @!p0 $0x1BF5;
	p2 =	por !p2, p0  }
0x20: {  	[sflag:s8] =	ssyncset.s32 @!p0 $0xFFFFF086;
	s6 =	sadd.s32 @!p0 s3, s7;
	s7 =	simm.s32 @!p0 $0x108  }
0x21: {  	s3 =	sadd.s32 s3, s9;
	s6 =	sadd.s32 @!p0 $0x88, s6;
	s7 =	simm.s32 @p2 $0x1082  }
0x22: {  	[simem:s7], [sflag:s8] =	dma.local @!p0 [hbm:s6], $0xF7A  }
0x23: {  	s9 =	sor.u32 $0xD0000000, s2;
	s6 =	simm.s32 $0x108;
	_ =	swait.ge @!p0 [sflag:s8], $0x0  }
0x24: {  	s3 =	sadd.s32 $0x88, s3;
	s6 =	simm.s32 @!p1 $0x1082;
	[sflag:s4] =	ssyncset.s32 $0xFFFFF086  }
0x25: {  	[simem:s6], [sflag:s4] =	dma.local [hbm:s3], $0xF7A  }
0x26: {  	[smem:$0x3F90] =	sst s1;
	(tag) =	ssettag s2;
	_ =	strace s9  }
0x27: {  	s1 =	sld [smem:$0x3FA0]  }
0x28: {  	s2 =	sld [smem:$0x3FA1]  }
0x29: {  	s4 =	sld [smem:$0x3FA3]  }
0x2a: {  	p0 =	seq.s32 s5, $0x0;
	s5 =	sld [smem:$0x3FA4]  }
0x2b: {  	s6 =	sld [smem:$0x3FA5]  }
0x2c: {  	s7 =	sld [smem:$0x3FA6]  }
0x2d: {  	s3 =	simm.s32 $0x108;
	s8 =	sld [smem:$0x3FA7]  }
0x2e: {  	s3 =	simm.s32 @!p0 $0x1082;
	s9 =	sld [smem:$0x3FA8]  }
0x2f: {  	lr =	sadd.s32 s0, s3;
	s0 =	sld [smem:$0x3F9F]  }
0x30: {  	s3 =	sld [smem:$0x3FA2]  }
0x31: {  	[smem:$0x3FAB] =	sst s10  }
0x32: {  	s10 =	sld [smem:$0x3FA9];
	_ =	sdelay $0x3  }
0x33: {  	p0 =	seq.s32 s10, $0x1;
	s10 =	sld [smem:$0x3FAB];
	_ =	sdelay $0x3  }
0x34: {  	[smem:$0x3FAB] =	sst s10  }
0x35: {  	s10 =	sld [smem:$0x3FAA];
	_ =	sdelay $0x3  }
0x36: {  	p1 =	seq.s32 s10, $0x1;
	s10 =	sld [smem:$0x3FAB];
	_ =	sdelay $0x3  }
0x37: {  	[smem:$0x3FAB] =	sst s10  }
0x38: {  	s10 =	sld [smem:$0x3FAC]  }
0x39: {  	_ = 	snop;
	(pc) =	sbr.ind lr, $3  }
0x3a: {  	_ = 	snop  }
0x3b: {  	_ = 	snop  }
0x3c: {  	p2 =	seq.s32 s10, $0x1;
	s10 =	sld [smem:$0x3FAB]  }
0x3d: {  	_ =	shalt  }
0x3e: {  	_ =	shalt  }
0x3f: {  	_ =	shalt  }
0x40: {  	_ =	shalt  }
0x41: {  	_ =	shalt  }
0x42: {  	_ =	shalt  }
0x43: {  	_ =	shalt  }
0x44: {  	_ =	shalt  }
0x45: {  	_ =	shalt  }
0x46: {  	_ =	shalt  }
0x47: {  	_ =	shalt  }
0x48: {  	_ =	shalt  }
0x49: {  	_ =	shalt  }
0x4a: {  	_ =	shalt  }
0x4b: {  	_ =	shalt  }
0x4c: {  	_ =	shalt  }
0x4d: {  	_ =	shalt  }
0x4e: {  	_ =	shalt  }
0x4f: {  	_ =	shalt  }
0x50: {  	_ =	shalt  }
0x51: {  	_ =	shalt  }
0x52: {  	_ =	shalt  }
0x53: {  	_ =	shalt  }
0x54: {  	_ =	shalt  }
0x55: {  	_ =	shalt  }
0x56: {  	_ =	shalt  }
0x57: {  	_ =	shalt  }
0x58: {  	_ =	shalt  }
0x59: {  	_ =	shalt  }
0x5a: {  	_ =	shalt  }
0x5b: {  	_ =	shalt  }
0x5c: {  	_ =	shalt  }
0x5d: {  	_ =	shalt  }
0x5e: {  	_ =	shalt  }
0x5f: {  	_ =	shalt  }
0x60: {  	_ =	shalt  }
0x61: {  	_ =	shalt  }
0x62: {  	_ =	shalt  }
0x63: {  	_ =	shalt  }
0x64: {  	_ =	shalt  }
0x65: {  	_ =	shalt  }
0x66: {  	_ =	shalt  }
0x67: {  	_ =	shalt  }
0x68: {  	_ =	shalt  }
0x69: {  	_ =	shalt  }
0x6a: {  	_ =	shalt  }
0x6b: {  	_ =	shalt  }
0x6c: {  	_ =	shalt  }
0x6d: {  	_ =	shalt  }
0x6e: {  	_ =	shalt  }
0x6f: {  	_ =	shalt  }
0x70: {  	_ =	shalt  }
0x71: {  	_ =	shalt  }
0x72: {  	_ =	shalt  }
0x73: {  	_ =	shalt  }
0x74: {  	_ =	shalt  }
0x75: {  	_ =	shalt  }
0x76: {  	_ =	shalt  }
0x77: {  	_ =	shalt  }
0x78: {  	_ =	shalt  }
0x79: {  	_ =	shalt  }
0x7a: {  	_ =	shalt  }
0x7b: {  	_ =	shalt  }
0x7c: {  	_ =	shalt  }
0x7d: {  	_ =	shalt  }
0x7e: {  	_ =	shalt  }
0x7f: {  	_ =	shalt  }
0x80: {  	_ =	shalt  }
0x81: {  	_ =	shalt  }
0x82: {  	_ =	shalt  }
0x83: {  	_ =	shalt  }
0x84: {  	_ =	shalt  }
0x85: {  	_ =	shalt  }
0x86: {  	_ =	shalt  }
0x87: {  	_ =	shalt  }
.Lfunc_end0:
.L_simem_size_0:
called_computation_lowered:
.L_overlay_start_0:
0x88: {  	s2 =	sld [smem:$0x3FD9]  }
0x89: {  	s3 =	sld [smem:$0x3FFE];
	_ =	sdelay $0x1  }
0x8a: {  	s1 =	srdreg.scid  }
0x8b: {  	s0 =	sand.u32 $0x1, s1  }
0x8c: {  	s17 =	sshll.u32 s0, $0xA;
	s2 =	sadd.s32 s3, s2  }
0x8d: {  	s2 =	sadd.s32 s2, s17  }
0x8e: {  	[smem:$0x3FB7] =	sst s2  }
0x8f: {  	_ = 	snop  }
0x90: {  	s2 =	sld [smem:$0x3FD0];
	(tm) =	ssettm $0x1  }
0x91: {  	s18 =	sld [smem:$0x3FFB];
	_ =	sdelay $0x3  }
0x92: {  	_ =	strace s18  }
0x93: {  	s3 =	sld [smem:$0x3FFC];
	_ =	sdelay $0x3  }
0x94: {  	_ =	strace s3  }
0x95: {  	s3 =	sld [smem:$0x3FFD];
	_ =	sdelay $0x3  }
0x96: {  	_ =	strace s3  }
0x97: {  	_ =	strace $0x8FFFFFFF  }
0x98: {  	s19 =	sld [smem:$0x3FDB];
	_ =	sdelay $0x1  }
0x99: {  	s4 =	simm.s32 $_scs_section_size  }
0x9a: {  	s5 =	simm.s32 $_size__tile_overlayer_lowered;
	s6 =	simm.s32 $_tile_overlayer_lowered  }
0x9b: {  	s22 =	simm.s32 $0x1BFF;
	s21 =	sshll.u32 s6, $0x1;
	s3 =	sadd.s32 s4, s19  }
0x9c: {  	s7 =	simm.s32 $0x0;
	s20 =	sshll.u32 s5, $0x1;
	s5 =	sadd.s32 s21, s3  }
0x9d: {  	[timem:s7], [sflag:s22] =	dma.local [hbm:s5], s20  }
0x9e: {  	_ =	swait.ge [sflag:s22], s20  }
0x9f: {  	s4 =	ssub.s32 $0x0, s20;
	[sflag:s22] =	ssyncset.done $0x0  }
0xa0: {  	[sflag:s22] =	ssyncadd.s32 s4;
	_ =	sdelay $0x1  }
0xa1: {  	s23 =	simm.s32 $0x1B8B  }
0xa2: {  	_ =	swait.ge [sflag:s23], $0x1  }
0xa3: {  	[sflag:s23] =	ssyncset.done $0x0  }
0xa4: {  	s25 =	simm.s32 $0x1B8E;
	s24 =	sld [smem:$0x3FFE];
	[sflag:s23] =	ssyncadd.s32 $0xFFFFFFFF  }
0xa5: {  	s26 =	simm.s32 $execute0_lowered;
	[smem:$0x3FD2] =	sst s25  }
0xa6: {  	s5 =	sshll.u32 s26, $0x1;
	_ =	strace $0x80000046;
	[dreg:$0x1] =	wrdreg $0xFFFFFFFF  }
0xa7: {  	s28 =	simm.s32 $_size_execute0_lowered;
	s3 =	sadd.s32 s3, s5;
	[dreg:$0x0] =	wrdreg $0x0  }
0xa8: {  	s5 =	sshll.u32 s28, $0x1;
	[dreg:$0x2] =	wrdreg s3  }
0xa9: {  	[dreg:$0x3] =	wrdreg s5  }
0xaa: {  	[dreg:$0x4] =	wrdreg $0xC0  }
0xab: {  	_ =	task [dreg:s7], $0x5FFFF  }
0xac: {  	[dreg:$0x1] =	wrdreg $0xFFFFFFFF  }
0xad: {  	[dreg:$0x0] =	wrdreg $0x60  }
0xae: {  	[dreg:$0x2] =	wrdreg s24  }
0xaf: {  	[dreg:$0x3] =	wrdreg s2  }
0xb0: {  	[dreg:$0x4] =	wrdreg $0x8F200  }
0xb1: {  	[dreg:$0x5] =	wrdreg $0x9  }
0xb2: {  	_ =	task.clear_ibuf [dreg:s7], $0x6FFFF;
	_ =	strace $0x90000046  }
0xb3: {  	s29 =	simm.s32 $0x9;
	_ =	strace $0x80000048  }
0xb4: {  	_ =	swait.ge [sflag:s29], $0x1  }
0xb5: {  	[sflag:s29] =	ssyncadd.s32 $0xFFFFFFFF  }
0xb6: {  	_ =	strace $0x90000048  }
0xb7: {  	_ =	sfence  }
0xb8: {  	s30 =	sld [smem:$0x0];
	_ =	sdelay $0x2  }
0xb9: {  	s31 =	sshll.u32 s1, $0xD;
	s1 =	sshrl.u32 s1, $0x2  }
0xba: {  	s3 =	sand.u32 $0x4000, s31;
	s1 =	sadd.s32 s1, s30  }
0xbb: {  	s0 =	sor.u32 s3, s0;
	s1 =	sshll.u32 s1, $0x11  }
0xbc: {  	s0 =	sor.u32 s1, s0  }
0xbd: {  	s0 =	sadd.s32 $0x8F2B, s0  }
0xbe: {  	[sflag:s0] =	ssyncadd.remote.s32 $0x1  }
0xbf: {  	_ =	sfence.sel $0xFFFF  }
0xc0: {  	[dreg:$0x0] =	wrdreg $0xFFFFFFFF;
	(pc) =	sbr.abs _section_cstart, $3  }
0xc1: {  	[dreg:$0x1] =	wrdreg $0xFFFFFFFF  }
0xc2: {  	_ =	task.clear_ibuf [dreg:s7], $0x2FFFF;
	_ =	strace $0x9FFFFFFF  }
0xc3: {  	(tm) =	ssettm $0x7FFFFFFF  }
tec
execute0_lowered:
.L_overlay_start_1:
0x0: {  	(tag) =	ssettag $0x1  }
0x1: {  	s0 =	rddreg [dreg:$0x0]  }
0x2: {  	s1 =	rddreg [dreg:$0x1]  }
0x3: {  	s2 =	rddreg [dreg:$0x2]  }
0x4: {  	s4 =	srdreg.scid;
	s14 =	stileid.u32  }
0x5: {  	s3 =	simm.s32 $0x0;
	s9 =	sand.u32 $0x1, s4;
	s12 =	smul.u32 $0x5A000, s14  }
0x6: {  	[smem:$0x7FF] =	sst s3;
	s26 =	sshll.u32 s14, $0x1;
	s10 =	ssub.s32 $0x2, s9  }
0x7: {  	s4 =	sadd.s32 $0x2600, s0;
	s11 =	sshrl.u32 s10, $0x1;
	s12 =	sshrl.u32 s12, $0x2  }
0x8: {  	s5 =	sor.u32 s9, s26;
	s10 =	ssub.s32 s10, s11;
	s26 =	sadd.s32 s12, s2  }
0x9: {  	_ =	strace $0x80000047;
	s10 =	smax.u32 s10, $0x1;
	[dreg:$0x8] =	wrdreg s26  }
0xa: {  	s6 =	sadd.s32 $0x50A00, s0;
	s12 =	sadd.s32 $0x1680, s26;
	[dreg:$0x9] =	wrdreg s10  }
0xb: {  	s7 =	sadd.s32 $0x594600, s0;
	s15 =	sadd.s32 $0x4380, s26;
	[dreg:$0xa] =	wrdreg s12  }
0xc: {  	s8 =	sadd.s32 $0x580C00, s0;
	s16 =	sadd.s32 $0x5A00, s26;
	[dreg:$0xc] =	wrdreg s15  }
0xd: {  	s25 =	sadd.s32 $0x594880, s0;
	s17 =	sadd.s32 $0x7080, s26;
	[dreg:$0xd] =	wrdreg s16  }
0xe: {  	s5 =	smul.u32 $0x2710, s5;
	s18 =	sadd.s32 $0x8700, s26;
	[dreg:$0xe] =	wrdreg s17  }
0xf: {  	s9 =	smul.u32 $0x168000, s9;
	s19 =	sadd.s32 $0x9D80, s26;
	[dreg:$0xf] =	wrdreg s18  }
0x10: {  	s28 =	sshrl.u32 s5, $0x3;
	s20 =	sadd.s32 $0xB400, s26;
	[dreg:$0x10] =	wrdreg s19  }
0x11: {  	s29 =	sadd.s32 $0x28, s5;
	s21 =	sadd.s32 $0xCA80, s26;
	[dreg:$0x11] =	wrdreg s20  }
0x12: {  	s30 =	sadd.s32 $0x4E228, s5;
	s22 =	sadd.s32 $0xE100, s26;
	[dreg:$0x12] =	wrdreg s21  }
0x13: {  	s24 =	sadd.s32 $0xF780, s26;
	s13 =	sadd.s32 s8, s28;
	[dreg:$0x13] =	wrdreg s22  }
0x14: {  	s11 =	sshrl.u32 s29, $0x3;
	s31 =	sshrl.u32 s30, $0x3;
	[dreg:$0x14] =	wrdreg s24  }
0x15: {  	s28 =	sadd.s32 $0x10E00, s26;
	s29 =	sadd.s32 $0x12480, s26;
	s30 =	sadd.s32 $0x13B00, s26  }
0x16: {  	s10 =	simm.s32 $0x6;
	s12 =	simm.s32 $0x1;
	[dreg:$0x4] =	wrdreg s13  }
0x17: {  	s15 =	simm.s32 $0x14A0;
	s16 =	simm.s32 $0x78;
	[dreg:$0x15] =	wrdreg s28  }
0x18: {  	s17 =	simm.s32 $0xA0;
	s18 =	simm.s32 $0x64A0;
	[dreg:$0x16] =	wrdreg s29  }
0x19: {  	s19 =	simm.s32 $0x2;
	s13 =	sadd.s32 $0x9C40, s13;
	[dreg:$0x17] =	wrdreg s30  }
0x1a: {  	s20 =	simm.s32 $0x3CA0;
	s11 =	sadd.s32 s8, s11;
	[dreg:$0x5] =	wrdreg s13  }
0x1b: {  	s21 =	simm.s32 $0x3;
	[dreg:$0x6] =	wrdreg s11;
	s11 =	sadd.s32 s8, s31  }
0x1c: {  	s13 =	smul.u32 $0x16800, s14;
	s14 =	sadd.s32 $0x2D00, s26;
	[dreg:$0x7] =	wrdreg s11  }
0x1d: {  	v0 =	vimm.f32 $0.0e+00;
	s22 =	simm.s32 $0x5;
	s31 =	sadd.s32 $0x15180, s26;
	[dreg:$0xb] =	wrdreg s14  }
0x1e: {  	v1 =	vimm.s32 $0xF;
	vm0 =	vmmov $0x1;
	vm1 =	vcmask $0x308;
	s24 =	simm.s32 $0x4;
	[dreg:$0x18] =	wrdreg s31;
	s9 =	sadd.s32 s13, s9  }
0x1f: {  	vm2 =	vcmask $0x70C;
	vm3 =	vcmask $0xB10;
	vm4 =	vcmask $0xF14;
	s11 =	simm.s32 $0x50;
	s14 =	simm.s32 $0x28;
	s9 =	sshrl.u32 s9, $0x3  }
0x20: {  	vm5 =	vcmask $0x1318;
	vm6 =	vcmask $0x171C;
	vm7 =	vcmask $0x1B20;
	s23 =	sadd.s32 s9, s1;
	s1 =	simm.s32 $0x78A0;
	s9 =	simm.s32 $0x0  }
.LBB2_1:
0x21: {  	[dreg:$0x19] =	wrdreg s9;
	s0 =	simm.s32 $0x0;
	s9 =	simm.s32 $0x240  }
.LBB2_2:
0x22: {  	p0 =	sne.s32 s9, $0x57C0;
	[tilespmem:s0+$0x7920] =	vst v0  }
0x23: {  	[tilespmem:s0+$0x78A0] =	vst v0  }
0x24: {  	[tilespmem:s0+$0x78B0] =	vst v0  }
0x25: {  	[tilespmem:s0+$0x78C0] =	vst v0  }
.Ltmp0:
0x26: {  	[tilespmem:s0+$0x78D0] =	vst v0;
	(pc) =	sbr.rel @p0 .LBB2_2-.Ltmp0, $4  }
0x27: {  	[tilespmem:s0+$0x78E0] =	vst v0  }
0x28: {  	[tilespmem:s0+$0x78F0] =	vst v0  }
0x29: {  	[tilespmem:s0+$0x7900] =	vst v0  }
0x2a: {  	[tilespmem:s0+$0x7910] =	vst v0;
	s0 =	sshra.s32 s9, $0x2;
	s9 =	sadd.s32 $0x240, s9  }
0x2b: {  	[tilespmem:s0+$0x7920] =	vst v0  }
0x2c: {  	[tilespmem:s0+$0x78A0] =	vst v0  }
0x2d: {  	[tilespmem:s0+$0x78B0] =	vst v0  }
0x2e: {  	[tilespmem:s0+$0x78C0] =	vst v0  }
0x2f: {  	[tilespmem:s0+$0x78D0] =	vst v0  }
0x30: {  	[tilespmem:s0+$0x78E0] =	vst v0  }
0x31: {  	[tilespmem:s0+$0x78F0] =	vst v0  }
0x32: {  	[tilespmem:s0+$0x7900] =	vst v0  }
0x33: {  	[tilespmem:s0+$0x7910] =	vst v0  }
0x34: {  	[spmem:s26] =	stream.linear.scatter [tilespmem:s1], [sflag:$0x6], $0x1680, $0x38;
	[tilespmem:$0x1F720] =	vst v63  }
0x35: {  	_ =	swait.ge [sflag:s10], $0x1680  }
0x36: {  	[sflag:s10] =	ssyncset.done $0x0  }
0x37: {  	s30 =	rddreg [dreg:$0xa];
	[sflag:s10] =	ssyncadd.s32 $0xFFFFE980  }
0x38: {  	[spmem:s30] =	stream.linear.scatter [tilespmem:s1], [sflag:$0x6], $0x1680, $0x38;
	[tilespmem:$0x1F720] =	vst v63  }
0x39: {  	_ =	swait.ge [sflag:s10], $0x1680  }
0x3a: {  	[sflag:s10] =	ssyncset.done $0x0  }
0x3b: {  	s31 =	rddreg [dreg:$0xb];
	[sflag:s10] =	ssyncadd.s32 $0xFFFFE980  }
0x3c: {  	[spmem:s31] =	stream.linear.scatter [tilespmem:s1], [sflag:$0x6], $0x1680, $0x38;
	[tilespmem:$0x1F720] =	vst v63  }
0x3d: {  	_ =	swait.ge [sflag:s10], $0x1680  }
0x3e: {  	[sflag:s10] =	ssyncset.done $0x0  }
0x3f: {  	s9 =	rddreg [dreg:$0xc];
	[sflag:s10] =	ssyncadd.s32 $0xFFFFE980  }
0x40: {  	[spmem:s9] =	stream.linear.scatter [tilespmem:s1], [sflag:$0x6], $0x1680, $0x38;
	[tilespmem:$0x1F720] =	vst v63  }
0x41: {  	_ =	swait.ge [sflag:s10], $0x1680  }
0x42: {  	[sflag:s10] =	ssyncset.done $0x0  }
0x43: {  	s13 =	rddreg [dreg:$0xd];
	[sflag:s10] =	ssyncadd.s32 $0xFFFFE980  }
0x44: {  	[spmem:s13] =	stream.linear.scatter [tilespmem:s1], [sflag:$0x6], $0x1680, $0x38;
	[tilespmem:$0x1F720] =	vst v63  }
0x45: {  	_ =	swait.ge [sflag:s10], $0x1680  }
0x46: {  	[sflag:s10] =	ssyncset.done $0x0  }
0x47: {  	s26 =	rddreg [dreg:$0xe];
	[sflag:s10] =	ssyncadd.s32 $0xFFFFE980  }
0x48: {  	[spmem:s26] =	stream.linear.scatter [tilespmem:s1], [sflag:$0x6], $0x1680, $0x38;
	[tilespmem:$0x1F720] =	vst v63  }
0x49: {  	_ =	swait.ge [sflag:s10], $0x1680  }
0x4a: {  	[sflag:s10] =	ssyncset.done $0x0  }
0x4b: {  	s29 =	rddreg [dreg:$0xf];
	[sflag:s10] =	ssyncadd.s32 $0xFFFFE980  }
0x4c: {  	[spmem:s29] =	stream.linear.scatter [tilespmem:s1], [sflag:$0x6], $0x1680, $0x38;
	[tilespmem:$0x1F720] =	vst v63  }
0x4d: {  	_ =	swait.ge [sflag:s10], $0x1680  }
0x4e: {  	[sflag:s10] =	ssyncset.done $0x0  }
0x4f: {  	s30 =	rddreg [dreg:$0x10];
	[sflag:s10] =	ssyncadd.s32 $0xFFFFE980  }
0x50: {  	[spmem:s30] =	stream.linear.scatter [tilespmem:s1], [sflag:$0x6], $0x1680, $0x38;
	[tilespmem:$0x1F720] =	vst v63  }
0x51: {  	_ =	swait.ge [sflag:s10], $0x1680  }
0x52: {  	[sflag:s10] =	ssyncset.done $0x0  }
0x53: {  	s31 =	rddreg [dreg:$0x11];
	[sflag:s10] =	ssyncadd.s32 $0xFFFFE980  }
0x54: {  	[spmem:s31] =	stream.linear.scatter [tilespmem:s1], [sflag:$0x6], $0x1680, $0x38;
	[tilespmem:$0x1F720] =	vst v63  }
0x55: {  	_ =	swait.ge [sflag:s10], $0x1680  }
0x56: {  	[sflag:s10] =	ssyncset.done $0x0  }
0x57: {  	s9 =	rddreg [dreg:$0x12];
	[sflag:s10] =	ssyncadd.s32 $0xFFFFE980  }
0x58: {  	[spmem:s9] =	stream.linear.scatter [tilespmem:s1], [sflag:$0x6], $0x1680, $0x38;
	[tilespmem:$0x1F720] =	vst v63  }
0x59: {  	_ =	swait.ge [sflag:s10], $0x1680  }
0x5a: {  	[sflag:s10] =	ssyncset.done $0x0  }
0x5b: {  	s13 =	rddreg [dreg:$0x13];
	[sflag:s10] =	ssyncadd.s32 $0xFFFFE980  }
0x5c: {  	[spmem:s13] =	stream.linear.scatter [tilespmem:s1], [sflag:$0x6], $0x1680, $0x38;
	[tilespmem:$0x1F720] =	vst v63  }
0x5d: {  	_ =	swait.ge [sflag:s10], $0x1680  }
0x5e: {  	[sflag:s10] =	ssyncset.done $0x0  }
0x5f: {  	s26 =	rddreg [dreg:$0x14];
	[sflag:s10] =	ssyncadd.s32 $0xFFFFE980  }
0x60: {  	[spmem:s26] =	stream.linear.scatter [tilespmem:s1], [sflag:$0x6], $0x1680, $0x38;
	[tilespmem:$0x1F720] =	vst v63  }
0x61: {  	_ =	swait.ge [sflag:s10], $0x1680  }
0x62: {  	[sflag:s10] =	ssyncset.done $0x0  }
0x63: {  	s29 =	rddreg [dreg:$0x15];
	[sflag:s10] =	ssyncadd.s32 $0xFFFFE980  }
0x64: {  	[spmem:s29] =	stream.linear.scatter [tilespmem:s1], [sflag:$0x6], $0x1680, $0x38;
	[tilespmem:$0x1F720] =	vst v63  }
0x65: {  	_ =	swait.ge [sflag:s10], $0x1680  }
0x66: {  	[sflag:s10] =	ssyncset.done $0x0  }
0x67: {  	s30 =	rddreg [dreg:$0x16];
	[sflag:s10] =	ssyncadd.s32 $0xFFFFE980  }
0x68: {  	[spmem:s30] =	stream.linear.scatter [tilespmem:s1], [sflag:$0x6], $0x1680, $0x38;
	[tilespmem:$0x1F720] =	vst v63  }
0x69: {  	_ =	swait.ge [sflag:s10], $0x1680  }
0x6a: {  	[sflag:s10] =	ssyncset.done $0x0  }
0x6b: {  	s31 =	rddreg [dreg:$0x17];
	[sflag:s10] =	ssyncadd.s32 $0xFFFFE980  }
0x6c: {  	[spmem:s31] =	stream.linear.scatter [tilespmem:s1], [sflag:$0x6], $0x1680, $0x38;
	[tilespmem:$0x1F720] =	vst v63  }
0x6d: {  	_ =	swait.ge [sflag:s10], $0x1680  }
0x6e: {  	[sflag:s10] =	ssyncset.done $0x0  }
0x6f: {  	s9 =	rddreg [dreg:$0x18];
	[sflag:s10] =	ssyncadd.s32 $0xFFFFE980  }
0x70: {  	[spmem:s9] =	stream.linear.scatter [tilespmem:s1], [sflag:$0x6], $0x1680, $0x38;
	[tilespmem:$0x1F720] =	vst v63  }
0x71: {  	_ =	swait.ge [sflag:s10], $0x1680  }
0x72: {  	[sflag:s10] =	ssyncset.done $0x0  }
0x73: {  	[sflag:s10] =	ssyncadd.s32 $0xFFFFE980  }
0x74: {  	[bflag:$0x0] =	sbarrier.arrive $0xFFFF  }
0x75: {  	s26 =	simm.s32 $0x0;
	s13 =	rddreg [dreg:$0x4]  }
0x76: {  	[tilespmem:s26], [sflag:$0x1] =	stream.linear.gather [hbm4b:s13+s26], $0x28, $0x38;
	[tilespmem:$0x1F720] =	vst v63  }
0x77: {  	s29 =	rddreg [dreg:$0x5]  }
0x78: {  	[tilespmem:s11], [sflag:$0x1] =	stream.linear.gather [hbm4b:s29+s26], $0x28, $0x38;
	[tilespmem:$0x1F720] =	vst v63  }
0x79: {  	_ =	swait.ge [sflag:s12], $0x28  }
0x7a: {  	[sflag:s12] =	ssyncset.done $0x0  }
0x7b: {  	[sflag:s12] =	ssyncadd.s32 $0xFFFFFFD8  }
0x7c: {  	_ =	swait.ge [sflag:s12], $0x28  }
0x7d: {  	[sflag:s12] =	ssyncset.done $0x0  }
0x7e: {  	[sflag:s12] =	ssyncadd.s32 $0xFFFFFFD8  }
0x7f: {  	[tilespmem:s15], [sflag:$0x3] =	stream.indirect.gather [hbm4b:s6+s14], $0x100, s26, s14, $0xb8;
	[tilespmem:$0x1F720] =	vst v63  }
0x80: {  	s30 =	rddreg [dreg:$0x6]  }
0x81: {  	[tilespmem:s14], [sflag:$0x2] =	stream.linear.gather [hbm4b:s30+s26], $0x28, $0x38;
	[tilespmem:$0x1F720] =	vst v63  }
0x82: {  	s28 =	simm.s32 $0x0;
	s31 =	rddreg [dreg:$0x7]  }
0x83: {  	[tilespmem:s16], [sflag:$0x2] =	stream.linear.gather [hbm4b:s31+s26], $0x28, $0x38;
	[tilespmem:$0x1F720] =	vst v63  }
.LBB2_4:
0x84: {  	s0 =	smul.u32 $0x50, s28  }
0x85: {  	[tilespmem:s17], [sflag:$0x5] =	stream.indirect.gather [hbm4b:s4+s14], $0x80, s11, s14, $0xb8;
	[tilespmem:$0x1F720] =	vst v63  }
0x86: {  	s29 =	sadd.s32 s5, s0  }
0x87: {  	s30 =	sshll.u32 s29, $0x4  }
0x88: {  	s13 =	sadd.s32 s7, s30  }
0x89: {  	[tilespmem:s18], [sflag:$0x5] =	stream.linear.gather [hbm4b:s13+s26], $0x1400, $0x38;
	[tilespmem:$0x1F720] =	vst v63  }
0x8a: {  	_ =	swait.ge [sflag:s19], $0x28  }
0x8b: {  	[sflag:s19] =	ssyncset.done $0x0  }
0x8c: {  	[sflag:s19] =	ssyncadd.s32 $0xFFFFFFD8  }
0x8d: {  	_ =	swait.ge [sflag:s19], $0x28  }
0x8e: {  	[sflag:s19] =	ssyncset.done $0x0  }
0x8f: {  	[sflag:s19] =	ssyncadd.s32 $0xFFFFFFD8  }
0x90: {  	[tilespmem:s20], [sflag:$0x4] =	stream.indirect.gather [hbm4b:s6+s14], $0x100, s14, s14, $0xb8;
	[tilespmem:$0x1F720] =	vst v63  }
0x91: {  	_ =	swait.ge [sflag:s21], $0x2800  }
0x92: {  	[sflag:s21] =	ssyncset.done $0x0  }
0x93: {  	[sflag:s21] =	ssyncadd.s32 $0xFFFFD800  }
0x94: {  	_ =	swait.ge [sflag:s22], $0x1400  }
0x95: {  	[sflag:s22] =	ssyncset.done $0x0  }
0x96: {  	[sflag:s22] =	ssyncadd.s32 $0xFFFFEC00  }
0x97: {  	_ =	swait.ge [sflag:s22], $0x1400  }
0x98: {  	s31 =	simm.s32 $0x15A0;
	[sflag:s22] =	ssyncset.done $0x0  }
0x99: {  	s0 =	simm.s32 $0x7930;
	s13 =	simm.s32 $0x0;
	[sflag:s22] =	ssyncadd.s32 $0xFFFFEC00  }
.LBB2_5:
0x9a: {  	v2 =	vld [tilespmem:s31+$0xFFFFFF00]  }
0x9b: {  	v5 =	vld [tilespmem:s31+$0xFFFFFF10]  }
0x9c: {  	v8 =	vld [tilespmem:s31+$0xFFFFFF20]  }
0x9d: {  	v11 =	vld [tilespmem:s31+$0xFFFFFF30]  }
0x9e: {  	v14 =	vld [tilespmem:s31+$0xFFFFFF40]  }
0x9f: {  	v17 =	vld [tilespmem:s31+$0xFFFFFF50]  }
0xa0: {  	v20 =	vld [tilespmem:s31+$0xFFFFFF60]  }
0xa1: {  	s9 =	sshra.s32 s13, $0x2;
	v22 =	vld [tilespmem:s31+$0xFFFFFF70]  }
0xa2: {  	v3 =	vld [tilespmem:s9+$0x64A0]  }
0xa3: {  	v4 =	vld [tilespmem:s9+$0xA0]  }
0xa4: {  	v6 =	vld [tilespmem:s9+$0x64B0]  }
0xa5: {  	v7 =	vld [tilespmem:s9+$0xB0]  }
0xa6: {  	v9 =	vld [tilespmem:s9+$0x64C0]  }
0xa7: {  	v10 =	vld [tilespmem:s9+$0xC0]  }
0xa8: {  	v12 =	vld [tilespmem:s9+$0x64D0]  }
0xa9: {  	v13 =	vld [tilespmem:s9+$0xD0]  }
0xaa: {  	v15 =	vld [tilespmem:s9+$0x64E0]  }
0xab: {  	v16 =	vld [tilespmem:s9+$0xE0]  }
0xac: {  	v18 =	vld [tilespmem:s9+$0x64F0];
	v2 =	vadd.f32 v3, v2  }
0xad: {  	v19 =	vld [tilespmem:s9+$0xF0];
	v5 =	vadd.f32 v6, v5  }
0xae: {  	v21 =	vld [tilespmem:s9+$0x6500];
	v23 =	vadd.f32 v9, v8;
	v2 =	vmul.f32 v4, v2  }
0xaf: {  	v8 =	vld [tilespmem:s9+$0x6510];
	v24 =	vadd.f32 v12, v11;
	v5 =	vmul.f32 v7, v5  }
0xb0: {  	v25 =	vld [tilespmem:s9+$0x100];
	v26 =	vadd.f32 v15, v14;
	v4 =	vmul.f32 v10, v23;
	(xrf2) =	vadd.scan.msk.f32 $0xffff, v2  }
0xb1: {  	v27 =	vld [tilespmem:s9+$0x110];
	v28 =	vadd.f32 v18, v17;
	v2 =	vmul.f32 v13, v24;
	(xrf2) =	vadd.scan.msk.f32 $0xffff, v5  }
0xb2: {  	v29 =	vmul.f32 v16, v26;
	(xrf2) =	vadd.scan.msk.f32 $0xffff, v4  }
0xb3: {  	v30 =	vadd.f32 v21, v20;
	v31 =	vmul.f32 v19, v28;
	(xrf2) =	vadd.scan.msk.f32 $0xffff, v2  }
0xb4: {  	v32 =	vadd.f32 v8, v22;
	(xrf2) =	vadd.scan.msk.f32 $0xffff, v29  }
0xb5: {  	v2 =	vmul.f32 v25, v30;
	(xrf2) =	vadd.scan.msk.f32 $0xffff, v31  }
0xb6: {  	v33 =	vmul.f32 v27, v32  }
0xb7: {  	(xrf2) =	vadd.scan.msk.f32 $0xffff, v2  }
0xb8: {  	(xrf2) =	vadd.scan.msk.f32 $0xffff, v33;
	_ =	sdelay $0x1  }
0xb9: {  	v2, _, _ =	vpop (xrf2)  }
0xba: {  	v34, _, _ =	vpop (xrf2);
	v2 =	vperm.xlane v2, v1  }
0xbb: {  	v35, _, _ =	vpop (xrf2);
	v4 =	vperm.xlane v34, v1  }
0xbc: {  	v36, _, _ =	vpop (xrf2);
	v5 =	vperm.xlane v35, v1;
	v2 =	vmul.f32 $1.442695020e+00, v2  }
0xbd: {  	v37, _, _ =	vpop (xrf2);
	v7 =	vperm.xlane v36, v1;
	v4 =	vmul.f32 $1.442695020e+00, v4  }
0xbe: {  	v38, _, _ =	vpop (xrf2);
	v10 =	vperm.xlane v37, v1;
	(erf) = vpow2.f32 v2  }
0xbf: {  	v2 =	vmul.f32 $1.442695020e+00, v5;
	v11 =	vperm.xlane v38, v1  }
0xc0: {  	v39, _, _ =	vpop (xrf2);
	(erf) = vpow2.f32 v4;
	v41 =	vmul.f32 $1.442695020e+00, v7  }
0xc1: {  	v40, _, _ =	vpop (xrf2);
	v13 =	vperm.xlane v39, v1;
	(erf) = vpow2.f32 v2  }
0xc2: {  	v42 =	vld [tilespmem:s31+$0xFFFFFF80];
	v2 =	vmul.f32 $1.442695020e+00, v10;
	v14 =	vperm.xlane v40, v1  }
0xc3: {  	v44 =	vld [tilespmem:s31+$0xFFFFFF90];
	(erf) = vpow2.f32 v41;
	v43 =	vmul.f32 $1.442695020e+00, v11  }
0xc4: {  	v45 =	vld [tilespmem:s31+$0xFFFFFFA0];
	(erf) = vpow2.f32 v2;
	v2 =	vmul.f32 $1.442695020e+00, v13  }
0xc5: {  	v47 =	vld [tilespmem:s31+$0xFFFFFFB0];
	(erf) = vpow2.f32 v43;
	v46 =	vmul.f32 $1.442695020e+00, v14  }
0xc6: {  	v48 =	vld [tilespmem:s31+$0xFFFFFFD0];
	(erf) = vpow2.f32 v2  }
0xc7: {  	v49 =	vld [tilespmem:s31+$0xFFFFFFE0];
	(erf) = vpow2.f32 v46  }
0xc8: {  	v2 =	vld [tilespmem:s31+$0xFFFFFFC0]  }
0xc9: {  	v50 =	vpop (erf)  }
0xca: {  	v3 =	vadd.f32 v42, v3;
	v52 =	vadd.f32 v44, v6;
	v51 =	vpop (erf)  }
0xcb: {  	v54 =	vadd.f32 v45, v9;
	v55 =	vadd.f32 v47, v12;
	v53 =	vpop (erf)  }
0xcc: {  	v58 =	vadd.f32 v49, v21;
	v4 =	vadd.f32 v48, v18;
	v56 =	vpop (erf)  }
0xcd: {  	v60 =	vnsel vm0, $0x0, v50;
	v3 =	vmul.f32 v50, v3;
	v2 =	vadd.f32 v2, v15;
	v57 =	vpop (erf)  }
0xce: {  	v62 =	vld [tilespmem:s31+$0xFFFFFFF0];
	v61 =	vsel vm1, $0x0, v51;
	v5 =	vmul.f32 v51, v52;
	v28 =	vsel vm2, $0x0, v53;
	v59 =	vpop (erf)  }
0xcf: {  	[tilespmem:s0+$0xFFFFFF70] =	vst v3;
	v3 =	vmul.f32 v53, v54;
	v34 =	vadd.f32 v61, v60;
	v29 =	vsel vm3, $0x0, v56;
	v63 =	vpop (erf)  }
0xd0: {  	v33 =	vmul.f32 v56, v55;
	v31 =	vsel vm4, $0x0, v57;
	v35 =	vadd.f32 v29, v28;
	v30 =	vpop (erf)  }
0xd1: {  	[tilespmem:s0+$0xFFFFFF80] =	vst v5;
	v23 =	vsel vm5, $0x0, v59;
	v32 =	vsel vm6, $0x0, v63;
	v24 =	vsel vm7, $0x0, v30  }
0xd2: {  	[tilespmem:s0+$0xFFFFFF90] =	vst v3;
	v2 =	vmul.f32 v57, v2;
	v3 =	vadd.f32 v23, v31;
	v36 =	vadd.f32 v24, v32  }
0xd3: {  	v8 =	vadd.f32 v62, v8;
	[tilespmem:s0+$0xFFFFFFA0] =	vst v33;
	v4 =	vmul.f32 v59, v4  }
0xd4: {  	[tilespmem:s0+$0xFFFFFFB0] =	vst v2;
	v2 =	vmul.f32 v63, v58;
	v37 =	vadd.f32 v35, v34;
	v3 =	vadd.f32 v36, v3  }
0xd5: {  	[tilespmem:s0+$0xFFFFFFC0] =	vst v4;
	v38 =	vmul.f32 v30, v8  }
0xd6: {  	[tilespmem:s0+$0xFFFFFFD0] =	vst v2;
	v2 =	vadd.f32 v3, v37  }
0xd7: {  	[tilespmem:s0+$0xFFFFFFE0] =	vst v38  }
0xd8: {  	[tilespmem:s0+$0xFFFFFFF0] =	vst v2  }
0xd9: {  	v2 =	vld [tilespmem:s31+$0x0]  }
0xda: {  	v3 =	vld [tilespmem:s9+$0x6520]  }
0xdb: {  	v4 =	vld [tilespmem:s9+$0x120]  }
0xdc: {  	v39 =	vld [tilespmem:s31+$0x10]  }
0xdd: {  	v40 =	vld [tilespmem:s9+$0x6530]  }
0xde: {  	v41 =	vld [tilespmem:s9+$0x130]  }
0xdf: {  	v42 =	vld [tilespmem:s31+$0x20]  }
0xe0: {  	v43 =	vld [tilespmem:s9+$0x6540]  }
0xe1: {  	v44 =	vld [tilespmem:s9+$0x140]  }
0xe2: {  	v45 =	vld [tilespmem:s31+$0x30]  }
0xe3: {  	v46 =	vld [tilespmem:s9+$0x6550]  }
0xe4: {  	v47 =	vld [tilespmem:s9+$0x150]  }
0xe5: {  	v48 =	vld [tilespmem:s31+$0x40]  }
0xe6: {  	v49 =	vld [tilespmem:s9+$0x6560]  }
0xe7: {  	v50 =	vld [tilespmem:s9+$0x160]  }
0xe8: {  	v51 =	vld [tilespmem:s31+$0x50]  }
0xe9: {  	v52 =	vld [tilespmem:s9+$0x6570]  }
0xea: {  	v53 =	vld [tilespmem:s9+$0x170]  }
0xeb: {  	v54 =	vld [tilespmem:s31+$0x60];
	v2 =	vadd.f32 v3, v2  }
0xec: {  	v55 =	vld [tilespmem:s9+$0x6580];
	v5 =	vadd.f32 v40, v39  }
0xed: {  	v56 =	vld [tilespmem:s31+$0x70];
	v57 =	vadd.f32 v43, v42;
	v2 =	vmul.f32 v4, v2  }
0xee: {  	v8 =	vld [tilespmem:s9+$0x6590];
	v58 =	vadd.f32 v46, v45;
	v5 =	vmul.f32 v41, v5  }
0xef: {  	v59 =	vld [tilespmem:s9+$0x180];
	v60 =	vadd.f32 v49, v48;
	v4 =	vmul.f32 v44, v57;
	(xrf2) =	vadd.scan.msk.f32 $0xffff, v2  }
0xf0: {  	v61 =	vld [tilespmem:s9+$0x190];
	v62 =	vadd.f32 v52, v51;
	v2 =	vmul.f32 v47, v58;
	(xrf2) =	vadd.scan.msk.f32 $0xffff, v5  }
0xf1: {  	v63 =	vmul.f32 v50, v60;
	(xrf2) =	vadd.scan.msk.f32 $0xffff, v4  }
0xf2: {  	v13 =	vadd.f32 v55, v54;
	v16 =	vmul.f32 v53, v62;
	(xrf2) =	vadd.scan.msk.f32 $0xffff, v2  }
0xf3: {  	v17 =	vadd.f32 v8, v56;
	(xrf2) =	vadd.scan.msk.f32 $0xffff, v63  }
0xf4: {  	v2 =	vmul.f32 v59, v13;
	(xrf2) =	vadd.scan.msk.f32 $0xffff, v16  }
0xf5: {  	v19 =	vmul.f32 v61, v17  }
0xf6: {  	(xrf2) =	vadd.scan.msk.f32 $0xffff, v2  }
0xf7: {  	(xrf2) =	vadd.scan.msk.f32 $0xffff, v19;
	_ =	sdelay $0x1  }
0xf8: {  	v2, _, _ =	vpop (xrf2)  }
0xf9: {  	v20, _, _ =	vpop (xrf2);
	v2 =	vperm.xlane v2, v1  }
0xfa: {  	v22, _, _ =	vpop (xrf2);
	v4 =	vperm.xlane v20, v1  }
0xfb: {  	v23, _, _ =	vpop (xrf2);
	v5 =	vperm.xlane v22, v1;
	v2 =	vmul.f32 $1.442695020e+00, v2  }
0xfc: {  	v24, _, _ =	vpop (xrf2);
	v7 =	vperm.xlane v23, v1;
	v4 =	vmul.f32 $1.442695020e+00, v4  }
0xfd: {  	v25, _, _ =	vpop (xrf2);
	v10 =	vperm.xlane v24, v1;
	(erf) = vpow2.f32 v2  }
0xfe: {  	v2 =	vmul.f32 $1.442695020e+00, v5;
	v11 =	vperm.xlane v25, v1  }
0xff: {  	v26, _, _ =	vpop (xrf2);
	(erf) = vpow2.f32 v4;
	v28 =	vmul.f32 $1.442695020e+00, v7  }
0x100: {  	v27, _, _ =	vpop (xrf2);
	v13 =	vperm.xlane v26, v1;
	(erf) = vpow2.f32 v2  }
0x101: {  	v29 =	vld [tilespmem:s31+$0x80];
	v2 =	vmul.f32 $1.442695020e+00, v10;
	v14 =	vperm.xlane v27, v1  }
0x102: {  	v31 =	vld [tilespmem:s31+$0x90];
	(erf) = vpow2.f32 v28;
	v30 =	vmul.f32 $1.442695020e+00, v11  }
0x103: {  	v32 =	vld [tilespmem:s31+$0xA0];
	(erf) = vpow2.f32 v2;
	v2 =	vmul.f32 $1.442695020e+00, v13  }
0x104: {  	v34 =	vld [tilespmem:s31+$0xB0];
	(erf) = vpow2.f32 v30;
	v33 =	vmul.f32 $1.442695020e+00, v14  }
0x105: {  	v35 =	vld [tilespmem:s31+$0xD0];
	(erf) = vpow2.f32 v2  }
0x106: {  	v37 =	vld [tilespmem:s31+$0xE0];
	(erf) = vpow2.f32 v33  }
0x107: {  	v2 =	vld [tilespmem:s31+$0xC0]  }
0x108: {  	v36 =	vpop (erf)  }
0x109: {  	v3 =	vadd.f32 v29, v3;
	v40 =	vadd.f32 v31, v40;
	v38 =	vpop (erf)  }
0x10a: {  	v42 =	vadd.f32 v32, v43;
	v43 =	vadd.f32 v34, v46;
	v39 =	vpop (erf)  }
0x10b: {  	v46 =	vadd.f32 v37, v55;
	v4 =	vadd.f32 v35, v52;
	v41 =	vpop (erf)  }
0x10c: {  	v47 =	vnsel vm0, $0x0, v36;
	v3 =	vmul.f32 v36, v3;
	v2 =	vadd.f32 v2, v49;
	v44 =	vpop (erf)  }
0x10d: {  	v50 =	vld [tilespmem:s31+$0xF0];
	v48 =	vsel vm1, $0x0, v38;
	v5 =	vmul.f32 v38, v40;
	v51 =	vsel vm2, $0x0, v39;
	v45 =	vpop (erf)  }
0x10e: {  	[tilespmem:s0+$0x0] =	vst v3;
	v3 =	vmul.f32 v39, v42;
	v59 =	vadd.f32 v48, v47;
	v52 =	vsel vm3, $0x0, v41;
	v49 =	vpop (erf)  }
0x10f: {  	v58 =	vmul.f32 v41, v43;
	v54 =	vsel vm4, $0x0, v44;
	v60 =	vadd.f32 v52, v51;
	v53 =	vpop (erf)  }
0x110: {  	[tilespmem:s0+$0x10] =	vst v5;
	v55 =	vsel vm5, $0x0, v45;
	v56 =	vsel vm6, $0x0, v49;
	v57 =	vsel vm7, $0x0, v53  }
0x111: {  	[tilespmem:s0+$0x20] =	vst v3;
	v2 =	vmul.f32 v44, v2;
	v3 =	vadd.f32 v55, v54;
	v61 =	vadd.f32 v57, v56  }
0x112: {  	p0 =	sne.s32 s13, $0x4C00;
	v8 =	vadd.f32 v50, v8;
	[tilespmem:s0+$0x30] =	vst v58;
	v4 =	vmul.f32 v45, v4  }
.Ltmp1:
0x113: {  	[tilespmem:s0+$0x40] =	vst v2;
	v2 =	vmul.f32 v49, v46;
	v62 =	vadd.f32 v60, v59;
	v3 =	vadd.f32 v61, v3;
	(pc) =	sbr.rel @p0 .LBB2_5-.Ltmp1, $4  }
0x114: {  	[tilespmem:s0+$0x50] =	vst v4;
	v63 =	vmul.f32 v53, v8  }
0x115: {  	[tilespmem:s0+$0x60] =	vst v2;
	v2 =	vadd.f32 v3, v62  }
0x116: {  	[tilespmem:s0+$0x70] =	vst v63  }
0x117: {  	s13 =	sadd.s32 $0x400, s13;
	s31 =	sadd.s32 $0x200, s31;
	[tilespmem:s0+$0x80] =	vst v2;
	s0 =	sadd.s32 $0x120, s0  }
0x118: {  	[spmem:s2] =	stream.indirect.scatter.add.f32 [tilespmem:s1], [sflag:$0x6], $0x90, s11, s14, $0xb8;
	[tilespmem:$0x1F720] =	vst v63  }
0x119: {  	p0 =	seq.s32 s28, $0x7C  }
0x11a: {  	_ =	swait.ge [sflag:s10], $0x1680;
	s0 =	sshrl.u32 @!p0 s29, $0x3  }
0x11b: {  	[sflag:s10] =	ssyncset.done $0x0;
	s0 =	sadd.s32 @!p0 s8, s0  }
0x11c: {  	s13 =	simm.s32 @!p0 $0x0;
	[sflag:s10] =	ssyncadd.s32 $0xFFFFE980;
	s9 =	sadd.s32 @!p0 $0xA, s0  }
0x11d: {  	[tilespmem:s13], [sflag:$0x1] =	stream.linear.gather @!p0 [hbm4b:s9+s13], $0x28, $0x38;
	[tilespmem:$0x1F720] =	vst v63  }
0x11e: {  	s0 =	sadd.s32 @!p0 $0x9C4A, s0;
	s9 =	simm.s32 @!p0 $0x50  }
0x11f: {  	[tilespmem:s9], [sflag:$0x1] =	stream.linear.gather @!p0 [hbm4b:s0+s13], $0x28, $0x38;
	[tilespmem:$0x1F720] =	vst v63  }
0x120: {  	_ = 	snop  }
0x121: {  	[tilespmem:s17], [sflag:$0x5] =	stream.indirect.gather [hbm4b:s4+s14], $0x80, s16, s14, $0xb8;
	[tilespmem:$0x1F720] =	vst v63  }
0x122: {  	s31 =	sadd.s32 s25, s30;
	s30 =	simm.s32 $0x0  }
0x123: {  	[tilespmem:s18], [sflag:$0x5] =	stream.linear.gather [hbm4b:s31+s30], $0x1400, $0x38;
	[tilespmem:$0x1F720] =	vst v63  }
0x124: {  	_ =	swait.ge [sflag:s24], $0x2800  }
0x125: {  	[sflag:s24] =	ssyncset.done $0x0  }
0x126: {  	[sflag:s24] =	ssyncadd.s32 $0xFFFFD800  }
0x127: {  	_ =	swait.ge [sflag:s22], $0x1400  }
0x128: {  	[sflag:s22] =	ssyncset.done $0x0  }
0x129: {  	[sflag:s22] =	ssyncadd.s32 $0xFFFFEC00  }
0x12a: {  	_ =	swait.ge [sflag:s22], $0x1400  }
0x12b: {  	[sflag:s22] =	ssyncset.done $0x0  }
0x12c: {  	s0 =	simm.s32 $0x3DA0;
	s13 =	simm.s32 $0x7930;
	[sflag:s22] =	ssyncadd.s32 $0xFFFFEC00  }
.LBB2_7:
0x12d: {  	v2 =	vld [tilespmem:s0+$0xFFFFFF00]  }
0x12e: {  	v5 =	vld [tilespmem:s0+$0xFFFFFF10]  }
0x12f: {  	v8 =	vld [tilespmem:s0+$0xFFFFFF20]  }
0x130: {  	v11 =	vld [tilespmem:s0+$0xFFFFFF30]  }
0x131: {  	v14 =	vld [tilespmem:s0+$0xFFFFFF40]  }
0x132: {  	v17 =	vld [tilespmem:s0+$0xFFFFFF50]  }
0x133: {  	v20 =	vld [tilespmem:s0+$0xFFFFFF60]  }
0x134: {  	s9 =	sshra.s32 s30, $0x2;
	v22 =	vld [tilespmem:s0+$0xFFFFFF70]  }
0x135: {  	v3 =	vld [tilespmem:s9+$0x64A0]  }
0x136: {  	v4 =	vld [tilespmem:s9+$0xA0]  }
0x137: {  	v6 =	vld [tilespmem:s9+$0x64B0]  }
0x138: {  	v7 =	vld [tilespmem:s9+$0xB0]  }
0x139: {  	v9 =	vld [tilespmem:s9+$0x64C0]  }
0x13a: {  	v10 =	vld [tilespmem:s9+$0xC0]  }
0x13b: {  	v12 =	vld [tilespmem:s9+$0x64D0]  }
0x13c: {  	v13 =	vld [tilespmem:s9+$0xD0]  }
0x13d: {  	v15 =	vld [tilespmem:s9+$0x64E0]  }
0x13e: {  	v16 =	vld [tilespmem:s9+$0xE0]  }
0x13f: {  	v18 =	vld [tilespmem:s9+$0x64F0];
	v2 =	vadd.f32 v3, v2  }
0x140: {  	v19 =	vld [tilespmem:s9+$0xF0];
	v5 =	vadd.f32 v6, v5  }
0x141: {  	v21 =	vld [tilespmem:s9+$0x6500];
	v23 =	vadd.f32 v9, v8;
	v2 =	vmul.f32 v4, v2  }
0x142: {  	v8 =	vld [tilespmem:s9+$0x6510];
	v24 =	vadd.f32 v12, v11;
	v5 =	vmul.f32 v7, v5  }
0x143: {  	v25 =	vld [tilespmem:s9+$0x100];
	v26 =	vadd.f32 v15, v14;
	v4 =	vmul.f32 v10, v23;
	(xrf2) =	vadd.scan.msk.f32 $0xffff, v2  }
0x144: {  	v27 =	vld [tilespmem:s9+$0x110];
	v28 =	vadd.f32 v18, v17;
	v2 =	vmul.f32 v13, v24;
	(xrf2) =	vadd.scan.msk.f32 $0xffff, v5  }
0x145: {  	v29 =	vmul.f32 v16, v26;
	(xrf2) =	vadd.scan.msk.f32 $0xffff, v4  }
0x146: {  	v30 =	vadd.f32 v21, v20;
	v31 =	vmul.f32 v19, v28;
	(xrf2) =	vadd.scan.msk.f32 $0xffff, v2  }
0x147: {  	v32 =	vadd.f32 v8, v22;
	(xrf2) =	vadd.scan.msk.f32 $0xffff, v29  }
0x148: {  	v2 =	vmul.f32 v25, v30;
	(xrf2) =	vadd.scan.msk.f32 $0xffff, v31  }
0x149: {  	v33 =	vmul.f32 v27, v32  }
0x14a: {  	(xrf2) =	vadd.scan.msk.f32 $0xffff, v2  }
0x14b: {  	(xrf2) =	vadd.scan.msk.f32 $0xffff, v33;
	_ =	sdelay $0x1  }
0x14c: {  	v2, _, _ =	vpop (xrf2)  }
0x14d: {  	v34, _, _ =	vpop (xrf2);
	v2 =	vperm.xlane v2, v1  }
0x14e: {  	v35, _, _ =	vpop (xrf2);
	v4 =	vperm.xlane v34, v1  }
0x14f: {  	v36, _, _ =	vpop (xrf2);
	v5 =	vperm.xlane v35, v1;
	v2 =	vmul.f32 $1.442695020e+00, v2  }
0x150: {  	v37, _, _ =	vpop (xrf2);
	v7 =	vperm.xlane v36, v1;
	v4 =	vmul.f32 $1.442695020e+00, v4  }
0x151: {  	v38, _, _ =	vpop (xrf2);
	v10 =	vperm.xlane v37, v1;
	(erf) = vpow2.f32 v2  }
0x152: {  	v2 =	vmul.f32 $1.442695020e+00, v5;
	v11 =	vperm.xlane v38, v1  }
0x153: {  	v39, _, _ =	vpop (xrf2);
	(erf) = vpow2.f32 v4;
	v41 =	vmul.f32 $1.442695020e+00, v7  }
0x154: {  	v40, _, _ =	vpop (xrf2);
	v13 =	vperm.xlane v39, v1;
	(erf) = vpow2.f32 v2  }
0x155: {  	v42 =	vld [tilespmem:s0+$0xFFFFFF80];
	v2 =	vmul.f32 $1.442695020e+00, v10;
	v14 =	vperm.xlane v40, v1  }
0x156: {  	v44 =	vld [tilespmem:s0+$0xFFFFFF90];
	(erf) = vpow2.f32 v41;
	v43 =	vmul.f32 $1.442695020e+00, v11  }
0x157: {  	v45 =	vld [tilespmem:s0+$0xFFFFFFA0];
	(erf) = vpow2.f32 v2;
	v2 =	vmul.f32 $1.442695020e+00, v13  }
0x158: {  	v47 =	vld [tilespmem:s0+$0xFFFFFFB0];
	(erf) = vpow2.f32 v43;
	v46 =	vmul.f32 $1.442695020e+00, v14  }
0x159: {  	v48 =	vld [tilespmem:s0+$0xFFFFFFD0];
	(erf) = vpow2.f32 v2  }
0x15a: {  	v49 =	vld [tilespmem:s0+$0xFFFFFFE0];
	(erf) = vpow2.f32 v46  }
0x15b: {  	v2 =	vld [tilespmem:s0+$0xFFFFFFC0]  }
0x15c: {  	v50 =	vpop (erf)  }
0x15d: {  	v3 =	vadd.f32 v42, v3;
	v52 =	vadd.f32 v44, v6;
	v51 =	vpop (erf)  }
0x15e: {  	v54 =	vadd.f32 v45, v9;
	v55 =	vadd.f32 v47, v12;
	v53 =	vpop (erf)  }
0x15f: {  	v58 =	vadd.f32 v49, v21;
	v4 =	vadd.f32 v48, v18;
	v56 =	vpop (erf)  }
0x160: {  	v60 =	vnsel vm0, $0x0, v50;
	v3 =	vmul.f32 v50, v3;
	v2 =	vadd.f32 v2, v15;
	v57 =	vpop (erf)  }
0x161: {  	v62 =	vld [tilespmem:s0+$0xFFFFFFF0];
	v61 =	vsel vm1, $0x0, v51;
	v5 =	vmul.f32 v51, v52;
	v28 =	vsel vm2, $0x0, v53;
	v59 =	vpop (erf)  }
0x162: {  	[tilespmem:s13+$0xFFFFFF70] =	vst v3;
	v3 =	vmul.f32 v53, v54;
	v34 =	vadd.f32 v61, v60;
	v29 =	vsel vm3, $0x0, v56;
	v63 =	vpop (erf)  }
0x163: {  	v33 =	vmul.f32 v56, v55;
	v31 =	vsel vm4, $0x0, v57;
	v35 =	vadd.f32 v29, v28;
	v30 =	vpop (erf)  }
0x164: {  	[tilespmem:s13+$0xFFFFFF80] =	vst v5;
	v23 =	vsel vm5, $0x0, v59;
	v32 =	vsel vm6, $0x0, v63;
	v24 =	vsel vm7, $0x0, v30  }
0x165: {  	[tilespmem:s13+$0xFFFFFF90] =	vst v3;
	v2 =	vmul.f32 v57, v2;
	v3 =	vadd.f32 v23, v31;
	v36 =	vadd.f32 v24, v32  }
0x166: {  	v8 =	vadd.f32 v62, v8;
	[tilespmem:s13+$0xFFFFFFA0] =	vst v33;
	v4 =	vmul.f32 v59, v4  }
0x167: {  	[tilespmem:s13+$0xFFFFFFB0] =	vst v2;
	v2 =	vmul.f32 v63, v58;
	v37 =	vadd.f32 v35, v34;
	v3 =	vadd.f32 v36, v3  }
0x168: {  	[tilespmem:s13+$0xFFFFFFC0] =	vst v4;
	v38 =	vmul.f32 v30, v8  }
0x169: {  	[tilespmem:s13+$0xFFFFFFD0] =	vst v2;
	v2 =	vadd.f32 v3, v37  }
0x16a: {  	[tilespmem:s13+$0xFFFFFFE0] =	vst v38  }
0x16b: {  	[tilespmem:s13+$0xFFFFFFF0] =	vst v2  }
0x16c: {  	v2 =	vld [tilespmem:s0+$0x0]  }
0x16d: {  	v3 =	vld [tilespmem:s9+$0x6520]  }
0x16e: {  	v4 =	vld [tilespmem:s9+$0x120]  }
0x16f: {  	v39 =	vld [tilespmem:s0+$0x10]  }
0x170: {  	v40 =	vld [tilespmem:s9+$0x6530]  }
0x171: {  	v41 =	vld [tilespmem:s9+$0x130]  }
0x172: {  	v42 =	vld [tilespmem:s0+$0x20]  }
0x173: {  	v43 =	vld [tilespmem:s9+$0x6540]  }
0x174: {  	v44 =	vld [tilespmem:s9+$0x140]  }
0x175: {  	v45 =	vld [tilespmem:s0+$0x30]  }
0x176: {  	v46 =	vld [tilespmem:s9+$0x6550]  }
0x177: {  	v47 =	vld [tilespmem:s9+$0x150]  }
0x178: {  	v48 =	vld [tilespmem:s0+$0x40]  }
0x179: {  	v49 =	vld [tilespmem:s9+$0x6560]  }
0x17a: {  	v50 =	vld [tilespmem:s9+$0x160]  }
0x17b: {  	v51 =	vld [tilespmem:s0+$0x50]  }
0x17c: {  	v52 =	vld [tilespmem:s9+$0x6570]  }
0x17d: {  	v53 =	vld [tilespmem:s9+$0x170]  }
0x17e: {  	v54 =	vld [tilespmem:s0+$0x60];
	v2 =	vadd.f32 v3, v2  }
0x17f: {  	v55 =	vld [tilespmem:s9+$0x6580];
	v5 =	vadd.f32 v40, v39  }
0x180: {  	v56 =	vld [tilespmem:s0+$0x70];
	v57 =	vadd.f32 v43, v42;
	v2 =	vmul.f32 v4, v2  }
0x181: {  	v8 =	vld [tilespmem:s9+$0x6590];
	v58 =	vadd.f32 v46, v45;
	v5 =	vmul.f32 v41, v5  }
0x182: {  	v59 =	vld [tilespmem:s9+$0x180];
	v60 =	vadd.f32 v49, v48;
	v4 =	vmul.f32 v44, v57;
	(xrf2) =	vadd.scan.msk.f32 $0xffff, v2  }
0x183: {  	v61 =	vld [tilespmem:s9+$0x190];
	v62 =	vadd.f32 v52, v51;
	v2 =	vmul.f32 v47, v58;
	(xrf2) =	vadd.scan.msk.f32 $0xffff, v5  }
0x184: {  	v63 =	vmul.f32 v50, v60;
	(xrf2) =	vadd.scan.msk.f32 $0xffff, v4  }
0x185: {  	v13 =	vadd.f32 v55, v54;
	v16 =	vmul.f32 v53, v62;
	(xrf2) =	vadd.scan.msk.f32 $0xffff, v2  }
0x186: {  	v17 =	vadd.f32 v8, v56;
	(xrf2) =	vadd.scan.msk.f32 $0xffff, v63  }
0x187: {  	v2 =	vmul.f32 v59, v13;
	(xrf2) =	vadd.scan.msk.f32 $0xffff, v16  }
0x188: {  	v19 =	vmul.f32 v61, v17  }
0x189: {  	(xrf2) =	vadd.scan.msk.f32 $0xffff, v2  }
0x18a: {  	(xrf2) =	vadd.scan.msk.f32 $0xffff, v19;
	_ =	sdelay $0x1  }
0x18b: {  	v2, _, _ =	vpop (xrf2)  }
0x18c: {  	v20, _, _ =	vpop (xrf2);
	v2 =	vperm.xlane v2, v1  }
0x18d: {  	v22, _, _ =	vpop (xrf2);
	v4 =	vperm.xlane v20, v1  }
0x18e: {  	v23, _, _ =	vpop (xrf2);
	v5 =	vperm.xlane v22, v1;
	v2 =	vmul.f32 $1.442695020e+00, v2  }
0x18f: {  	v24, _, _ =	vpop (xrf2);
	v7 =	vperm.xlane v23, v1;
	v4 =	vmul.f32 $1.442695020e+00, v4  }
0x190: {  	v25, _, _ =	vpop (xrf2);
	v10 =	vperm.xlane v24, v1;
	(erf) = vpow2.f32 v2  }
0x191: {  	v2 =	vmul.f32 $1.442695020e+00, v5;
	v11 =	vperm.xlane v25, v1  }
0x192: {  	v26, _, _ =	vpop (xrf2);
	(erf) = vpow2.f32 v4;
	v28 =	vmul.f32 $1.442695020e+00, v7  }
0x193: {  	v27, _, _ =	vpop (xrf2);
	v13 =	vperm.xlane v26, v1;
	(erf) = vpow2.f32 v2  }
0x194: {  	v29 =	vld [tilespmem:s0+$0x80];
	v2 =	vmul.f32 $1.442695020e+00, v10;
	v14 =	vperm.xlane v27, v1  }
0x195: {  	v31 =	vld [tilespmem:s0+$0x90];
	(erf) = vpow2.f32 v28;
	v30 =	vmul.f32 $1.442695020e+00, v11  }
0x196: {  	v32 =	vld [tilespmem:s0+$0xA0];
	(erf) = vpow2.f32 v2;
	v2 =	vmul.f32 $1.442695020e+00, v13  }
0x197: {  	v34 =	vld [tilespmem:s0+$0xB0];
	(erf) = vpow2.f32 v30;
	v33 =	vmul.f32 $1.442695020e+00, v14  }
0x198: {  	v35 =	vld [tilespmem:s0+$0xD0];
	(erf) = vpow2.f32 v2  }
0x199: {  	v37 =	vld [tilespmem:s0+$0xE0];
	(erf) = vpow2.f32 v33  }
0x19a: {  	v2 =	vld [tilespmem:s0+$0xC0]  }
0x19b: {  	v36 =	vpop (erf)  }
0x19c: {  	v3 =	vadd.f32 v29, v3;
	v40 =	vadd.f32 v31, v40;
	v38 =	vpop (erf)  }
0x19d: {  	v42 =	vadd.f32 v32, v43;
	v43 =	vadd.f32 v34, v46;
	v39 =	vpop (erf)  }
0x19e: {  	v46 =	vadd.f32 v37, v55;
	v4 =	vadd.f32 v35, v52;
	v41 =	vpop (erf)  }
0x19f: {  	v47 =	vnsel vm0, $0x0, v36;
	v3 =	vmul.f32 v36, v3;
	v2 =	vadd.f32 v2, v49;
	v44 =	vpop (erf)  }
0x1a0: {  	v50 =	vld [tilespmem:s0+$0xF0];
	v48 =	vsel vm1, $0x0, v38;
	v5 =	vmul.f32 v38, v40;
	v51 =	vsel vm2, $0x0, v39;
	v45 =	vpop (erf)  }
0x1a1: {  	[tilespmem:s13+$0x0] =	vst v3;
	v3 =	vmul.f32 v39, v42;
	v59 =	vadd.f32 v48, v47;
	v52 =	vsel vm3, $0x0, v41;
	v49 =	vpop (erf)  }
0x1a2: {  	v58 =	vmul.f32 v41, v43;
	v54 =	vsel vm4, $0x0, v44;
	v60 =	vadd.f32 v52, v51;
	v53 =	vpop (erf)  }
0x1a3: {  	[tilespmem:s13+$0x10] =	vst v5;
	v55 =	vsel vm5, $0x0, v45;
	v56 =	vsel vm6, $0x0, v49;
	v57 =	vsel vm7, $0x0, v53  }
0x1a4: {  	[tilespmem:s13+$0x20] =	vst v3;
	v2 =	vmul.f32 v44, v2;
	v3 =	vadd.f32 v55, v54;
	v61 =	vadd.f32 v57, v56  }
0x1a5: {  	p1 =	sne.s32 s30, $0x4C00;
	v8 =	vadd.f32 v50, v8;
	[tilespmem:s13+$0x30] =	vst v58;
	v4 =	vmul.f32 v45, v4  }
.Ltmp2:
0x1a6: {  	[tilespmem:s13+$0x40] =	vst v2;
	v2 =	vmul.f32 v49, v46;
	v62 =	vadd.f32 v60, v59;
	v3 =	vadd.f32 v61, v3;
	(pc) =	sbr.rel @p1 .LBB2_7-.Ltmp2, $4  }
0x1a7: {  	[tilespmem:s13+$0x50] =	vst v4;
	v63 =	vmul.f32 v53, v8  }
0x1a8: {  	[tilespmem:s13+$0x60] =	vst v2;
	v2 =	vadd.f32 v3, v62  }
0x1a9: {  	[tilespmem:s13+$0x70] =	vst v63  }
0x1aa: {  	s30 =	sadd.s32 $0x400, s30;
	s0 =	sadd.s32 $0x200, s0;
	[tilespmem:s13+$0x80] =	vst v2;
	s13 =	sadd.s32 $0x120, s13  }
.Ltmp3:
0x1ab: {  	(pc) =	sbr.rel @p0 .LBB2_10-.Ltmp3, $4  }
0x1ac: {  	[spmem:s2] =	stream.indirect.scatter.add.f32 [tilespmem:s1], [sflag:$0x6], $0x90, s16, s14, $0xb8;
	[tilespmem:$0x1F720] =	vst v63  }
0x1ad: {  	_ =	swait.ge [sflag:s10], $0x1680  }
0x1ae: {  	[sflag:s10] =	ssyncset.done $0x0  }
0x1af: {  	[sflag:s10] =	ssyncadd.s32 $0xFFFFE980  }
0x1b0: {  	_ =	swait.ge [sflag:s12], $0x28  }
0x1b1: {  	[sflag:s12] =	ssyncset.done $0x0  }
0x1b2: {  	[sflag:s12] =	ssyncadd.s32 $0xFFFFFFD8  }
0x1b3: {  	_ =	swait.ge [sflag:s12], $0x28  }
0x1b4: {  	s0 =	sadd.s32 $0x78, s29;
	[sflag:s12] =	ssyncset.done $0x0  }
0x1b5: {  	s0 =	sshrl.u32 s0, $0x3;
	[sflag:s12] =	ssyncadd.s32 $0xFFFFFFD8  }
0x1b6: {  	[tilespmem:s15], [sflag:$0x3] =	stream.indirect.gather [hbm4b:s6+s14], $0x100, s3, s14, $0xb8;
	[tilespmem:$0x1F720] =	vst v63  }
.Ltmp4:
0x1b7: {  	s31 =	sadd.s32 $0x4E278, s29;
	s0 =	sadd.s32 s8, s0;
	(pc) =	sbr.rel .LBB2_4-.Ltmp4, $4  }
0x1b8: {  	[tilespmem:s14], [sflag:$0x2] =	stream.linear.gather [hbm4b:s0+s3], $0x28, $0x38;
	[tilespmem:$0x1F720] =	vst v63  }
0x1b9: {  	s0 =	sshrl.u32 s31, $0x3  }
0x1ba: {  	s28 =	sadd.s32 $0x1, s28;
	s0 =	sadd.s32 s8, s0  }
0x1bb: {  	[tilespmem:s16], [sflag:$0x2] =	stream.linear.gather [hbm4b:s0+s3], $0x28, $0x38;
	[tilespmem:$0x1F720] =	vst v63  }
.LBB2_10:
0x1bc: {  	[bflag:$0x0] =	sbarrier.arrive $0xFFFF  }
0x1bd: {  	s26 =	rddreg [dreg:$0x8]  }
0x1be: {  	[tilespmem:s1], [sflag:$0x6] =	stream.linear.gather [spmem:s26], $0x1680, $0x38;
	[tilespmem:$0x1F720] =	vst v63  }
0x1bf: {  	_ =	swait.ge [sflag:s10], $0x1680  }
0x1c0: {  	[sflag:s10] =	ssyncset.done $0x0  }
0x1c1: {  	s0 =	sadd.s32 $0x0, s23;
	[sflag:s10] =	ssyncadd.s32 $0xFFFFE980  }
0x1c2: {  	[hbm4b:s0+s3] =	stream.linear.scatter [tilespmem:s1], [sflag:$0x6], $0x1680, $0x38;
	[tilespmem:$0x1F720] =	vst v63  }
0x1c3: {  	_ =	swait.ge [sflag:s10], $0x1680  }
0x1c4: {  	s9 =	smov.u32 s26;
	s0 =	simm.s32 $0x2D0;
	[sflag:s10] =	ssyncset.done $0x0  }
.LBB2_11:
0x1c5: {  	p0 =	sne.s32 s0, $0x2A30;
	[sflag:s10] =	ssyncadd.s32 $0xFFFFE980;
	s9 =	sadd.s32 $0x1680, s9  }
0x1c6: {  	[tilespmem:s1], [sflag:$0x6] =	stream.linear.gather [spmem:s9], $0x1680, $0x38;
	[tilespmem:$0x1F720] =	vst v63  }
0x1c7: {  	s13 =	smov.u32 s0;
	s0 =	sadd.s32 $0x2D0, s0;
	_ =	swait.ge [sflag:s10], $0x1680  }
.Ltmp5:
0x1c8: {  	[sflag:s10] =	ssyncset.done $0x0;
	(pc) =	sbr.rel @p0 .LBB2_11-.Ltmp5, $4  }
0x1c9: {  	s13 =	sadd.s32 s13, s23;
	[sflag:s10] =	ssyncadd.s32 $0xFFFFE980  }
0x1ca: {  	[hbm4b:s13+s3] =	stream.linear.scatter [tilespmem:s1], [sflag:$0x6], $0x1680, $0x38;
	[tilespmem:$0x1F720] =	vst v63  }
0x1cb: {  	_ =	swait.ge [sflag:s10], $0x1680  }
0x1cc: {  	[sflag:s10] =	ssyncset.done $0x0  }
0x1cd: {  	s9 =	rddreg [dreg:$0x19]  }
0x1ce: {  	s0 =	rddreg [dreg:$0x9];
	s9 =	sadd.s32 $0x1, s9  }
0x1cf: {  	p0 =	sne.s32 s9, s0  }
.Ltmp6:
0x1d0: {  	_ = 	snop;
	(pc) =	sbr.rel @p0 .LBB2_1-.Ltmp6, $2  }
0x1d1: {  	_ =	sdelay $0x2  }
0x1d2: {  	[sflag:s10] =	ssyncadd.s32 $0xFFFFE980  }
0x1d3: {  	_ =	sfence.sel $0x180000  }
0x1d4: {  	[bflag:$0x0] =	sbarrier.arrive $0xFFFF  }
0x1d5: {  	_ =	strace $0x90000047  }
0x1d6: {  	s0 =	stileid.u32;
	[bflag:$0x2] =	sbarrier.arrive $0xFFFF  }
0x1d7: {  	p0 =	sne.s32 s0, $0x0;
	s0 =	rddreg [dreg:$0x3]  }
0x1d8: {  	s0 =	sadd.s32 @!p0 $0x100000, s0  }
0x1d9: {  	[sflag:s0] =	ssyncadd.tile.s32 @!p0 $0x1;
	_ =	shalt  }
.Lfunc_end2:
_tile_overlayer_lowered:
.L_overlay_start_2:
0x1da: {  	(tag) =	ssettag $0x2  }
0x1db: {  	s0 =	rddreg [dreg:$0x0];
	s2 =	stileid.u32  }
0x1dc: {  	s1 =	rddreg [dreg:$0x1];
	p0 =	sne.s32 s2, $0x0  }
0x1dd: {  	s3 =	rddreg [dreg:$0x2];
	[bflag:$0x3] =	sbarrier.arrive $0xFFFF;
	s2 =	simm.s32 @!p0 $0x1C06  }
0x1de: {  	[timem:s3], [sflag:s2] =	dma.local @!p0 [hbm:s0], s1  }
0x1df: {  	s0 =	simm.s32 @!p0 $0x6  }
0x1e0: {  	_ =	swait.ge @!p0 [sflag:s0], s1  }
0x1e1: {  	s1 =	ssub.s32 @!p0 $0x0, s1;
	[sflag:s0] =	ssyncset.done @!p0 $0x0  }
0x1e2: {  	[sflag:s0] =	ssyncadd.s32 @!p0 s1  }
0x1e3: {  	[bflag:$0x3] =	sbarrier.arrive $0xFFFF  }
0x1e4: {  	_ =	shalt  }

</sc_bundles>
